<compile_context>
chip_gen: v7x
topology: tpu7x:2x2x1
jax: 0.10.2.dev20260603
libtpu: 0.0.44.dev20260713+nightly
codegen_flags: <defaults>
</compile_context>

<pallas_src>
import functools

import jax
import jax.numpy as jnp
from jax import lax
from jax.experimental import pallas as pl
from jax.experimental.pallas import tpu as pltpu
from jax.experimental.pallas import tpu_sc as plsc

N = 10000
E = 320000
D = 128
G = 64

NC = 2
NS = 16
NW = NC * NS
CHUNK = 128
EPW = 79
E_PAD = NW * EPW * CHUNK
EPW0 = 80
EPW1 = 80
NCHT = NS * (EPW0 + EPW1)
RPT = 640
N_PAD = NS * RPT
RPT_D = 640
N_PAD_D = NS * RPT_D
SHIFT = 14
MASK = (1 << SHIFT) - 1


def _sc_degree(packed):
    mesh = plsc.VectorSubcoreMesh(core_axis_name="c", subcore_axis_name="s")

    @functools.partial(
        pl.kernel,
        mesh=mesh,
        out_type=jax.ShapeDtypeStruct((NC, N_PAD_D), jnp.float32),
        scratch_types=[
            pltpu.VMEM((EPW, CHUNK), jnp.int32),
            pltpu.VMEM((CHUNK,), jnp.float32),
            pltpu.VMEM((RPT_D,), jnp.float32),
            pltpu.VMEM_SHARED((N_PAD_D,), jnp.float32),
        ],
    )
    def deg_kernel(pk_hbm, out_hbm, pk_v, ones_v, z_v, acc_s):
        c = lax.axis_index("c")
        s = lax.axis_index("s")
        w = c * NS + s
        pltpu.sync_copy(pk_hbm.at[w], pk_v)
        for i in range(CHUNK // 16):
            ones_v[pl.ds(i * 16, 16)] = jnp.ones((16,), jnp.float32)
        for i in range(RPT_D // 16):
            z_v[pl.ds(i * 16, 16)] = jnp.zeros((16,), jnp.float32)
        pltpu.sync_copy(z_v, acc_s.at[pl.ds(s * RPT_D, RPT_D)])

        def unpack(r, carry):
            for i in range(CHUNK // 16):
                v = pk_v[r, pl.ds(i * 16, 16)]
                pk_v[r, pl.ds(i * 16, 16)] = jnp.bitwise_and(v, MASK)
            return carry

        lax.fori_loop(0, EPW, unpack, 0)
        plsc.subcore_barrier()

        def body(j, carry):
            pltpu.sync_copy(ones_v, acc_s.at[pk_v.at[j]], add=True)
            return carry

        lax.fori_loop(0, EPW, body, 0)
        plsc.subcore_barrier()
        pltpu.sync_copy(acc_s.at[pl.ds(s * RPT_D, RPT_D)],
                        out_hbm.at[c, pl.ds(s * RPT_D, RPT_D)])

    return deg_kernel(packed)


def _sc_aggregate(hs, packed):
    mesh = plsc.VectorSubcoreMesh(core_axis_name="c", subcore_axis_name="s")

    @functools.partial(
        pl.kernel,
        mesh=mesh,
        out_type=jax.ShapeDtypeStruct((NC, N_PAD, D), jnp.float32),
        scratch_types=[
            pltpu.VMEM((EPW, CHUNK), jnp.int32),
            pltpu.VMEM((EPW, CHUNK), jnp.int32),
            pltpu.VMEM((CHUNK, D), jnp.float32),
            pltpu.VMEM_SHARED((N_PAD, D), jnp.float32),
            pltpu.SemaphoreType.DMA,
        ],
    )
    def agg_kernel(hs_hbm, pk_hbm, out_hbm,
                   pk_v, src_v, buf_v, acc_s, sem):
        c = lax.axis_index("c")
        s = lax.axis_index("s")
        w = c * NS + s
        pltpu.sync_copy(pk_hbm.at[w], pk_v)

        def zrow(r, carry):
            for i in range(D // 16):
                buf_v[r, pl.ds(i * 16, 16)] = jnp.zeros((16,), jnp.float32)
            return carry

        lax.fori_loop(0, CHUNK, zrow, 0)
        base = s * RPT
        for t in range(RPT // CHUNK):
            pltpu.sync_copy(buf_v, acc_s.at[pl.ds(base + t * CHUNK, CHUNK)])

        def unpack(r, carry):
            for i in range(CHUNK // 16):
                v = pk_v[r, pl.ds(i * 16, 16)]
                src_v[r, pl.ds(i * 16, 16)] = jnp.right_shift(v, SHIFT)
                pk_v[r, pl.ds(i * 16, 16)] = jnp.bitwise_and(v, MASK)
            return carry

        lax.fori_loop(0, EPW, unpack, 0)
        plsc.subcore_barrier()

        def body(j, carry):
            pltpu.async_copy(hs_hbm.at[src_v.at[j]], buf_v, sem).wait()
            pltpu.sync_copy(buf_v, acc_s.at[pk_v.at[j]], add=True)
            return carry

        lax.fori_loop(0, EPW, body, 0)
        plsc.subcore_barrier()
        pltpu.sync_copy(acc_s.at[pl.ds(base, RPT)],
                        out_hbm.at[c, pl.ds(base, RPT)])

    return agg_kernel(hs, packed)


def _tc_scale_matmul(x, W1, deg_col):

    def body(x_ref, w_ref, deg_ref, out_ref):
        dinv = lax.rsqrt(deg_ref[...] + 1.0)
        h = jnp.dot(x_ref[...], w_ref[...], preferred_element_type=jnp.float32)
        out_ref[...] = h * dinv

    return pl.pallas_call(
        body,
        out_shape=jax.ShapeDtypeStruct((N, D), jnp.float32),
    )(x, W1, deg_col)


def _tc_mid(deg_col, p1, hs1, b1, gamma, beta, run_mean, run_var, W2):

    def body(deg_ref, p_ref, hs_ref, b1_ref, g_ref, be_ref, rm_ref, rv_ref,
             w_ref, out_ref):
        dinv = lax.rsqrt(deg_ref[...] + 1.0)
        agg = (p_ref[0, pl.ds(0, N), :] + p_ref[1, pl.ds(0, N), :]
               + hs_ref[...])
        out1 = agg * dinv + b1_ref[...]
        scale = g_ref[...] * lax.rsqrt(rv_ref[...] + 1e-5)
        h = (out1 - rm_ref[...]) * scale + be_ref[...]
        h = jnp.maximum(h, 0.0)
        h2 = jnp.dot(h, w_ref[...], preferred_element_type=jnp.float32)
        out_ref[...] = h2 * dinv

    return pl.pallas_call(
        body,
        out_shape=jax.ShapeDtypeStruct((N, D), jnp.float32),
    )(deg_col, p1, hs1, b1, gamma, beta, run_mean, run_var, W2)


def _tc_head(deg_col, p2, hs2, b2, batch_row, fc1_W, fc1_b, cls_W, cls_b):

    def body(deg_ref, p_ref, hs_ref, b2_ref, batch_ref, fw_ref, fb_ref,
             cw_ref, cb_ref, out_ref):
        dinv = lax.rsqrt(deg_ref[...] + 1.0)
        agg = (p_ref[0, pl.ds(0, N), :] + p_ref[1, pl.ds(0, N), :]
               + hs_ref[...])
        out2 = agg * dinv + b2_ref[...]
        seg = lax.broadcasted_iota(jnp.int32, (G, N), 0)
        onehot = (seg == batch_ref[...]).astype(jnp.float32)
        sums = jnp.dot(onehot, out2, preferred_element_type=jnp.float32,
                       precision=lax.Precision.HIGHEST)
        cnt = jnp.sum(onehot, axis=1, keepdims=True)
        pooled = sums / jnp.maximum(cnt, 1.0)
        h = jnp.dot(pooled, fw_ref[...], preferred_element_type=jnp.float32)
        h = jnp.maximum(h + fb_ref[...], 0.0)
        out_ref[...] = jnp.dot(h, cw_ref[...],
                               preferred_element_type=jnp.float32) + cb_ref[...]

    return pl.pallas_call(
        body,
        out_shape=jax.ShapeDtypeStruct((G, 2), jnp.float32),
    )(deg_col, p2, hs2, b2, batch_row, fc1_W, fc1_b, cls_W, cls_b)


def kernel(x, edge_index, batch, W1, b1, gamma, beta, run_mean, run_var,
           W2, b2, fc1_W, fc1_b, cls_W, cls_b):
    src = edge_index[0]
    dst = edge_index[1]
    pad = E_PAD - E
    packed = src * (MASK + 1) + dst
    packed = jnp.concatenate([packed, jnp.full((pad,), N, packed.dtype)])
    packed = packed.reshape(NW, EPW, CHUNK)

    deg_parts = _sc_degree(packed)
    deg_col = (deg_parts[0, :N] + deg_parts[1, :N]).reshape(N, 1)

    hs1 = _tc_scale_matmul(x, W1, deg_col)
    p1 = _sc_aggregate(hs1, packed)
    hs2 = _tc_mid(deg_col, p1, hs1, b1.reshape(1, D), gamma.reshape(1, D),
                  beta.reshape(1, D), run_mean.reshape(1, D),
                  run_var.reshape(1, D), W2)
    p2 = _sc_aggregate(hs2, packed)
    out = _tc_head(deg_col, p2, hs2, b2.reshape(1, D), batch.reshape(1, N),
                   fc1_W, fc1_b.reshape(1, D // 2), cls_W, cls_b.reshape(1, 2))
    return out

# --- scband reference (transcript-rebuilt; emitter-appended) ---
"""Pipeline reference for scband-hpnf-7146825580852 (READ-ONLY COPY).

The authoritative reference and input builder live on the scoring server;
editing this copy changes nothing except your own understanding.
"""

import jax, jax.numpy as jnp
import numpy as np

N = 10000
E = 320000
D_IN = 128
HID = 128
G = 64


def setup_inputs(seed: int = 0) -> dict:
    key = jax.random.key(seed)
    ks = jax.random.split(key, 16)
    x = jax.random.normal(ks[0], (N, D_IN), dtype=jnp.float32)
    edge_index = jax.random.randint(ks[1], (2, E), 0, N)
    batch = jnp.sort(jax.random.randint(ks[2], (N,), 0, G))
    W1 = jax.random.normal(ks[3], (D_IN, HID), dtype=jnp.float32) / np.sqrt(D_IN)
    b1 = jnp.zeros((HID,), jnp.float32)
    gamma = jnp.ones((HID,), jnp.float32)
    beta = jnp.zeros((HID,), jnp.float32)
    run_mean = jnp.zeros((HID,), jnp.float32)
    run_var = jnp.ones((HID,), jnp.float32)
    W2 = jax.random.normal(ks[4], (HID, HID), dtype=jnp.float32) / np.sqrt(HID)
    b2 = jnp.zeros((HID,), jnp.float32)
    fc1_W = jax.random.normal(ks[5], (HID, HID // 2), dtype=jnp.float32) / np.sqrt(HID)
    fc1_b = jnp.zeros((HID // 2,), jnp.float32)
    cls_W = jax.random.normal(ks[6], (HID // 2, 2), dtype=jnp.float32) / np.sqrt(HID // 2)
    cls_b = jnp.zeros((2,), jnp.float32)
    return {"x": x, "edge_index": edge_index, "batch": batch, "W1": W1, "b1": b1,
            "gamma": gamma, "beta": beta, "run_mean": run_mean, "run_var": run_var,
            "W2": W2, "b2": b2, "fc1_W": fc1_W, "fc1_b": fc1_b, "cls_W": cls_W, "cls_b": cls_b}


def _gcn_conv(h_in, edge_index, W, b):
    # PyG GCNConv: linear transform, add self loops, symmetric normalization, scatter-add
    h = h_in @ W
    src = edge_index[0]
    dst = edge_index[1]
    loop = jnp.arange(N, dtype=src.dtype)
    src = jnp.concatenate([src, loop])
    dst = jnp.concatenate([dst, loop])
    deg = jnp.zeros((N,), jnp.float32).at[dst].add(1.0)
    dinv = jnp.where(deg > 0, jax.lax.rsqrt(jnp.maximum(deg, 1e-12)), 0.0)
    norm = dinv[src] * dinv[dst]
    msg = h[src] * norm[:, None]
    out = jnp.zeros((N, h.shape[1]), jnp.float32).at[dst].add(msg)
    return out + b


def reference(x, edge_index, batch, W1, b1, gamma, beta, run_mean, run_var, W2, b2, fc1_W, fc1_b, cls_W, cls_b):
    h = _gcn_conv(x, edge_index, W1, b1)
    # BatchNorm1d in eval mode (running stats)
    h = (h - run_mean) / jnp.sqrt(run_var + 1e-5) * gamma + beta
    h = jax.nn.relu(h)
    # dropout is identity in eval mode
    h = _gcn_conv(h, edge_index, W2, b2)
    # global_mean_pool over batch assignment
    sums = jax.ops.segment_sum(h, batch, num_segments=G)
    cnt = jax.ops.segment_sum(jnp.ones((N,), jnp.float32), batch, num_segments=G)
    pooled = sums / jnp.maximum(cnt, 1.0)[:, None]
    h = jax.nn.relu(pooled @ fc1_W + fc1_b)
    out = h @ cls_W + cls_b
    return out

if __name__ == "__main__":
    import jax
    _d = setup_inputs()
    print(jax.jit(kernel)(*tuple(_d.values())))

</pallas_src>

<mosaic_0001>
#map = affine_map<(d0, d1) -> (0, 0)>
#map1 = affine_map<(d0, d1) -> (0, 0, 0)>
module attributes {stable_mosaic.version = 14 : i64} {
  func.func @agg_kernel(%arg0: i32, %arg1: i32, %arg2: memref<10000x128xf32, #tpu.memory_space<hbm>>, %arg3: memref<32x79x128xi32, #tpu.memory_space<hbm>>, %arg4: memref<2x10240x128xf32, #tpu.memory_space<hbm>>, %arg5: memref<79x128xi32, #tpu.memory_space<vmem>>, %arg6: memref<79x128xi32, #tpu.memory_space<vmem>>, %arg7: memref<128x128xf32, #tpu.memory_space<vmem>>, %arg8: memref<10240x128xf32, #tpu.memory_space<vmem_shared>>, %arg9: memref<!tpu.dma_semaphore, #tpu.memory_space<semaphore_mem>>) attributes {dimension_semantics = [#tpu.dimension_semantics<core_parallel>, #tpu.dimension_semantics<subcore_parallel>], iteration_bounds = array<i64: 2, 16>, scalar_prefetch = 0 : i64, scratch_operands = 5 : i64, tpu.core_type = #tpu.core_type<sc_vector_subcore>, window_params = [{transform_indices = #map}, {transform_indices = #map1}, {transform_indices = #map1}]} {
    %mul3A = arith.constant 16 : i32
    %mul3A_0 = arith.muli %arg0, %mul3A : i32
    %add3A = arith.addi %mul3A_0, %arg1 : i32
    "tpu.region"() ({
      %run_scoped3A = tpu.sem_alloc : memref<!tpu.dma_semaphore, #tpu.memory_space<semaphore_mem>>
      %dma_start3A = arith.constant 0 : i32
      %dma_start3A_31 = arith.constant 0 : i32
      %dma_start3A_32 = tpu.memref_slice %arg3[%add3A, %dma_start3A, %dma_start3A_31] : memref<32x79x128xi32, #tpu.memory_space<hbm>> -> memref<1x79x128xi32, #tpu.memory_space<hbm>>
      %dma_start3A_33 = tpu.memref_squeeze %dma_start3A_32 : memref<1x79x128xi32, #tpu.memory_space<hbm>> -> memref<79x128xi32, #tpu.memory_space<hbm>>
      %dma_start3A_34 = arith.constant 0 : i32
      %dma_start3A_35 = arith.constant 0 : i32
      %dma_start3A_36 = tpu.memref_slice %arg3[%add3A, %dma_start3A_34, %dma_start3A_35] : memref<32x79x128xi32, #tpu.memory_space<hbm>> -> memref<1x79x128xi32, #tpu.memory_space<hbm>>
      %dma_start3A_37 = tpu.memref_squeeze %dma_start3A_36 : memref<1x79x128xi32, #tpu.memory_space<hbm>> -> memref<79x128xi32, #tpu.memory_space<hbm>>
      tpu.enqueue_dma source(%dma_start3A_37 : memref<79x128xi32, #tpu.memory_space<hbm>>) target(%arg5 : memref<79x128xi32, #tpu.memory_space<vmem>>) target_semaphore(%run_scoped3A : memref<!tpu.dma_semaphore, #tpu.memory_space<semaphore_mem>>)
      %dma_wait3A = arith.constant 0 : i32
      %dma_wait3A_38 = arith.constant 0 : i32
      %dma_wait3A_39 = tpu.memref_slice %arg3[%add3A, %dma_wait3A, %dma_wait3A_38] : memref<32x79x128xi32, #tpu.memory_space<hbm>> -> memref<1x79x128xi32, #tpu.memory_space<hbm>>
      %dma_wait3A_40 = tpu.memref_squeeze %dma_wait3A_39 : memref<1x79x128xi32, #tpu.memory_space<hbm>> -> memref<79x128xi32, #tpu.memory_space<hbm>>
      %dma_wait3A_41 = arith.constant 0 : i32
      %dma_wait3A_42 = arith.constant 0 : i32
      %dma_wait3A_43 = tpu.memref_slice %arg3[%add3A, %dma_wait3A_41, %dma_wait3A_42] : memref<32x79x128xi32, #tpu.memory_space<hbm>> -> memref<1x79x128xi32, #tpu.memory_space<hbm>>
      %dma_wait3A_44 = tpu.memref_squeeze %dma_wait3A_43 : memref<1x79x128xi32, #tpu.memory_space<hbm>> -> memref<79x128xi32, #tpu.memory_space<hbm>>
      tpu.wait_dma2 semaphore(%run_scoped3A : memref<!tpu.dma_semaphore, #tpu.memory_space<semaphore_mem>>) src(%dma_wait3A_44 : memref<79x128xi32, #tpu.memory_space<hbm>>) dst(%arg5 : memref<79x128xi32, #tpu.memory_space<vmem>>)
      tpu.yield
    }) : () -> ()
    %scan3A = arith.constant 0 : i32
    %scan3A_1 = arith.constant 0 : i32
    %scan3A_2 = arith.constant 128 : i32
    %scan3A_3 = arith.addi %scan3A_1, %scan3A_2 : i32
    %scan3A_4 = arith.constant 1 : i32
    scf.for %scan3A_31 = %scan3A_1 to %scan3A_3 step %scan3A_4  : i32 {
      %broadcast_in_dim3A = arith.constant 0.000000e+00 : f32
      %broadcast_in_dim3A_32 = vector.broadcast %broadcast_in_dim3A : f32 to vector<16xf32>
      %swap3A = arith.index_cast %scan3A_31 : i32 to index
      %swap3A_33 = arith.constant 0 : index
      %swap3A_34 = tpu.vector_load %arg7[%swap3A, %swap3A_33] {strides = array<i32>} : memref<128x128xf32, #tpu.memory_space<vmem>>, vector<1x16xf32>,
      %swap3A_35 = vector.shape_cast %swap3A_34 : vector<1x16xf32> to vector<16xf32>
      %swap3A_36 = vector.shape_cast %broadcast_in_dim3A_32 : vector<16xf32> to vector<1x16xf32>
      tpu.vector_store %arg7[%swap3A, %swap3A_33], %swap3A_36 {strides = array<i32>} : memref<128x128xf32, #tpu.memory_space<vmem>>, vector<1x16xf32>,
      %broadcast_in_dim3A_37 = arith.constant 0.000000e+00 : f32
      %broadcast_in_dim3A_38 = vector.broadcast %broadcast_in_dim3A_37 : f32 to vector<16xf32>
      %swap3A_39 = arith.index_cast %scan3A_31 : i32 to index
      %swap3A_40 = arith.constant 16 : index
      %swap3A_41 = tpu.vector_load %arg7[%swap3A_39, %swap3A_40] {strides = array<i32>} : memref<128x128xf32, #tpu.memory_space<vmem>>, vector<1x16xf32>,
      %swap3A_42 = vector.shape_cast %swap3A_41 : vector<1x16xf32> to vector<16xf32>
      %swap3A_43 = vector.shape_cast %broadcast_in_dim3A_38 : vector<16xf32> to vector<1x16xf32>
      tpu.vector_store %arg7[%swap3A_39, %swap3A_40], %swap3A_43 {strides = array<i32>} : memref<128x128xf32, #tpu.memory_space<vmem>>, vector<1x16xf32>,
      %broadcast_in_dim3A_44 = arith.constant 0.000000e+00 : f32
      %broadcast_in_dim3A_45 = vector.broadcast %broadcast_in_dim3A_44 : f32 to vector<16xf32>
      %swap3A_46 = arith.index_cast %scan3A_31 : i32 to index
      %swap3A_47 = arith.constant 32 : index
      %swap3A_48 = tpu.vector_load %arg7[%swap3A_46, %swap3A_47] {strides = array<i32>} : memref<128x128xf32, #tpu.memory_space<vmem>>, vector<1x16xf32>,
      %swap3A_49 = vector.shape_cast %swap3A_48 : vector<1x16xf32> to vector<16xf32>
      %swap3A_50 = vector.shape_cast %broadcast_in_dim3A_45 : vector<16xf32> to vector<1x16xf32>
      tpu.vector_store %arg7[%swap3A_46, %swap3A_47], %swap3A_50 {strides = array<i32>} : memref<128x128xf32, #tpu.memory_space<vmem>>, vector<1x16xf32>,
      %broadcast_in_dim3A_51 = arith.constant 0.000000e+00 : f32
      %broadcast_in_dim3A_52 = vector.broadcast %broadcast_in_dim3A_51 : f32 to vector<16xf32>
      %swap3A_53 = arith.index_cast %scan3A_31 : i32 to index
      %swap3A_54 = arith.constant 48 : index
      %swap3A_55 = tpu.vector_load %arg7[%swap3A_53, %swap3A_54] {strides = array<i32>} : memref<128x128xf32, #tpu.memory_space<vmem>>, vector<1x16xf32>,
      %swap3A_56 = vector.shape_cast %swap3A_55 : vector<1x16xf32> to vector<16xf32>
      %swap3A_57 = vector.shape_cast %broadcast_in_dim3A_52 : vector<16xf32> to vector<1x16xf32>
      tpu.vector_store %arg7[%swap3A_53, %swap3A_54], %swap3A_57 {strides = array<i32>} : memref<128x128xf32, #tpu.memory_space<vmem>>, vector<1x16xf32>,
      %broadcast_in_dim3A_58 = arith.constant 0.000000e+00 : f32
      %broadcast_in_dim3A_59 = vector.broadcast %broadcast_in_dim3A_58 : f32 to vector<16xf32>
      %swap3A_60 = arith.index_cast %scan3A_31 : i32 to index
      %swap3A_61 = arith.constant 64 : index
      %swap3A_62 = tpu.vector_load %arg7[%swap3A_60, %swap3A_61] {strides = array<i32>} : memref<128x128xf32, #tpu.memory_space<vmem>>, vector<1x16xf32>,
      %swap3A_63 = vector.shape_cast %swap3A_62 : vector<1x16xf32> to vector<16xf32>
      %swap3A_64 = vector.shape_cast %broadcast_in_dim3A_59 : vector<16xf32> to vector<1x16xf32>
      tpu.vector_store %arg7[%swap3A_60, %swap3A_61], %swap3A_64 {strides = array<i32>} : memref<128x128xf32, #tpu.memory_space<vmem>>, vector<1x16xf32>,
      %broadcast_in_dim3A_65 = arith.constant 0.000000e+00 : f32
      %broadcast_in_dim3A_66 = vector.broadcast %broadcast_in_dim3A_65 : f32 to vector<16xf32>
      %swap3A_67 = arith.index_cast %scan3A_31 : i32 to index
      %swap3A_68 = arith.constant 80 : index
      %swap3A_69 = tpu.vector_load %arg7[%swap3A_67, %swap3A_68] {strides = array<i32>} : memref<128x128xf32, #tpu.memory_space<vmem>>, vector<1x16xf32>,
      %swap3A_70 = vector.shape_cast %swap3A_69 : vector<1x16xf32> to vector<16xf32>
      %swap3A_71 = vector.shape_cast %broadcast_in_dim3A_66 : vector<16xf32> to vector<1x16xf32>
      tpu.vector_store %arg7[%swap3A_67, %swap3A_68], %swap3A_71 {strides = array<i32>} : memref<128x128xf32, #tpu.memory_space<vmem>>, vector<1x16xf32>,
      %broadcast_in_dim3A_72 = arith.constant 0.000000e+00 : f32
      %broadcast_in_dim3A_73 = vector.broadcast %broadcast_in_dim3A_72 : f32 to vector<16xf32>
      %swap3A_74 = arith.index_cast %scan3A_31 : i32 to index
      %swap3A_75 = arith.constant 96 : index
      %swap3A_76 = tpu.vector_load %arg7[%swap3A_74, %swap3A_75] {strides = array<i32>} : memref<128x128xf32, #tpu.memory_space<vmem>>, vector<1x16xf32>,
      %swap3A_77 = vector.shape_cast %swap3A_76 : vector<1x16xf32> to vector<16xf32>
      %swap3A_78 = vector.shape_cast %broadcast_in_dim3A_73 : vector<16xf32> to vector<1x16xf32>
      tpu.vector_store %arg7[%swap3A_74, %swap3A_75], %swap3A_78 {strides = array<i32>} : memref<128x128xf32, #tpu.memory_space<vmem>>, vector<1x16xf32>,
      %broadcast_in_dim3A_79 = arith.constant 0.000000e+00 : f32
      %broadcast_in_dim3A_80 = vector.broadcast %broadcast_in_dim3A_79 : f32 to vector<16xf32>
      %swap3A_81 = arith.index_cast %scan3A_31 : i32 to index
      %swap3A_82 = arith.constant 112 : index
      %swap3A_83 = tpu.vector_load %arg7[%swap3A_81, %swap3A_82] {strides = array<i32>} : memref<128x128xf32, #tpu.memory_space<vmem>>, vector<1x16xf32>,
      %swap3A_84 = vector.shape_cast %swap3A_83 : vector<1x16xf32> to vector<16xf32>
      %swap3A_85 = vector.shape_cast %broadcast_in_dim3A_80 : vector<16xf32> to vector<1x16xf32>
      tpu.vector_store %arg7[%swap3A_81, %swap3A_82], %swap3A_85 {strides = array<i32>} : memref<128x128xf32, #tpu.memory_space<vmem>>, vector<1x16xf32>,
    }
    %scan3A_5 = arith.constant 128 : i32
    %mul3A_6 = arith.constant 640 : i32
    %mul3A_7 = arith.muli %arg1, %mul3A_6 : i32
    %add3A_8 = arith.constant 0 : i32
    %add3A_9 = arith.addi %mul3A_7, %add3A_8 : i32
    "tpu.region"() ({
      %run_scoped3A = tpu.sem_alloc : memref<!tpu.dma_semaphore, #tpu.memory_space<semaphore_mem>>
      %dma_start3A = arith.constant 0 : i32
      %dma_start3A_31 = tpu.memref_slice %arg8[%add3A_9, %dma_start3A] : memref<10240x128xf32, #tpu.memory_space<vmem_shared>> -> memref<128x128xf32, #tpu.memory_space<vmem_shared>>
      %dma_start3A_32 = arith.constant 0 : i32
      %dma_start3A_33 = tpu.memref_slice %arg8[%add3A_9, %dma_start3A_32] : memref<10240x128xf32, #tpu.memory_space<vmem_shared>> -> memref<128x128xf32, #tpu.memory_space<vmem_shared>>
      tpu.enqueue_dma source(%arg7 : memref<128x128xf32, #tpu.memory_space<vmem>>) target(%dma_start3A_33 : memref<128x128xf32, #tpu.memory_space<vmem_shared>>) target_semaphore(%run_scoped3A : memref<!tpu.dma_semaphore, #tpu.memory_space<semaphore_mem>>)
      %dma_wait3A = arith.constant 0 : i32
      %dma_wait3A_34 = tpu.memref_slice %arg8[%add3A_9, %dma_wait3A] : memref<10240x128xf32, #tpu.memory_space<vmem_shared>> -> memref<128x128xf32, #tpu.memory_space<vmem_shared>>
      %dma_wait3A_35 = arith.constant 0 : i32
      %dma_wait3A_36 = tpu.memref_slice %arg8[%add3A_9, %dma_wait3A_35] : memref<10240x128xf32, #tpu.memory_space<vmem_shared>> -> memref<128x128xf32, #tpu.memory_space<vmem_shared>>
      tpu.wait_dma2 semaphore(%run_scoped3A : memref<!tpu.dma_semaphore, #tpu.memory_space<semaphore_mem>>) src(%arg7 : memref<128x128xf32, #tpu.memory_space<vmem>>) dst(%dma_wait3A_36 : memref<128x128xf32, #tpu.memory_space<vmem_shared>>)
      tpu.yield
    }) : () -> ()
    %add3A_10 = arith.constant 128 : i32
    %add3A_11 = arith.addi %mul3A_7, %add3A_10 : i32
    "tpu.region"() ({
      %run_scoped3A = tpu.sem_alloc : memref<!tpu.dma_semaphore, #tpu.memory_space<semaphore_mem>>
      %dma_start3A = arith.constant 0 : i32
      %dma_start3A_31 = tpu.memref_slice %arg8[%add3A_11, %dma_start3A] : memref<10240x128xf32, #tpu.memory_space<vmem_shared>> -> memref<128x128xf32, #tpu.memory_space<vmem_shared>>
      %dma_start3A_32 = arith.constant 0 : i32
      %dma_start3A_33 = tpu.memref_slice %arg8[%add3A_11, %dma_start3A_32] : memref<10240x128xf32, #tpu.memory_space<vmem_shared>> -> memref<128x128xf32, #tpu.memory_space<vmem_shared>>
      tpu.enqueue_dma source(%arg7 : memref<128x128xf32, #tpu.memory_space<vmem>>) target(%dma_start3A_33 : memref<128x128xf32, #tpu.memory_space<vmem_shared>>) target_semaphore(%run_scoped3A : memref<!tpu.dma_semaphore, #tpu.memory_space<semaphore_mem>>)
      %dma_wait3A = arith.constant 0 : i32
      %dma_wait3A_34 = tpu.memref_slice %arg8[%add3A_11, %dma_wait3A] : memref<10240x128xf32, #tpu.memory_space<vmem_shared>> -> memref<128x128xf32, #tpu.memory_space<vmem_shared>>
      %dma_wait3A_35 = arith.constant 0 : i32
      %dma_wait3A_36 = tpu.memref_slice %arg8[%add3A_11, %dma_wait3A_35] : memref<10240x128xf32, #tpu.memory_space<vmem_shared>> -> memref<128x128xf32, #tpu.memory_space<vmem_shared>>
      tpu.wait_dma2 semaphore(%run_scoped3A : memref<!tpu.dma_semaphore, #tpu.memory_space<semaphore_mem>>) src(%arg7 : memref<128x128xf32, #tpu.memory_space<vmem>>) dst(%dma_wait3A_36 : memref<128x128xf32, #tpu.memory_space<vmem_shared>>)
      tpu.yield
    }) : () -> ()
    %add3A_12 = arith.constant 256 : i32
    %add3A_13 = arith.addi %mul3A_7, %add3A_12 : i32
    "tpu.region"() ({
      %run_scoped3A = tpu.sem_alloc : memref<!tpu.dma_semaphore, #tpu.memory_space<semaphore_mem>>
      %dma_start3A = arith.constant 0 : i32
      %dma_start3A_31 = tpu.memref_slice %arg8[%add3A_13, %dma_start3A] : memref<10240x128xf32, #tpu.memory_space<vmem_shared>> -> memref<128x128xf32, #tpu.memory_space<vmem_shared>>
      %dma_start3A_32 = arith.constant 0 : i32
      %dma_start3A_33 = tpu.memref_slice %arg8[%add3A_13, %dma_start3A_32] : memref<10240x128xf32, #tpu.memory_space<vmem_shared>> -> memref<128x128xf32, #tpu.memory_space<vmem_shared>>
      tpu.enqueue_dma source(%arg7 : memref<128x128xf32, #tpu.memory_space<vmem>>) target(%dma_start3A_33 : memref<128x128xf32, #tpu.memory_space<vmem_shared>>) target_semaphore(%run_scoped3A : memref<!tpu.dma_semaphore, #tpu.memory_space<semaphore_mem>>)
      %dma_wait3A = arith.constant 0 : i32
      %dma_wait3A_34 = tpu.memref_slice %arg8[%add3A_13, %dma_wait3A] : memref<10240x128xf32, #tpu.memory_space<vmem_shared>> -> memref<128x128xf32, #tpu.memory_space<vmem_shared>>
      %dma_wait3A_35 = arith.constant 0 : i32
      %dma_wait3A_36 = tpu.memref_slice %arg8[%add3A_13, %dma_wait3A_35] : memref<10240x128xf32, #tpu.memory_space<vmem_shared>> -> memref<128x128xf32, #tpu.memory_space<vmem_shared>>
      tpu.wait_dma2 semaphore(%run_scoped3A : memref<!tpu.dma_semaphore, #tpu.memory_space<semaphore_mem>>) src(%arg7 : memref<128x128xf32, #tpu.memory_space<vmem>>) dst(%dma_wait3A_36 : memref<128x128xf32, #tpu.memory_space<vmem_shared>>)
      tpu.yield
    }) : () -> ()
    %add3A_14 = arith.constant 384 : i32
    %add3A_15 = arith.addi %mul3A_7, %add3A_14 : i32
    "tpu.region"() ({
      %run_scoped3A = tpu.sem_alloc : memref<!tpu.dma_semaphore, #tpu.memory_space<semaphore_mem>>
      %dma_start3A = arith.constant 0 : i32
      %dma_start3A_31 = tpu.memref_slice %arg8[%add3A_15, %dma_start3A] : memref<10240x128xf32, #tpu.memory_space<vmem_shared>> -> memref<128x128xf32, #tpu.memory_space<vmem_shared>>
      %dma_start3A_32 = arith.constant 0 : i32
      %dma_start3A_33 = tpu.memref_slice %arg8[%add3A_15, %dma_start3A_32] : memref<10240x128xf32, #tpu.memory_space<vmem_shared>> -> memref<128x128xf32, #tpu.memory_space<vmem_shared>>
      tpu.enqueue_dma source(%arg7 : memref<128x128xf32, #tpu.memory_space<vmem>>) target(%dma_start3A_33 : memref<128x128xf32, #tpu.memory_space<vmem_shared>>) target_semaphore(%run_scoped3A : memref<!tpu.dma_semaphore, #tpu.memory_space<semaphore_mem>>)
      %dma_wait3A = arith.constant 0 : i32
      %dma_wait3A_34 = tpu.memref_slice %arg8[%add3A_15, %dma_wait3A] : memref<10240x128xf32, #tpu.memory_space<vmem_shared>> -> memref<128x128xf32, #tpu.memory_space<vmem_shared>>
      %dma_wait3A_35 = arith.constant 0 : i32
      %dma_wait3A_36 = tpu.memref_slice %arg8[%add3A_15, %dma_wait3A_35] : memref<10240x128xf32, #tpu.memory_space<vmem_shared>> -> memref<128x128xf32, #tpu.memory_space<vmem_shared>>
      tpu.wait_dma2 semaphore(%run_scoped3A : memref<!tpu.dma_semaphore, #tpu.memory_space<semaphore_mem>>) src(%arg7 : memref<128x128xf32, #tpu.memory_space<vmem>>) dst(%dma_wait3A_36 : memref<128x128xf32, #tpu.memory_space<vmem_shared>>)
      tpu.yield
    }) : () -> ()
    %add3A_16 = arith.constant 512 : i32
    %add3A_17 = arith.addi %mul3A_7, %add3A_16 : i32
    "tpu.region"() ({
      %run_scoped3A = tpu.sem_alloc : memref<!tpu.dma_semaphore, #tpu.memory_space<semaphore_mem>>
      %dma_start3A = arith.constant 0 : i32
      %dma_start3A_31 = tpu.memref_slice %arg8[%add3A_17, %dma_start3A] : memref<10240x128xf32, #tpu.memory_space<vmem_shared>> -> memref<128x128xf32, #tpu.memory_space<vmem_shared>>
      %dma_start3A_32 = arith.constant 0 : i32
      %dma_start3A_33 = tpu.memref_slice %arg8[%add3A_17, %dma_start3A_32] : memref<10240x128xf32, #tpu.memory_space<vmem_shared>> -> memref<128x128xf32, #tpu.memory_space<vmem_shared>>
      tpu.enqueue_dma source(%arg7 : memref<128x128xf32, #tpu.memory_space<vmem>>) target(%dma_start3A_33 : memref<128x128xf32, #tpu.memory_space<vmem_shared>>) target_semaphore(%run_scoped3A : memref<!tpu.dma_semaphore, #tpu.memory_space<semaphore_mem>>)
      %dma_wait3A = arith.constant 0 : i32
      %dma_wait3A_34 = tpu.memref_slice %arg8[%add3A_17, %dma_wait3A] : memref<10240x128xf32, #tpu.memory_space<vmem_shared>> -> memref<128x128xf32, #tpu.memory_space<vmem_shared>>
      %dma_wait3A_35 = arith.constant 0 : i32
      %dma_wait3A_36 = tpu.memref_slice %arg8[%add3A_17, %dma_wait3A_35] : memref<10240x128xf32, #tpu.memory_space<vmem_shared>> -> memref<128x128xf32, #tpu.memory_space<vmem_shared>>
      tpu.wait_dma2 semaphore(%run_scoped3A : memref<!tpu.dma_semaphore, #tpu.memory_space<semaphore_mem>>) src(%arg7 : memref<128x128xf32, #tpu.memory_space<vmem>>) dst(%dma_wait3A_36 : memref<128x128xf32, #tpu.memory_space<vmem_shared>>)
      tpu.yield
    }) : () -> ()
    %scan3A_18 = arith.constant 0 : i32
    %scan3A_19 = arith.constant 0 : i32
    %scan3A_20 = arith.constant 79 : i32
    %scan3A_21 = arith.addi %scan3A_19, %scan3A_20 : i32
    %scan3A_22 = arith.constant 1 : i32
    scf.for %scan3A_31 = %scan3A_19 to %scan3A_21 step %scan3A_22  : i32 {
      %get3A = arith.index_cast %scan3A_31 : i32 to index
      %get3A_32 = arith.constant 0 : index
      %get3A_33 = tpu.vector_load %arg5[%get3A, %get3A_32] {strides = array<i32>} : memref<79x128xi32, #tpu.memory_space<vmem>>, vector<1x16xi32>,
      %get3A_34 = vector.shape_cast %get3A_33 : vector<1x16xi32> to vector<16xi32>
      %shift_right_arithmetic3A = arith.constant 14 : i32
      %shift_right_arithmetic3A_35 = vector.broadcast %shift_right_arithmetic3A : i32 to vector<16xi32>
      %shift_right_arithmetic3A_36 = arith.shrsi %get3A_34, %shift_right_arithmetic3A_35 : vector<16xi32>
      %swap3A = arith.index_cast %scan3A_31 : i32 to index
      %swap3A_37 = arith.constant 0 : index
      %swap3A_38 = tpu.vector_load %arg6[%swap3A, %swap3A_37] {strides = array<i32>} : memref<79x128xi32, #tpu.memory_space<vmem>>, vector<1x16xi32>,
      %swap3A_39 = vector.shape_cast %swap3A_38 : vector<1x16xi32> to vector<16xi32>
      %swap3A_40 = vector.shape_cast %shift_right_arithmetic3A_36 : vector<16xi32> to vector<1x16xi32>
      tpu.vector_store %arg6[%swap3A, %swap3A_37], %swap3A_40 {strides = array<i32>} : memref<79x128xi32, #tpu.memory_space<vmem>>, vector<1x16xi32>,
      %and3A = arith.constant 16383 : i32
      %and3A_41 = vector.broadcast %and3A : i32 to vector<16xi32>
      %and3A_42 = arith.andi %get3A_34, %and3A_41 : vector<16xi32>
      %swap3A_43 = arith.index_cast %scan3A_31 : i32 to index
      %swap3A_44 = arith.constant 0 : index
      %swap3A_45 = tpu.vector_load %arg5[%swap3A_43, %swap3A_44] {strides = array<i32>} : memref<79x128xi32, #tpu.memory_space<vmem>>, vector<1x16xi32>,
      %swap3A_46 = vector.shape_cast %swap3A_45 : vector<1x16xi32> to vector<16xi32>
      %swap3A_47 = vector.shape_cast %and3A_42 : vector<16xi32> to vector<1x16xi32>
      tpu.vector_store %arg5[%swap3A_43, %swap3A_44], %swap3A_47 {strides = array<i32>} : memref<79x128xi32, #tpu.memory_space<vmem>>, vector<1x16xi32>,
      %get3A_48 = arith.index_cast %scan3A_31 : i32 to index
      %get3A_49 = arith.constant 16 : index
      %get3A_50 = tpu.vector_load %arg5[%get3A_48, %get3A_49] {strides = array<i32>} : memref<79x128xi32, #tpu.memory_space<vmem>>, vector<1x16xi32>,
      %get3A_51 = vector.shape_cast %get3A_50 : vector<1x16xi32> to vector<16xi32>
      %shift_right_arithmetic3A_52 = arith.constant 14 : i32
      %shift_right_arithmetic3A_53 = vector.broadcast %shift_right_arithmetic3A_52 : i32 to vector<16xi32>
      %shift_right_arithmetic3A_54 = arith.shrsi %get3A_51, %shift_right_arithmetic3A_53 : vector<16xi32>
      %swap3A_55 = arith.index_cast %scan3A_31 : i32 to index
      %swap3A_56 = arith.constant 16 : index
      %swap3A_57 = tpu.vector_load %arg6[%swap3A_55, %swap3A_56] {strides = array<i32>} : memref<79x128xi32, #tpu.memory_space<vmem>>, vector<1x16xi32>,
      %swap3A_58 = vector.shape_cast %swap3A_57 : vector<1x16xi32> to vector<16xi32>
      %swap3A_59 = vector.shape_cast %shift_right_arithmetic3A_54 : vector<16xi32> to vector<1x16xi32>
      tpu.vector_store %arg6[%swap3A_55, %swap3A_56], %swap3A_59 {strides = array<i32>} : memref<79x128xi32, #tpu.memory_space<vmem>>, vector<1x16xi32>,
      %and3A_60 = arith.constant 16383 : i32
      %and3A_61 = vector.broadcast %and3A_60 : i32 to vector<16xi32>
      %and3A_62 = arith.andi %get3A_51, %and3A_61 : vector<16xi32>
      %swap3A_63 = arith.index_cast %scan3A_31 : i32 to index
      %swap3A_64 = arith.constant 16 : index
      %swap3A_65 = tpu.vector_load %arg5[%swap3A_63, %swap3A_64] {strides = array<i32>} : memref<79x128xi32, #tpu.memory_space<vmem>>, vector<1x16xi32>,
      %swap3A_66 = vector.shape_cast %swap3A_65 : vector<1x16xi32> to vector<16xi32>
      %swap3A_67 = vector.shape_cast %and3A_62 : vector<16xi32> to vector<1x16xi32>
      tpu.vector_store %arg5[%swap3A_63, %swap3A_64], %swap3A_67 {strides = array<i32>} : memref<79x128xi32, #tpu.memory_space<vmem>>, vector<1x16xi32>,
      %get3A_68 = arith.index_cast %scan3A_31 : i32 to index
      %get3A_69 = arith.constant 32 : index
      %get3A_70 = tpu.vector_load %arg5[%get3A_68, %get3A_69] {strides = array<i32>} : memref<79x128xi32, #tpu.memory_space<vmem>>, vector<1x16xi32>,
      %get3A_71 = vector.shape_cast %get3A_70 : vector<1x16xi32> to vector<16xi32>
      %shift_right_arithmetic3A_72 = arith.constant 14 : i32
      %shift_right_arithmetic3A_73 = vector.broadcast %shift_right_arithmetic3A_72 : i32 to vector<16xi32>
      %shift_right_arithmetic3A_74 = arith.shrsi %get3A_71, %shift_right_arithmetic3A_73 : vector<16xi32>
      %swap3A_75 = arith.index_cast %scan3A_31 : i32 to index
      %swap3A_76 = arith.constant 32 : index
      %swap3A_77 = tpu.vector_load %arg6[%swap3A_75, %swap3A_76] {strides = array<i32>} : memref<79x128xi32, #tpu.memory_space<vmem>>, vector<1x16xi32>,
      %swap3A_78 = vector.shape_cast %swap3A_77 : vector<1x16xi32> to vector<16xi32>
      %swap3A_79 = vector.shape_cast %shift_right_arithmetic3A_74 : vector<16xi32> to vector<1x16xi32>
      tpu.vector_store %arg6[%swap3A_75, %swap3A_76], %swap3A_79 {strides = array<i32>} : memref<79x128xi32, #tpu.memory_space<vmem>>, vector<1x16xi32>,
      %and3A_80 = arith.constant 16383 : i32
      %and3A_81 = vector.broadcast %and3A_80 : i32 to vector<16xi32>
      %and3A_82 = arith.andi %get3A_71, %and3A_81 : vector<16xi32>
      %swap3A_83 = arith.index_cast %scan3A_31 : i32 to index
      %swap3A_84 = arith.constant 32 : index
      %swap3A_85 = tpu.vector_load %arg5[%swap3A_83, %swap3A_84] {strides = array<i32>} : memref<79x128xi32, #tpu.memory_space<vmem>>, vector<1x16xi32>,
      %swap3A_86 = vector.shape_cast %swap3A_85 : vector<1x16xi32> to vector<16xi32>
      %swap3A_87 = vector.shape_cast %and3A_82 : vector<16xi32> to vector<1x16xi32>
      tpu.vector_store %arg5[%swap3A_83, %swap3A_84], %swap3A_87 {strides = array<i32>} : memref<79x128xi32, #tpu.memory_space<vmem>>, vector<1x16xi32>,
      %get3A_88 = arith.index_cast %scan3A_31 : i32 to index
      %get3A_89 = arith.constant 48 : index
      %get3A_90 = tpu.vector_load %arg5[%get3A_88, %get3A_89] {strides = array<i32>} : memref<79x128xi32, #tpu.memory_space<vmem>>, vector<1x16xi32>,
      %get3A_91 = vector.shape_cast %get3A_90 : vector<1x16xi32> to vector<16xi32>
      %shift_right_arithmetic3A_92 = arith.constant 14 : i32
      %shift_right_arithmetic3A_93 = vector.broadcast %shift_right_arithmetic3A_92 : i32 to vector<16xi32>
      %shift_right_arithmetic3A_94 = arith.shrsi %get3A_91, %shift_right_arithmetic3A_93 : vector<16xi32>
      %swap3A_95 = arith.index_cast %scan3A_31 : i32 to index
      %swap3A_96 = arith.constant 48 : index
      %swap3A_97 = tpu.vector_load %arg6[%swap3A_95, %swap3A_96] {strides = array<i32>} : memref<79x128xi32, #tpu.memory_space<vmem>>, vector<1x16xi32>,
      %swap3A_98 = vector.shape_cast %swap3A_97 : vector<1x16xi32> to vector<16xi32>
      %swap3A_99 = vector.shape_cast %shift_right_arithmetic3A_94 : vector<16xi32> to vector<1x16xi32>
      tpu.vector_store %arg6[%swap3A_95, %swap3A_96], %swap3A_99 {strides = array<i32>} : memref<79x128xi32, #tpu.memory_space<vmem>>, vector<1x16xi32>,
      %and3A_100 = arith.constant 16383 : i32
      %and3A_101 = vector.broadcast %and3A_100 : i32 to vector<16xi32>
      %and3A_102 = arith.andi %get3A_91, %and3A_101 : vector<16xi32>
      %swap3A_103 = arith.index_cast %scan3A_31 : i32 to index
      %swap3A_104 = arith.constant 48 : index
      %swap3A_105 = tpu.vector_load %arg5[%swap3A_103, %swap3A_104] {strides = array<i32>} : memref<79x128xi32, #tpu.memory_space<vmem>>, vector<1x16xi32>,
      %swap3A_106 = vector.shape_cast %swap3A_105 : vector<1x16xi32> to vector<16xi32>
      %swap3A_107 = vector.shape_cast %and3A_102 : vector<16xi32> to vector<1x16xi32>
      tpu.vector_store %arg5[%swap3A_103, %swap3A_104], %swap3A_107 {strides = array<i32>} : memref<79x128xi32, #tpu.memory_space<vmem>>, vector<1x16xi32>,
      %get3A_108 = arith.index_cast %scan3A_31 : i32 to index
      %get3A_109 = arith.constant 64 : index
      %get3A_110 = tpu.vector_load %arg5[%get3A_108, %get3A_109] {strides = array<i32>} : memref<79x128xi32, #tpu.memory_space<vmem>>, vector<1x16xi32>,
      %get3A_111 = vector.shape_cast %get3A_110 : vector<1x16xi32> to vector<16xi32>
      %shift_right_arithmetic3A_112 = arith.constant 14 : i32
      %shift_right_arithmetic3A_113 = vector.broadcast %shift_right_arithmetic3A_112 : i32 to vector<16xi32>
      %shift_right_arithmetic3A_114 = arith.shrsi %get3A_111, %shift_right_arithmetic3A_113 : vector<16xi32>
      %swap3A_115 = arith.index_cast %scan3A_31 : i32 to index
      %swap3A_116 = arith.constant 64 : index
      %swap3A_117 = tpu.vector_load %arg6[%swap3A_115, %swap3A_116] {strides = array<i32>} : memref<79x128xi32, #tpu.memory_space<vmem>>, vector<1x16xi32>,
      %swap3A_118 = vector.shape_cast %swap3A_117 : vector<1x16xi32> to vector<16xi32>
      %swap3A_119 = vector.shape_cast %shift_right_arithmetic3A_114 : vector<16xi32> to vector<1x16xi32>
      tpu.vector_store %arg6[%swap3A_115, %swap3A_116], %swap3A_119 {strides = array<i32>} : memref<79x128xi32, #tpu.memory_space<vmem>>, vector<1x16xi32>,
      %and3A_120 = arith.constant 16383 : i32
      %and3A_121 = vector.broadcast %and3A_120 : i32 to vector<16xi32>
      %and3A_122 = arith.andi %get3A_111, %and3A_121 : vector<16xi32>
      %swap3A_123 = arith.index_cast %scan3A_31 : i32 to index
      %swap3A_124 = arith.constant 64 : index
      %swap3A_125 = tpu.vector_load %arg5[%swap3A_123, %swap3A_124] {strides = array<i32>} : memref<79x128xi32, #tpu.memory_space<vmem>>, vector<1x16xi32>,
      %swap3A_126 = vector.shape_cast %swap3A_125 : vector<1x16xi32> to vector<16xi32>
      %swap3A_127 = vector.shape_cast %and3A_122 : vector<16xi32> to vector<1x16xi32>
      tpu.vector_store %arg5[%swap3A_123, %swap3A_124], %swap3A_127 {strides = array<i32>} : memref<79x128xi32, #tpu.memory_space<vmem>>, vector<1x16xi32>,
      %get3A_128 = arith.index_cast %scan3A_31 : i32 to index
      %get3A_129 = arith.constant 80 : index
      %get3A_130 = tpu.vector_load %arg5[%get3A_128, %get3A_129] {strides = array<i32>} : memref<79x128xi32, #tpu.memory_space<vmem>>, vector<1x16xi32>,
      %get3A_131 = vector.shape_cast %get3A_130 : vector<1x16xi32> to vector<16xi32>
      %shift_right_arithmetic3A_132 = arith.constant 14 : i32
      %shift_right_arithmetic3A_133 = vector.broadcast %shift_right_arithmetic3A_132 : i32 to vector<16xi32>
      %shift_right_arithmetic3A_134 = arith.shrsi %get3A_131, %shift_right_arithmetic3A_133 : vector<16xi32>
      %swap3A_135 = arith.index_cast %scan3A_31 : i32 to index
      %swap3A_136 = arith.constant 80 : index
      %swap3A_137 = tpu.vector_load %arg6[%swap3A_135, %swap3A_136] {strides = array<i32>} : memref<79x128xi32, #tpu.memory_space<vmem>>, vector<1x16xi32>,
      %swap3A_138 = vector.shape_cast %swap3A_137 : vector<1x16xi32> to vector<16xi32>
      %swap3A_139 = vector.shape_cast %shift_right_arithmetic3A_134 : vector<16xi32> to vector<1x16xi32>
      tpu.vector_store %arg6[%swap3A_135, %swap3A_136], %swap3A_139 {strides = array<i32>} : memref<79x128xi32, #tpu.memory_space<vmem>>, vector<1x16xi32>,
      %and3A_140 = arith.constant 16383 : i32
      %and3A_141 = vector.broadcast %and3A_140 : i32 to vector<16xi32>
      %and3A_142 = arith.andi %get3A_131, %and3A_141 : vector<16xi32>
      %swap3A_143 = arith.index_cast %scan3A_31 : i32 to index
      %swap3A_144 = arith.constant 80 : index
      %swap3A_145 = tpu.vector_load %arg5[%swap3A_143, %swap3A_144] {strides = array<i32>} : memref<79x128xi32, #tpu.memory_space<vmem>>, vector<1x16xi32>,
      %swap3A_146 = vector.shape_cast %swap3A_145 : vector<1x16xi32> to vector<16xi32>
      %swap3A_147 = vector.shape_cast %and3A_142 : vector<16xi32> to vector<1x16xi32>
      tpu.vector_store %arg5[%swap3A_143, %swap3A_144], %swap3A_147 {strides = array<i32>} : memref<79x128xi32, #tpu.memory_space<vmem>>, vector<1x16xi32>,
      %get3A_148 = arith.index_cast %scan3A_31 : i32 to index
      %get3A_149 = arith.constant 96 : index
      %get3A_150 = tpu.vector_load %arg5[%get3A_148, %get3A_149] {strides = array<i32>} : memref<79x128xi32, #tpu.memory_space<vmem>>, vector<1x16xi32>,
      %get3A_151 = vector.shape_cast %get3A_150 : vector<1x16xi32> to vector<16xi32>
      %shift_right_arithmetic3A_152 = arith.constant 14 : i32
      %shift_right_arithmetic3A_153 = vector.broadcast %shift_right_arithmetic3A_152 : i32 to vector<16xi32>
      %shift_right_arithmetic3A_154 = arith.shrsi %get3A_151, %shift_right_arithmetic3A_153 : vector<16xi32>
      %swap3A_155 = arith.index_cast %scan3A_31 : i32 to index
      %swap3A_156 = arith.constant 96 : index
      %swap3A_157 = tpu.vector_load %arg6[%swap3A_155, %swap3A_156] {strides = array<i32>} : memref<79x128xi32, #tpu.memory_space<vmem>>, vector<1x16xi32>,
      %swap3A_158 = vector.shape_cast %swap3A_157 : vector<1x16xi32> to vector<16xi32>
      %swap3A_159 = vector.shape_cast %shift_right_arithmetic3A_154 : vector<16xi32> to vector<1x16xi32>
      tpu.vector_store %arg6[%swap3A_155, %swap3A_156], %swap3A_159 {strides = array<i32>} : memref<79x128xi32, #tpu.memory_space<vmem>>, vector<1x16xi32>,
      %and3A_160 = arith.constant 16383 : i32
      %and3A_161 = vector.broadcast %and3A_160 : i32 to vector<16xi32>
      %and3A_162 = arith.andi %get3A_151, %and3A_161 : vector<16xi32>
      %swap3A_163 = arith.index_cast %scan3A_31 : i32 to index
      %swap3A_164 = arith.constant 96 : index
      %swap3A_165 = tpu.vector_load %arg5[%swap3A_163, %swap3A_164] {strides = array<i32>} : memref<79x128xi32, #tpu.memory_space<vmem>>, vector<1x16xi32>,
      %swap3A_166 = vector.shape_cast %swap3A_165 : vector<1x16xi32> to vector<16xi32>
      %swap3A_167 = vector.shape_cast %and3A_162 : vector<16xi32> to vector<1x16xi32>
      tpu.vector_store %arg5[%swap3A_163, %swap3A_164], %swap3A_167 {strides = array<i32>} : memref<79x128xi32, #tpu.memory_space<vmem>>, vector<1x16xi32>,
      %get3A_168 = arith.index_cast %scan3A_31 : i32 to index
      %get3A_169 = arith.constant 112 : index
      %get3A_170 = tpu.vector_load %arg5[%get3A_168, %get3A_169] {strides = array<i32>} : memref<79x128xi32, #tpu.memory_space<vmem>>, vector<1x16xi32>,
      %get3A_171 = vector.shape_cast %get3A_170 : vector<1x16xi32> to vector<16xi32>
      %shift_right_arithmetic3A_172 = arith.constant 14 : i32
      %shift_right_arithmetic3A_173 = vector.broadcast %shift_right_arithmetic3A_172 : i32 to vector<16xi32>
      %shift_right_arithmetic3A_174 = arith.shrsi %get3A_171, %shift_right_arithmetic3A_173 : vector<16xi32>
      %swap3A_175 = arith.index_cast %scan3A_31 : i32 to index
      %swap3A_176 = arith.constant 112 : index
      %swap3A_177 = tpu.vector_load %arg6[%swap3A_175, %swap3A_176] {strides = array<i32>} : memref<79x128xi32, #tpu.memory_space<vmem>>, vector<1x16xi32>,
      %swap3A_178 = vector.shape_cast %swap3A_177 : vector<1x16xi32> to vector<16xi32>
      %swap3A_179 = vector.shape_cast %shift_right_arithmetic3A_174 : vector<16xi32> to vector<1x16xi32>
      tpu.vector_store %arg6[%swap3A_175, %swap3A_176], %swap3A_179 {strides = array<i32>} : memref<79x128xi32, #tpu.memory_space<vmem>>, vector<1x16xi32>,
      %and3A_180 = arith.constant 16383 : i32
      %and3A_181 = vector.broadcast %and3A_180 : i32 to vector<16xi32>
      %and3A_182 = arith.andi %get3A_171, %and3A_181 : vector<16xi32>
      %swap3A_183 = arith.index_cast %scan3A_31 : i32 to index
      %swap3A_184 = arith.constant 112 : index
      %swap3A_185 = tpu.vector_load %arg5[%swap3A_183, %swap3A_184] {strides = array<i32>} : memref<79x128xi32, #tpu.memory_space<vmem>>, vector<1x16xi32>,
      %swap3A_186 = vector.shape_cast %swap3A_185 : vector<1x16xi32> to vector<16xi32>
      %swap3A_187 = vector.shape_cast %and3A_182 : vector<16xi32> to vector<1x16xi32>
      tpu.vector_store %arg5[%swap3A_183, %swap3A_184], %swap3A_187 {strides = array<i32>} : memref<79x128xi32, #tpu.memory_space<vmem>>, vector<1x16xi32>,
    }
    %scan3A_23 = arith.constant 79 : i32
    %barrier3A = arith.constant 0 : index
    tpu.barrier barrier_id(%barrier3A)
    %scan3A_24 = arith.constant 0 : i32
    %scan3A_25 = arith.constant 0 : i32
    %scan3A_26 = arith.constant 79 : i32
    %scan3A_27 = arith.addi %scan3A_25, %scan3A_26 : i32
    %scan3A_28 = arith.constant 1 : i32
    scf.for %scan3A_31 = %scan3A_25 to %scan3A_27 step %scan3A_28  : i32 {
      %dma_start3A = arith.constant 0 : i32
      %dma_start3A_32 = tpu.memref_slice %arg6[%scan3A_31, %dma_start3A] : memref<79x128xi32, #tpu.memory_space<vmem>> -> memref<1x128xi32, #tpu.memory_space<vmem>>
      %dma_start3A_33 = tpu.memref_squeeze %dma_start3A_32 : memref<1x128xi32, #tpu.memory_space<vmem>> -> memref<128xi32, #tpu.memory_space<vmem>>
      %dma_start3A_34 = arith.constant 0 : i32
      %dma_start3A_35 = arith.constant 0 : i32
      %dma_start3A_36 = tpu.memref_slice %arg2[%dma_start3A_34, %dma_start3A_35] : memref<10000x128xf32, #tpu.memory_space<hbm>> -> memref<10000x128xf32, #tpu.memory_space<hbm>>
      tpu.enqueue_indirect_dma source(%dma_start3A_36 : memref<10000x128xf32, #tpu.memory_space<hbm>>) target(%arg7 : memref<128x128xf32, #tpu.memory_space<vmem>>) offsets(%dma_start3A_33 : memref<128xi32, #tpu.memory_space<vmem>>) semaphore(%arg9 : memref<!tpu.dma_semaphore, #tpu.memory_space<semaphore_mem>>)
      %dma_wait3A = arith.constant 0 : i32
      %dma_wait3A_37 = tpu.memref_slice %arg6[%scan3A_31, %dma_wait3A] : memref<79x128xi32, #tpu.memory_space<vmem>> -> memref<1x128xi32, #tpu.memory_space<vmem>>
      %dma_wait3A_38 = tpu.memref_squeeze %dma_wait3A_37 : memref<1x128xi32, #tpu.memory_space<vmem>> -> memref<128xi32, #tpu.memory_space<vmem>>
      %dma_wait3A_39 = arith.constant 0 : i32
      %dma_wait3A_40 = arith.constant 0 : i32
      %dma_wait3A_41 = tpu.memref_slice %arg2[%dma_wait3A_39, %dma_wait3A_40] : memref<10000x128xf32, #tpu.memory_space<hbm>> -> memref<10000x128xf32, #tpu.memory_space<hbm>>
      tpu.wait_indirect_dma semaphore(%arg9 : memref<!tpu.dma_semaphore, #tpu.memory_space<semaphore_mem>>) src(%dma_wait3A_41 : memref<10000x128xf32, #tpu.memory_space<hbm>>) dst(%arg7 : memref<128x128xf32, #tpu.memory_space<vmem>>)
      "tpu.region"() ({
        %run_scoped3A = tpu.sem_alloc : memref<!tpu.dma_semaphore, #tpu.memory_space<semaphore_mem>>
        %dma_start3A_42 = arith.constant 0 : i32
        %dma_start3A_43 = tpu.memref_slice %arg5[%scan3A_31, %dma_start3A_42] : memref<79x128xi32, #tpu.memory_space<vmem>> -> memref<1x128xi32, #tpu.memory_space<vmem>>
        %dma_start3A_44 = tpu.memref_squeeze %dma_start3A_43 : memref<1x128xi32, #tpu.memory_space<vmem>> -> memref<128xi32, #tpu.memory_space<vmem>>
        %dma_start3A_45 = arith.constant 0 : i32
        %dma_start3A_46 = arith.constant 0 : i32
        %dma_start3A_47 = tpu.memref_slice %arg8[%dma_start3A_45, %dma_start3A_46] : memref<10240x128xf32, #tpu.memory_space<vmem_shared>> -> memref<10240x128xf32, #tpu.memory_space<vmem_shared>>
        tpu.enqueue_indirect_dma source(%arg7 : memref<128x128xf32, #tpu.memory_space<vmem>>) target(%dma_start3A_47 : memref<10240x128xf32, #tpu.memory_space<vmem_shared>>) offsets(%dma_start3A_44 : memref<128xi32, #tpu.memory_space<vmem>>) semaphore(%run_scoped3A : memref<!tpu.dma_semaphore, #tpu.memory_space<semaphore_mem>>) {add = true}
        %dma_wait3A_48 = arith.constant 0 : i32
        %dma_wait3A_49 = tpu.memref_slice %arg5[%scan3A_31, %dma_wait3A_48] : memref<79x128xi32, #tpu.memory_space<vmem>> -> memref<1x128xi32, #tpu.memory_space<vmem>>
        %dma_wait3A_50 = tpu.memref_squeeze %dma_wait3A_49 : memref<1x128xi32, #tpu.memory_space<vmem>> -> memref<128xi32, #tpu.memory_space<vmem>>
        %dma_wait3A_51 = arith.constant 0 : i32
        %dma_wait3A_52 = arith.constant 0 : i32
        %dma_wait3A_53 = tpu.memref_slice %arg8[%dma_wait3A_51, %dma_wait3A_52] : memref<10240x128xf32, #tpu.memory_space<vmem_shared>> -> memref<10240x128xf32, #tpu.memory_space<vmem_shared>>
        tpu.wait_indirect_dma semaphore(%run_scoped3A : memref<!tpu.dma_semaphore, #tpu.memory_space<semaphore_mem>>) src(%arg7 : memref<128x128xf32, #tpu.memory_space<vmem>>) dst(%dma_wait3A_53 : memref<10240x128xf32, #tpu.memory_space<vmem_shared>>)
        tpu.yield
      }) : () -> ()
    }
    %scan3A_29 = arith.constant 79 : i32
    %barrier3A_30 = arith.constant 0 : index
    tpu.barrier barrier_id(%barrier3A_30)
    "tpu.region"() ({
      %run_scoped3A = tpu.sem_alloc : memref<!tpu.dma_semaphore, #tpu.memory_space<semaphore_mem>>
      %dma_start3A = arith.constant 0 : i32
      %dma_start3A_31 = tpu.memref_slice %arg4[%arg0, %mul3A_7, %dma_start3A] : memref<2x10240x128xf32, #tpu.memory_space<hbm>> -> memref<1x640x128xf32, #tpu.memory_space<hbm>>
      %dma_start3A_32 = tpu.memref_squeeze %dma_start3A_31 : memref<1x640x128xf32, #tpu.memory_space<hbm>> -> memref<640x128xf32, #tpu.memory_space<hbm>>
      %dma_start3A_33 = arith.constant 0 : i32
      %dma_start3A_34 = tpu.memref_slice %arg8[%mul3A_7, %dma_start3A_33] : memref<10240x128xf32, #tpu.memory_space<vmem_shared>> -> memref<640x128xf32, #tpu.memory_space<vmem_shared>>
      tpu.enqueue_dma source(%dma_start3A_34 : memref<640x128xf32, #tpu.memory_space<vmem_shared>>) target(%dma_start3A_32 : memref<640x128xf32, #tpu.memory_space<hbm>>) target_semaphore(%run_scoped3A : memref<!tpu.dma_semaphore, #tpu.memory_space<semaphore_mem>>)
      %dma_wait3A = arith.constant 0 : i32
      %dma_wait3A_35 = tpu.memref_slice %arg4[%arg0, %mul3A_7, %dma_wait3A] : memref<2x10240x128xf32, #tpu.memory_space<hbm>> -> memref<1x640x128xf32, #tpu.memory_space<hbm>>
      %dma_wait3A_36 = tpu.memref_squeeze %dma_wait3A_35 : memref<1x640x128xf32, #tpu.memory_space<hbm>> -> memref<640x128xf32, #tpu.memory_space<hbm>>
      %dma_wait3A_37 = arith.constant 0 : i32
      %dma_wait3A_38 = tpu.memref_slice %arg8[%mul3A_7, %dma_wait3A_37] : memref<10240x128xf32, #tpu.memory_space<vmem_shared>> -> memref<640x128xf32, #tpu.memory_space<vmem_shared>>
      tpu.wait_dma2 semaphore(%run_scoped3A : memref<!tpu.dma_semaphore, #tpu.memory_space<semaphore_mem>>) src(%dma_wait3A_38 : memref<640x128xf32, #tpu.memory_space<vmem_shared>>) dst(%dma_wait3A_36 : memref<640x128xf32, #tpu.memory_space<hbm>>)
      tpu.yield
    }) : () -> ()
    return
  }
}

#map = affine_map<(d0, d1) -> (0, 0, 0)>
#map1 = affine_map<(d0, d1) -> (0, 0)>
module attributes {stable_mosaic.version = 14 : i64} {
  func.func @deg_kernel(%arg0: i32, %arg1: i32, %arg2: memref<32x79x128xi32, #tpu.memory_space<hbm>>, %arg3: memref<2x10240xf32, #tpu.memory_space<hbm>>, %arg4: memref<79x128xi32, #tpu.memory_space<vmem>>, %arg5: memref<128xf32, #tpu.memory_space<vmem>>, %arg6: memref<640xf32, #tpu.memory_space<vmem>>, %arg7: memref<10240xf32, #tpu.memory_space<vmem_shared>>) attributes {dimension_semantics = [#tpu.dimension_semantics<core_parallel>, #tpu.dimension_semantics<subcore_parallel>], iteration_bounds = array<i64: 2, 16>, scalar_prefetch = 0 : i64, scratch_operands = 4 : i64, tpu.core_type = #tpu.core_type<sc_vector_subcore>, window_params = [{transform_indices = #map}, {transform_indices = #map1}]} {
    %mul3A = arith.constant 16 : i32
    %mul3A_0 = arith.muli %arg0, %mul3A : i32
    %add3A = arith.addi %mul3A_0, %arg1 : i32
    "tpu.region"() ({
      %run_scoped3A = tpu.sem_alloc : memref<!tpu.dma_semaphore, #tpu.memory_space<semaphore_mem>>
      %dma_start3A = arith.constant 0 : i32
      %dma_start3A_305 = arith.constant 0 : i32
      %dma_start3A_306 = tpu.memref_slice %arg2[%add3A, %dma_start3A, %dma_start3A_305] : memref<32x79x128xi32, #tpu.memory_space<hbm>> -> memref<1x79x128xi32, #tpu.memory_space<hbm>>
      %dma_start3A_307 = tpu.memref_squeeze %dma_start3A_306 : memref<1x79x128xi32, #tpu.memory_space<hbm>> -> memref<79x128xi32, #tpu.memory_space<hbm>>
      %dma_start3A_308 = arith.constant 0 : i32
      %dma_start3A_309 = arith.constant 0 : i32
      %dma_start3A_310 = tpu.memref_slice %arg2[%add3A, %dma_start3A_308, %dma_start3A_309] : memref<32x79x128xi32, #tpu.memory_space<hbm>> -> memref<1x79x128xi32, #tpu.memory_space<hbm>>
      %dma_start3A_311 = tpu.memref_squeeze %dma_start3A_310 : memref<1x79x128xi32, #tpu.memory_space<hbm>> -> memref<79x128xi32, #tpu.memory_space<hbm>>
      tpu.enqueue_dma source(%dma_start3A_311 : memref<79x128xi32, #tpu.memory_space<hbm>>) target(%arg4 : memref<79x128xi32, #tpu.memory_space<vmem>>) target_semaphore(%run_scoped3A : memref<!tpu.dma_semaphore, #tpu.memory_space<semaphore_mem>>)
      %dma_wait3A = arith.constant 0 : i32
      %dma_wait3A_312 = arith.constant 0 : i32
      %dma_wait3A_313 = tpu.memref_slice %arg2[%add3A, %dma_wait3A, %dma_wait3A_312] : memref<32x79x128xi32, #tpu.memory_space<hbm>> -> memref<1x79x128xi32, #tpu.memory_space<hbm>>
      %dma_wait3A_314 = tpu.memref_squeeze %dma_wait3A_313 : memref<1x79x128xi32, #tpu.memory_space<hbm>> -> memref<79x128xi32, #tpu.memory_space<hbm>>
      %dma_wait3A_315 = arith.constant 0 : i32
      %dma_wait3A_316 = arith.constant 0 : i32
      %dma_wait3A_317 = tpu.memref_slice %arg2[%add3A, %dma_wait3A_315, %dma_wait3A_316] : memref<32x79x128xi32, #tpu.memory_space<hbm>> -> memref<1x79x128xi32, #tpu.memory_space<hbm>>
      %dma_wait3A_318 = tpu.memref_squeeze %dma_wait3A_317 : memref<1x79x128xi32, #tpu.memory_space<hbm>> -> memref<79x128xi32, #tpu.memory_space<hbm>>
      tpu.wait_dma2 semaphore(%run_scoped3A : memref<!tpu.dma_semaphore, #tpu.memory_space<semaphore_mem>>) src(%dma_wait3A_318 : memref<79x128xi32, #tpu.memory_space<hbm>>) dst(%arg4 : memref<79x128xi32, #tpu.memory_space<vmem>>)
      tpu.yield
    }) : () -> ()
    %broadcast_in_dim3A = arith.constant 1.000000e+00 : f32
    %broadcast_in_dim3A_1 = vector.broadcast %broadcast_in_dim3A : f32 to vector<16xf32>
    %swap3A = arith.constant 0 : index
    %swap3A_2 = tpu.vector_load %arg5[%swap3A] {strides = array<i32>} : memref<128xf32, #tpu.memory_space<vmem>>, vector<16xf32>,
    %swap3A_3 = vector.shape_cast %swap3A_2 : vector<16xf32> to vector<16xf32>
    %swap3A_4 = vector.shape_cast %broadcast_in_dim3A_1 : vector<16xf32> to vector<16xf32>
    tpu.vector_store %arg5[%swap3A], %swap3A_4 {strides = array<i32>} : memref<128xf32, #tpu.memory_space<vmem>>, vector<16xf32>,
    %broadcast_in_dim3A_5 = arith.constant 1.000000e+00 : f32
    %broadcast_in_dim3A_6 = vector.broadcast %broadcast_in_dim3A_5 : f32 to vector<16xf32>
    %swap3A_7 = arith.constant 16 : index
    %swap3A_8 = tpu.vector_load %arg5[%swap3A_7] {strides = array<i32>} : memref<128xf32, #tpu.memory_space<vmem>>, vector<16xf32>,
    %swap3A_9 = vector.shape_cast %swap3A_8 : vector<16xf32> to vector<16xf32>
    %swap3A_10 = vector.shape_cast %broadcast_in_dim3A_6 : vector<16xf32> to vector<16xf32>
    tpu.vector_store %arg5[%swap3A_7], %swap3A_10 {strides = array<i32>} : memref<128xf32, #tpu.memory_space<vmem>>, vector<16xf32>,
    %broadcast_in_dim3A_11 = arith.constant 1.000000e+00 : f32
    %broadcast_in_dim3A_12 = vector.broadcast %broadcast_in_dim3A_11 : f32 to vector<16xf32>
    %swap3A_13 = arith.constant 32 : index
    %swap3A_14 = tpu.vector_load %arg5[%swap3A_13] {strides = array<i32>} : memref<128xf32, #tpu.memory_space<vmem>>, vector<16xf32>,
    %swap3A_15 = vector.shape_cast %swap3A_14 : vector<16xf32> to vector<16xf32>
    %swap3A_16 = vector.shape_cast %broadcast_in_dim3A_12 : vector<16xf32> to vector<16xf32>
    tpu.vector_store %arg5[%swap3A_13], %swap3A_16 {strides = array<i32>} : memref<128xf32, #tpu.memory_space<vmem>>, vector<16xf32>,
    %broadcast_in_dim3A_17 = arith.constant 1.000000e+00 : f32
    %broadcast_in_dim3A_18 = vector.broadcast %broadcast_in_dim3A_17 : f32 to vector<16xf32>
    %swap3A_19 = arith.constant 48 : index
    %swap3A_20 = tpu.vector_load %arg5[%swap3A_19] {strides = array<i32>} : memref<128xf32, #tpu.memory_space<vmem>>, vector<16xf32>,
    %swap3A_21 = vector.shape_cast %swap3A_20 : vector<16xf32> to vector<16xf32>
    %swap3A_22 = vector.shape_cast %broadcast_in_dim3A_18 : vector<16xf32> to vector<16xf32>
    tpu.vector_store %arg5[%swap3A_19], %swap3A_22 {strides = array<i32>} : memref<128xf32, #tpu.memory_space<vmem>>, vector<16xf32>,
    %broadcast_in_dim3A_23 = arith.constant 1.000000e+00 : f32
    %broadcast_in_dim3A_24 = vector.broadcast %broadcast_in_dim3A_23 : f32 to vector<16xf32>
    %swap3A_25 = arith.constant 64 : index
    %swap3A_26 = tpu.vector_load %arg5[%swap3A_25] {strides = array<i32>} : memref<128xf32, #tpu.memory_space<vmem>>, vector<16xf32>,
    %swap3A_27 = vector.shape_cast %swap3A_26 : vector<16xf32> to vector<16xf32>
    %swap3A_28 = vector.shape_cast %broadcast_in_dim3A_24 : vector<16xf32> to vector<16xf32>
    tpu.vector_store %arg5[%swap3A_25], %swap3A_28 {strides = array<i32>} : memref<128xf32, #tpu.memory_space<vmem>>, vector<16xf32>,
    %broadcast_in_dim3A_29 = arith.constant 1.000000e+00 : f32
    %broadcast_in_dim3A_30 = vector.broadcast %broadcast_in_dim3A_29 : f32 to vector<16xf32>
    %swap3A_31 = arith.constant 80 : index
    %swap3A_32 = tpu.vector_load %arg5[%swap3A_31] {strides = array<i32>} : memref<128xf32, #tpu.memory_space<vmem>>, vector<16xf32>,
    %swap3A_33 = vector.shape_cast %swap3A_32 : vector<16xf32> to vector<16xf32>
    %swap3A_34 = vector.shape_cast %broadcast_in_dim3A_30 : vector<16xf32> to vector<16xf32>
    tpu.vector_store %arg5[%swap3A_31], %swap3A_34 {strides = array<i32>} : memref<128xf32, #tpu.memory_space<vmem>>, vector<16xf32>,
    %broadcast_in_dim3A_35 = arith.constant 1.000000e+00 : f32
    %broadcast_in_dim3A_36 = vector.broadcast %broadcast_in_dim3A_35 : f32 to vector<16xf32>
    %swap3A_37 = arith.constant 96 : index
    %swap3A_38 = tpu.vector_load %arg5[%swap3A_37] {strides = array<i32>} : memref<128xf32, #tpu.memory_space<vmem>>, vector<16xf32>,
    %swap3A_39 = vector.shape_cast %swap3A_38 : vector<16xf32> to vector<16xf32>
    %swap3A_40 = vector.shape_cast %broadcast_in_dim3A_36 : vector<16xf32> to vector<16xf32>
    tpu.vector_store %arg5[%swap3A_37], %swap3A_40 {strides = array<i32>} : memref<128xf32, #tpu.memory_space<vmem>>, vector<16xf32>,
    %broadcast_in_dim3A_41 = arith.constant 1.000000e+00 : f32
    %broadcast_in_dim3A_42 = vector.broadcast %broadcast_in_dim3A_41 : f32 to vector<16xf32>
    %swap3A_43 = arith.constant 112 : index
    %swap3A_44 = tpu.vector_load %arg5[%swap3A_43] {strides = array<i32>} : memref<128xf32, #tpu.memory_space<vmem>>, vector<16xf32>,
    %swap3A_45 = vector.shape_cast %swap3A_44 : vector<16xf32> to vector<16xf32>
    %swap3A_46 = vector.shape_cast %broadcast_in_dim3A_42 : vector<16xf32> to vector<16xf32>
    tpu.vector_store %arg5[%swap3A_43], %swap3A_46 {strides = array<i32>} : memref<128xf32, #tpu.memory_space<vmem>>, vector<16xf32>,
    %broadcast_in_dim3A_47 = arith.constant 0.000000e+00 : f32
    %broadcast_in_dim3A_48 = vector.broadcast %broadcast_in_dim3A_47 : f32 to vector<16xf32>
    %swap3A_49 = arith.constant 0 : index
    %swap3A_50 = tpu.vector_load %arg6[%swap3A_49] {strides = array<i32>} : memref<640xf32, #tpu.memory_space<vmem>>, vector<16xf32>,
    %swap3A_51 = vector.shape_cast %swap3A_50 : vector<16xf32> to vector<16xf32>
    %swap3A_52 = vector.shape_cast %broadcast_in_dim3A_48 : vector<16xf32> to vector<16xf32>
    tpu.vector_store %arg6[%swap3A_49], %swap3A_52 {strides = array<i32>} : memref<640xf32, #tpu.memory_space<vmem>>, vector<16xf32>,
    %broadcast_in_dim3A_53 = arith.constant 0.000000e+00 : f32
    %broadcast_in_dim3A_54 = vector.broadcast %broadcast_in_dim3A_53 : f32 to vector<16xf32>
    %swap3A_55 = arith.constant 16 : index
    %swap3A_56 = tpu.vector_load %arg6[%swap3A_55] {strides = array<i32>} : memref<640xf32, #tpu.memory_space<vmem>>, vector<16xf32>,
    %swap3A_57 = vector.shape_cast %swap3A_56 : vector<16xf32> to vector<16xf32>
    %swap3A_58 = vector.shape_cast %broadcast_in_dim3A_54 : vector<16xf32> to vector<16xf32>
    tpu.vector_store %arg6[%swap3A_55], %swap3A_58 {strides = array<i32>} : memref<640xf32, #tpu.memory_space<vmem>>, vector<16xf32>,
    %broadcast_in_dim3A_59 = arith.constant 0.000000e+00 : f32
    %broadcast_in_dim3A_60 = vector.broadcast %broadcast_in_dim3A_59 : f32 to vector<16xf32>
    %swap3A_61 = arith.constant 32 : index
    %swap3A_62 = tpu.vector_load %arg6[%swap3A_61] {strides = array<i32>} : memref<640xf32, #tpu.memory_space<vmem>>, vector<16xf32>,
    %swap3A_63 = vector.shape_cast %swap3A_62 : vector<16xf32> to vector<16xf32>
    %swap3A_64 = vector.shape_cast %broadcast_in_dim3A_60 : vector<16xf32> to vector<16xf32>
    tpu.vector_store %arg6[%swap3A_61], %swap3A_64 {strides = array<i32>} : memref<640xf32, #tpu.memory_space<vmem>>, vector<16xf32>,
    %broadcast_in_dim3A_65 = arith.constant 0.000000e+00 : f32
    %broadcast_in_dim3A_66 = vector.broadcast %broadcast_in_dim3A_65 : f32 to vector<16xf32>
    %swap3A_67 = arith.constant 48 : index
    %swap3A_68 = tpu.vector_load %arg6[%swap3A_67] {strides = array<i32>} : memref<640xf32, #tpu.memory_space<vmem>>, vector<16xf32>,
    %swap3A_69 = vector.shape_cast %swap3A_68 : vector<16xf32> to vector<16xf32>
    %swap3A_70 = vector.shape_cast %broadcast_in_dim3A_66 : vector<16xf32> to vector<16xf32>
    tpu.vector_store %arg6[%swap3A_67], %swap3A_70 {strides = array<i32>} : memref<640xf32, #tpu.memory_space<vmem>>, vector<16xf32>,
    %broadcast_in_dim3A_71 = arith.constant 0.000000e+00 : f32
    %broadcast_in_dim3A_72 = vector.broadcast %broadcast_in_dim3A_71 : f32 to vector<16xf32>
    %swap3A_73 = arith.constant 64 : index
    %swap3A_74 = tpu.vector_load %arg6[%swap3A_73] {strides = array<i32>} : memref<640xf32, #tpu.memory_space<vmem>>, vector<16xf32>,
    %swap3A_75 = vector.shape_cast %swap3A_74 : vector<16xf32> to vector<16xf32>
    %swap3A_76 = vector.shape_cast %broadcast_in_dim3A_72 : vector<16xf32> to vector<16xf32>
    tpu.vector_store %arg6[%swap3A_73], %swap3A_76 {strides = array<i32>} : memref<640xf32, #tpu.memory_space<vmem>>, vector<16xf32>,
    %broadcast_in_dim3A_77 = arith.constant 0.000000e+00 : f32
    %broadcast_in_dim3A_78 = vector.broadcast %broadcast_in_dim3A_77 : f32 to vector<16xf32>
    %swap3A_79 = arith.constant 80 : index
    %swap3A_80 = tpu.vector_load %arg6[%swap3A_79] {strides = array<i32>} : memref<640xf32, #tpu.memory_space<vmem>>, vector<16xf32>,
    %swap3A_81 = vector.shape_cast %swap3A_80 : vector<16xf32> to vector<16xf32>
    %swap3A_82 = vector.shape_cast %broadcast_in_dim3A_78 : vector<16xf32> to vector<16xf32>
    tpu.vector_store %arg6[%swap3A_79], %swap3A_82 {strides = array<i32>} : memref<640xf32, #tpu.memory_space<vmem>>, vector<16xf32>,
    %broadcast_in_dim3A_83 = arith.constant 0.000000e+00 : f32
    %broadcast_in_dim3A_84 = vector.broadcast %broadcast_in_dim3A_83 : f32 to vector<16xf32>
    %swap3A_85 = arith.constant 96 : index
    %swap3A_86 = tpu.vector_load %arg6[%swap3A_85] {strides = array<i32>} : memref<640xf32, #tpu.memory_space<vmem>>, vector<16xf32>,
    %swap3A_87 = vector.shape_cast %swap3A_86 : vector<16xf32> to vector<16xf32>
    %swap3A_88 = vector.shape_cast %broadcast_in_dim3A_84 : vector<16xf32> to vector<16xf32>
    tpu.vector_store %arg6[%swap3A_85], %swap3A_88 {strides = array<i32>} : memref<640xf32, #tpu.memory_space<vmem>>, vector<16xf32>,
    %broadcast_in_dim3A_89 = arith.constant 0.000000e+00 : f32
    %broadcast_in_dim3A_90 = vector.broadcast %broadcast_in_dim3A_89 : f32 to vector<16xf32>
    %swap3A_91 = arith.constant 112 : index
    %swap3A_92 = tpu.vector_load %arg6[%swap3A_91] {strides = array<i32>} : memref<640xf32, #tpu.memory_space<vmem>>, vector<16xf32>,
    %swap3A_93 = vector.shape_cast %swap3A_92 : vector<16xf32> to vector<16xf32>
    %swap3A_94 = vector.shape_cast %broadcast_in_dim3A_90 : vector<16xf32> to vector<16xf32>
    tpu.vector_store %arg6[%swap3A_91], %swap3A_94 {strides = array<i32>} : memref<640xf32, #tpu.memory_space<vmem>>, vector<16xf32>,
    %broadcast_in_dim3A_95 = arith.constant 0.000000e+00 : f32
    %broadcast_in_dim3A_96 = vector.broadcast %broadcast_in_dim3A_95 : f32 to vector<16xf32>
    %swap3A_97 = arith.constant 128 : index
    %swap3A_98 = tpu.vector_load %arg6[%swap3A_97] {strides = array<i32>} : memref<640xf32, #tpu.memory_space<vmem>>, vector<16xf32>,
    %swap3A_99 = vector.shape_cast %swap3A_98 : vector<16xf32> to vector<16xf32>
    %swap3A_100 = vector.shape_cast %broadcast_in_dim3A_96 : vector<16xf32> to vector<16xf32>
    tpu.vector_store %arg6[%swap3A_97], %swap3A_100 {strides = array<i32>} : memref<640xf32, #tpu.memory_space<vmem>>, vector<16xf32>,
    %broadcast_in_dim3A_101 = arith.constant 0.000000e+00 : f32
    %broadcast_in_dim3A_102 = vector.broadcast %broadcast_in_dim3A_101 : f32 to vector<16xf32>
    %swap3A_103 = arith.constant 144 : index
    %swap3A_104 = tpu.vector_load %arg6[%swap3A_103] {strides = array<i32>} : memref<640xf32, #tpu.memory_space<vmem>>, vector<16xf32>,
    %swap3A_105 = vector.shape_cast %swap3A_104 : vector<16xf32> to vector<16xf32>
    %swap3A_106 = vector.shape_cast %broadcast_in_dim3A_102 : vector<16xf32> to vector<16xf32>
    tpu.vector_store %arg6[%swap3A_103], %swap3A_106 {strides = array<i32>} : memref<640xf32, #tpu.memory_space<vmem>>, vector<16xf32>,
    %broadcast_in_dim3A_107 = arith.constant 0.000000e+00 : f32
    %broadcast_in_dim3A_108 = vector.broadcast %broadcast_in_dim3A_107 : f32 to vector<16xf32>
    %swap3A_109 = arith.constant 160 : index
    %swap3A_110 = tpu.vector_load %arg6[%swap3A_109] {strides = array<i32>} : memref<640xf32, #tpu.memory_space<vmem>>, vector<16xf32>,
    %swap3A_111 = vector.shape_cast %swap3A_110 : vector<16xf32> to vector<16xf32>
    %swap3A_112 = vector.shape_cast %broadcast_in_dim3A_108 : vector<16xf32> to vector<16xf32>
    tpu.vector_store %arg6[%swap3A_109], %swap3A_112 {strides = array<i32>} : memref<640xf32, #tpu.memory_space<vmem>>, vector<16xf32>,
    %broadcast_in_dim3A_113 = arith.constant 0.000000e+00 : f32
    %broadcast_in_dim3A_114 = vector.broadcast %broadcast_in_dim3A_113 : f32 to vector<16xf32>
    %swap3A_115 = arith.constant 176 : index
    %swap3A_116 = tpu.vector_load %arg6[%swap3A_115] {strides = array<i32>} : memref<640xf32, #tpu.memory_space<vmem>>, vector<16xf32>,
    %swap3A_117 = vector.shape_cast %swap3A_116 : vector<16xf32> to vector<16xf32>
    %swap3A_118 = vector.shape_cast %broadcast_in_dim3A_114 : vector<16xf32> to vector<16xf32>
    tpu.vector_store %arg6[%swap3A_115], %swap3A_118 {strides = array<i32>} : memref<640xf32, #tpu.memory_space<vmem>>, vector<16xf32>,
    %broadcast_in_dim3A_119 = arith.constant 0.000000e+00 : f32
    %broadcast_in_dim3A_120 = vector.broadcast %broadcast_in_dim3A_119 : f32 to vector<16xf32>
    %swap3A_121 = arith.constant 192 : index
    %swap3A_122 = tpu.vector_load %arg6[%swap3A_121] {strides = array<i32>} : memref<640xf32, #tpu.memory_space<vmem>>, vector<16xf32>,
    %swap3A_123 = vector.shape_cast %swap3A_122 : vector<16xf32> to vector<16xf32>
    %swap3A_124 = vector.shape_cast %broadcast_in_dim3A_120 : vector<16xf32> to vector<16xf32>
    tpu.vector_store %arg6[%swap3A_121], %swap3A_124 {strides = array<i32>} : memref<640xf32, #tpu.memory_space<vmem>>, vector<16xf32>,
    %broadcast_in_dim3A_125 = arith.constant 0.000000e+00 : f32
    %broadcast_in_dim3A_126 = vector.broadcast %broadcast_in_dim3A_125 : f32 to vector<16xf32>
    %swap3A_127 = arith.constant 208 : index
    %swap3A_128 = tpu.vector_load %arg6[%swap3A_127] {strides = array<i32>} : memref<640xf32, #tpu.memory_space<vmem>>, vector<16xf32>,
    %swap3A_129 = vector.shape_cast %swap3A_128 : vector<16xf32> to vector<16xf32>
    %swap3A_130 = vector.shape_cast %broadcast_in_dim3A_126 : vector<16xf32> to vector<16xf32>
    tpu.vector_store %arg6[%swap3A_127], %swap3A_130 {strides = array<i32>} : memref<640xf32, #tpu.memory_space<vmem>>, vector<16xf32>,
    %broadcast_in_dim3A_131 = arith.constant 0.000000e+00 : f32
    %broadcast_in_dim3A_132 = vector.broadcast %broadcast_in_dim3A_131 : f32 to vector<16xf32>
    %swap3A_133 = arith.constant 224 : index
    %swap3A_134 = tpu.vector_load %arg6[%swap3A_133] {strides = array<i32>} : memref<640xf32, #tpu.memory_space<vmem>>, vector<16xf32>,
    %swap3A_135 = vector.shape_cast %swap3A_134 : vector<16xf32> to vector<16xf32>
    %swap3A_136 = vector.shape_cast %broadcast_in_dim3A_132 : vector<16xf32> to vector<16xf32>
    tpu.vector_store %arg6[%swap3A_133], %swap3A_136 {strides = array<i32>} : memref<640xf32, #tpu.memory_space<vmem>>, vector<16xf32>,
    %broadcast_in_dim3A_137 = arith.constant 0.000000e+00 : f32
    %broadcast_in_dim3A_138 = vector.broadcast %broadcast_in_dim3A_137 : f32 to vector<16xf32>
    %swap3A_139 = arith.constant 240 : index
    %swap3A_140 = tpu.vector_load %arg6[%swap3A_139] {strides = array<i32>} : memref<640xf32, #tpu.memory_space<vmem>>, vector<16xf32>,
    %swap3A_141 = vector.shape_cast %swap3A_140 : vector<16xf32> to vector<16xf32>
    %swap3A_142 = vector.shape_cast %broadcast_in_dim3A_138 : vector<16xf32> to vector<16xf32>
    tpu.vector_store %arg6[%swap3A_139], %swap3A_142 {strides = array<i32>} : memref<640xf32, #tpu.memory_space<vmem>>, vector<16xf32>,
    %broadcast_in_dim3A_143 = arith.constant 0.000000e+00 : f32
    %broadcast_in_dim3A_144 = vector.broadcast %broadcast_in_dim3A_143 : f32 to vector<16xf32>
    %swap3A_145 = arith.constant 256 : index
    %swap3A_146 = tpu.vector_load %arg6[%swap3A_145] {strides = array<i32>} : memref<640xf32, #tpu.memory_space<vmem>>, vector<16xf32>,
    %swap3A_147 = vector.shape_cast %swap3A_146 : vector<16xf32> to vector<16xf32>
    %swap3A_148 = vector.shape_cast %broadcast_in_dim3A_144 : vector<16xf32> to vector<16xf32>
    tpu.vector_store %arg6[%swap3A_145], %swap3A_148 {strides = array<i32>} : memref<640xf32, #tpu.memory_space<vmem>>, vector<16xf32>,
    %broadcast_in_dim3A_149 = arith.constant 0.000000e+00 : f32
    %broadcast_in_dim3A_150 = vector.broadcast %broadcast_in_dim3A_149 : f32 to vector<16xf32>
    %swap3A_151 = arith.constant 272 : index
    %swap3A_152 = tpu.vector_load %arg6[%swap3A_151] {strides = array<i32>} : memref<640xf32, #tpu.memory_space<vmem>>, vector<16xf32>,
    %swap3A_153 = vector.shape_cast %swap3A_152 : vector<16xf32> to vector<16xf32>
    %swap3A_154 = vector.shape_cast %broadcast_in_dim3A_150 : vector<16xf32> to vector<16xf32>
    tpu.vector_store %arg6[%swap3A_151], %swap3A_154 {strides = array<i32>} : memref<640xf32, #tpu.memory_space<vmem>>, vector<16xf32>,
    %broadcast_in_dim3A_155 = arith.constant 0.000000e+00 : f32
    %broadcast_in_dim3A_156 = vector.broadcast %broadcast_in_dim3A_155 : f32 to vector<16xf32>
    %swap3A_157 = arith.constant 288 : index
    %swap3A_158 = tpu.vector_load %arg6[%swap3A_157] {strides = array<i32>} : memref<640xf32, #tpu.memory_space<vmem>>, vector<16xf32>,
    %swap3A_159 = vector.shape_cast %swap3A_158 : vector<16xf32> to vector<16xf32>
    %swap3A_160 = vector.shape_cast %broadcast_in_dim3A_156 : vector<16xf32> to vector<16xf32>
    tpu.vector_store %arg6[%swap3A_157], %swap3A_160 {strides = array<i32>} : memref<640xf32, #tpu.memory_space<vmem>>, vector<16xf32>,
    %broadcast_in_dim3A_161 = arith.constant 0.000000e+00 : f32
    %broadcast_in_dim3A_162 = vector.broadcast %broadcast_in_dim3A_161 : f32 to vector<16xf32>
    %swap3A_163 = arith.constant 304 : index
    %swap3A_164 = tpu.vector_load %arg6[%swap3A_163] {strides = array<i32>} : memref<640xf32, #tpu.memory_space<vmem>>, vector<16xf32>,
    %swap3A_165 = vector.shape_cast %swap3A_164 : vector<16xf32> to vector<16xf32>
    %swap3A_166 = vector.shape_cast %broadcast_in_dim3A_162 : vector<16xf32> to vector<16xf32>
    tpu.vector_store %arg6[%swap3A_163], %swap3A_166 {strides = array<i32>} : memref<640xf32, #tpu.memory_space<vmem>>, vector<16xf32>,
    %broadcast_in_dim3A_167 = arith.constant 0.000000e+00 : f32
    %broadcast_in_dim3A_168 = vector.broadcast %broadcast_in_dim3A_167 : f32 to vector<16xf32>
    %swap3A_169 = arith.constant 320 : index
    %swap3A_170 = tpu.vector_load %arg6[%swap3A_169] {strides = array<i32>} : memref<640xf32, #tpu.memory_space<vmem>>, vector<16xf32>,
    %swap3A_171 = vector.shape_cast %swap3A_170 : vector<16xf32> to vector<16xf32>
    %swap3A_172 = vector.shape_cast %broadcast_in_dim3A_168 : vector<16xf32> to vector<16xf32>
    tpu.vector_store %arg6[%swap3A_169], %swap3A_172 {strides = array<i32>} : memref<640xf32, #tpu.memory_space<vmem>>, vector<16xf32>,
    %broadcast_in_dim3A_173 = arith.constant 0.000000e+00 : f32
    %broadcast_in_dim3A_174 = vector.broadcast %broadcast_in_dim3A_173 : f32 to vector<16xf32>
    %swap3A_175 = arith.constant 336 : index
    %swap3A_176 = tpu.vector_load %arg6[%swap3A_175] {strides = array<i32>} : memref<640xf32, #tpu.memory_space<vmem>>, vector<16xf32>,
    %swap3A_177 = vector.shape_cast %swap3A_176 : vector<16xf32> to vector<16xf32>
    %swap3A_178 = vector.shape_cast %broadcast_in_dim3A_174 : vector<16xf32> to vector<16xf32>
    tpu.vector_store %arg6[%swap3A_175], %swap3A_178 {strides = array<i32>} : memref<640xf32, #tpu.memory_space<vmem>>, vector<16xf32>,
    %broadcast_in_dim3A_179 = arith.constant 0.000000e+00 : f32
    %broadcast_in_dim3A_180 = vector.broadcast %broadcast_in_dim3A_179 : f32 to vector<16xf32>
    %swap3A_181 = arith.constant 352 : index
    %swap3A_182 = tpu.vector_load %arg6[%swap3A_181] {strides = array<i32>} : memref<640xf32, #tpu.memory_space<vmem>>, vector<16xf32>,
    %swap3A_183 = vector.shape_cast %swap3A_182 : vector<16xf32> to vector<16xf32>
    %swap3A_184 = vector.shape_cast %broadcast_in_dim3A_180 : vector<16xf32> to vector<16xf32>
    tpu.vector_store %arg6[%swap3A_181], %swap3A_184 {strides = array<i32>} : memref<640xf32, #tpu.memory_space<vmem>>, vector<16xf32>,
    %broadcast_in_dim3A_185 = arith.constant 0.000000e+00 : f32
    %broadcast_in_dim3A_186 = vector.broadcast %broadcast_in_dim3A_185 : f32 to vector<16xf32>
    %swap3A_187 = arith.constant 368 : index
    %swap3A_188 = tpu.vector_load %arg6[%swap3A_187] {strides = array<i32>} : memref<640xf32, #tpu.memory_space<vmem>>, vector<16xf32>,
    %swap3A_189 = vector.shape_cast %swap3A_188 : vector<16xf32> to vector<16xf32>
    %swap3A_190 = vector.shape_cast %broadcast_in_dim3A_186 : vector<16xf32> to vector<16xf32>
    tpu.vector_store %arg6[%swap3A_187], %swap3A_190 {strides = array<i32>} : memref<640xf32, #tpu.memory_space<vmem>>, vector<16xf32>,
    %broadcast_in_dim3A_191 = arith.constant 0.000000e+00 : f32
    %broadcast_in_dim3A_192 = vector.broadcast %broadcast_in_dim3A_191 : f32 to vector<16xf32>
    %swap3A_193 = arith.constant 384 : index
    %swap3A_194 = tpu.vector_load %arg6[%swap3A_193] {strides = array<i32>} : memref<640xf32, #tpu.memory_space<vmem>>, vector<16xf32>,
    %swap3A_195 = vector.shape_cast %swap3A_194 : vector<16xf32> to vector<16xf32>
    %swap3A_196 = vector.shape_cast %broadcast_in_dim3A_192 : vector<16xf32> to vector<16xf32>
    tpu.vector_store %arg6[%swap3A_193], %swap3A_196 {strides = array<i32>} : memref<640xf32, #tpu.memory_space<vmem>>, vector<16xf32>,
    %broadcast_in_dim3A_197 = arith.constant 0.000000e+00 : f32
    %broadcast_in_dim3A_198 = vector.broadcast %broadcast_in_dim3A_197 : f32 to vector<16xf32>
    %swap3A_199 = arith.constant 400 : index
    %swap3A_200 = tpu.vector_load %arg6[%swap3A_199] {strides = array<i32>} : memref<640xf32, #tpu.memory_space<vmem>>, vector<16xf32>,
    %swap3A_201 = vector.shape_cast %swap3A_200 : vector<16xf32> to vector<16xf32>
    %swap3A_202 = vector.shape_cast %broadcast_in_dim3A_198 : vector<16xf32> to vector<16xf32>
    tpu.vector_store %arg6[%swap3A_199], %swap3A_202 {strides = array<i32>} : memref<640xf32, #tpu.memory_space<vmem>>, vector<16xf32>,
    %broadcast_in_dim3A_203 = arith.constant 0.000000e+00 : f32
    %broadcast_in_dim3A_204 = vector.broadcast %broadcast_in_dim3A_203 : f32 to vector<16xf32>
    %swap3A_205 = arith.constant 416 : index
    %swap3A_206 = tpu.vector_load %arg6[%swap3A_205] {strides = array<i32>} : memref<640xf32, #tpu.memory_space<vmem>>, vector<16xf32>,
    %swap3A_207 = vector.shape_cast %swap3A_206 : vector<16xf32> to vector<16xf32>
    %swap3A_208 = vector.shape_cast %broadcast_in_dim3A_204 : vector<16xf32> to vector<16xf32>
    tpu.vector_store %arg6[%swap3A_205], %swap3A_208 {strides = array<i32>} : memref<640xf32, #tpu.memory_space<vmem>>, vector<16xf32>,
    %broadcast_in_dim3A_209 = arith.constant 0.000000e+00 : f32
    %broadcast_in_dim3A_210 = vector.broadcast %broadcast_in_dim3A_209 : f32 to vector<16xf32>
    %swap3A_211 = arith.constant 432 : index
    %swap3A_212 = tpu.vector_load %arg6[%swap3A_211] {strides = array<i32>} : memref<640xf32, #tpu.memory_space<vmem>>, vector<16xf32>,
    %swap3A_213 = vector.shape_cast %swap3A_212 : vector<16xf32> to vector<16xf32>
    %swap3A_214 = vector.shape_cast %broadcast_in_dim3A_210 : vector<16xf32> to vector<16xf32>
    tpu.vector_store %arg6[%swap3A_211], %swap3A_214 {strides = array<i32>} : memref<640xf32, #tpu.memory_space<vmem>>, vector<16xf32>,
    %broadcast_in_dim3A_215 = arith.constant 0.000000e+00 : f32
    %broadcast_in_dim3A_216 = vector.broadcast %broadcast_in_dim3A_215 : f32 to vector<16xf32>
    %swap3A_217 = arith.constant 448 : index
    %swap3A_218 = tpu.vector_load %arg6[%swap3A_217] {strides = array<i32>} : memref<640xf32, #tpu.memory_space<vmem>>, vector<16xf32>,
    %swap3A_219 = vector.shape_cast %swap3A_218 : vector<16xf32> to vector<16xf32>
    %swap3A_220 = vector.shape_cast %broadcast_in_dim3A_216 : vector<16xf32> to vector<16xf32>
    tpu.vector_store %arg6[%swap3A_217], %swap3A_220 {strides = array<i32>} : memref<640xf32, #tpu.memory_space<vmem>>, vector<16xf32>,
    %broadcast_in_dim3A_221 = arith.constant 0.000000e+00 : f32
    %broadcast_in_dim3A_222 = vector.broadcast %broadcast_in_dim3A_221 : f32 to vector<16xf32>
    %swap3A_223 = arith.constant 464 : index
    %swap3A_224 = tpu.vector_load %arg6[%swap3A_223] {strides = array<i32>} : memref<640xf32, #tpu.memory_space<vmem>>, vector<16xf32>,
    %swap3A_225 = vector.shape_cast %swap3A_224 : vector<16xf32> to vector<16xf32>
    %swap3A_226 = vector.shape_cast %broadcast_in_dim3A_222 : vector<16xf32> to vector<16xf32>
    tpu.vector_store %arg6[%swap3A_223], %swap3A_226 {strides = array<i32>} : memref<640xf32, #tpu.memory_space<vmem>>, vector<16xf32>,
    %broadcast_in_dim3A_227 = arith.constant 0.000000e+00 : f32
    %broadcast_in_dim3A_228 = vector.broadcast %broadcast_in_dim3A_227 : f32 to vector<16xf32>
    %swap3A_229 = arith.constant 480 : index
    %swap3A_230 = tpu.vector_load %arg6[%swap3A_229] {strides = array<i32>} : memref<640xf32, #tpu.memory_space<vmem>>, vector<16xf32>,
    %swap3A_231 = vector.shape_cast %swap3A_230 : vector<16xf32> to vector<16xf32>
    %swap3A_232 = vector.shape_cast %broadcast_in_dim3A_228 : vector<16xf32> to vector<16xf32>
    tpu.vector_store %arg6[%swap3A_229], %swap3A_232 {strides = array<i32>} : memref<640xf32, #tpu.memory_space<vmem>>, vector<16xf32>,
    %broadcast_in_dim3A_233 = arith.constant 0.000000e+00 : f32
    %broadcast_in_dim3A_234 = vector.broadcast %broadcast_in_dim3A_233 : f32 to vector<16xf32>
    %swap3A_235 = arith.constant 496 : index
    %swap3A_236 = tpu.vector_load %arg6[%swap3A_235] {strides = array<i32>} : memref<640xf32, #tpu.memory_space<vmem>>, vector<16xf32>,
    %swap3A_237 = vector.shape_cast %swap3A_236 : vector<16xf32> to vector<16xf32>
    %swap3A_238 = vector.shape_cast %broadcast_in_dim3A_234 : vector<16xf32> to vector<16xf32>
    tpu.vector_store %arg6[%swap3A_235], %swap3A_238 {strides = array<i32>} : memref<640xf32, #tpu.memory_space<vmem>>, vector<16xf32>,
    %broadcast_in_dim3A_239 = arith.constant 0.000000e+00 : f32
    %broadcast_in_dim3A_240 = vector.broadcast %broadcast_in_dim3A_239 : f32 to vector<16xf32>
    %swap3A_241 = arith.constant 512 : index
    %swap3A_242 = tpu.vector_load %arg6[%swap3A_241] {strides = array<i32>} : memref<640xf32, #tpu.memory_space<vmem>>, vector<16xf32>,
    %swap3A_243 = vector.shape_cast %swap3A_242 : vector<16xf32> to vector<16xf32>
    %swap3A_244 = vector.shape_cast %broadcast_in_dim3A_240 : vector<16xf32> to vector<16xf32>
    tpu.vector_store %arg6[%swap3A_241], %swap3A_244 {strides = array<i32>} : memref<640xf32, #tpu.memory_space<vmem>>, vector<16xf32>,
    %broadcast_in_dim3A_245 = arith.constant 0.000000e+00 : f32
    %broadcast_in_dim3A_246 = vector.broadcast %broadcast_in_dim3A_245 : f32 to vector<16xf32>
    %swap3A_247 = arith.constant 528 : index
    %swap3A_248 = tpu.vector_load %arg6[%swap3A_247] {strides = array<i32>} : memref<640xf32, #tpu.memory_space<vmem>>, vector<16xf32>,
    %swap3A_249 = vector.shape_cast %swap3A_248 : vector<16xf32> to vector<16xf32>
    %swap3A_250 = vector.shape_cast %broadcast_in_dim3A_246 : vector<16xf32> to vector<16xf32>
    tpu.vector_store %arg6[%swap3A_247], %swap3A_250 {strides = array<i32>} : memref<640xf32, #tpu.memory_space<vmem>>, vector<16xf32>,
    %broadcast_in_dim3A_251 = arith.constant 0.000000e+00 : f32
    %broadcast_in_dim3A_252 = vector.broadcast %broadcast_in_dim3A_251 : f32 to vector<16xf32>
    %swap3A_253 = arith.constant 544 : index
    %swap3A_254 = tpu.vector_load %arg6[%swap3A_253] {strides = array<i32>} : memref<640xf32, #tpu.memory_space<vmem>>, vector<16xf32>,
    %swap3A_255 = vector.shape_cast %swap3A_254 : vector<16xf32> to vector<16xf32>
    %swap3A_256 = vector.shape_cast %broadcast_in_dim3A_252 : vector<16xf32> to vector<16xf32>
    tpu.vector_store %arg6[%swap3A_253], %swap3A_256 {strides = array<i32>} : memref<640xf32, #tpu.memory_space<vmem>>, vector<16xf32>,
    %broadcast_in_dim3A_257 = arith.constant 0.000000e+00 : f32
    %broadcast_in_dim3A_258 = vector.broadcast %broadcast_in_dim3A_257 : f32 to vector<16xf32>
    %swap3A_259 = arith.constant 560 : index
    %swap3A_260 = tpu.vector_load %arg6[%swap3A_259] {strides = array<i32>} : memref<640xf32, #tpu.memory_space<vmem>>, vector<16xf32>,
    %swap3A_261 = vector.shape_cast %swap3A_260 : vector<16xf32> to vector<16xf32>
    %swap3A_262 = vector.shape_cast %broadcast_in_dim3A_258 : vector<16xf32> to vector<16xf32>
    tpu.vector_store %arg6[%swap3A_259], %swap3A_262 {strides = array<i32>} : memref<640xf32, #tpu.memory_space<vmem>>, vector<16xf32>,
    %broadcast_in_dim3A_263 = arith.constant 0.000000e+00 : f32
    %broadcast_in_dim3A_264 = vector.broadcast %broadcast_in_dim3A_263 : f32 to vector<16xf32>
    %swap3A_265 = arith.constant 576 : index
    %swap3A_266 = tpu.vector_load %arg6[%swap3A_265] {strides = array<i32>} : memref<640xf32, #tpu.memory_space<vmem>>, vector<16xf32>,
    %swap3A_267 = vector.shape_cast %swap3A_266 : vector<16xf32> to vector<16xf32>
    %swap3A_268 = vector.shape_cast %broadcast_in_dim3A_264 : vector<16xf32> to vector<16xf32>
    tpu.vector_store %arg6[%swap3A_265], %swap3A_268 {strides = array<i32>} : memref<640xf32, #tpu.memory_space<vmem>>, vector<16xf32>,
    %broadcast_in_dim3A_269 = arith.constant 0.000000e+00 : f32
    %broadcast_in_dim3A_270 = vector.broadcast %broadcast_in_dim3A_269 : f32 to vector<16xf32>
    %swap3A_271 = arith.constant 592 : index
    %swap3A_272 = tpu.vector_load %arg6[%swap3A_271] {strides = array<i32>} : memref<640xf32, #tpu.memory_space<vmem>>, vector<16xf32>,
    %swap3A_273 = vector.shape_cast %swap3A_272 : vector<16xf32> to vector<16xf32>
    %swap3A_274 = vector.shape_cast %broadcast_in_dim3A_270 : vector<16xf32> to vector<16xf32>
    tpu.vector_store %arg6[%swap3A_271], %swap3A_274 {strides = array<i32>} : memref<640xf32, #tpu.memory_space<vmem>>, vector<16xf32>,
    %broadcast_in_dim3A_275 = arith.constant 0.000000e+00 : f32
    %broadcast_in_dim3A_276 = vector.broadcast %broadcast_in_dim3A_275 : f32 to vector<16xf32>
    %swap3A_277 = arith.constant 608 : index
    %swap3A_278 = tpu.vector_load %arg6[%swap3A_277] {strides = array<i32>} : memref<640xf32, #tpu.memory_space<vmem>>, vector<16xf32>,
    %swap3A_279 = vector.shape_cast %swap3A_278 : vector<16xf32> to vector<16xf32>
    %swap3A_280 = vector.shape_cast %broadcast_in_dim3A_276 : vector<16xf32> to vector<16xf32>
    tpu.vector_store %arg6[%swap3A_277], %swap3A_280 {strides = array<i32>} : memref<640xf32, #tpu.memory_space<vmem>>, vector<16xf32>,
    %broadcast_in_dim3A_281 = arith.constant 0.000000e+00 : f32
    %broadcast_in_dim3A_282 = vector.broadcast %broadcast_in_dim3A_281 : f32 to vector<16xf32>
    %swap3A_283 = arith.constant 624 : index
    %swap3A_284 = tpu.vector_load %arg6[%swap3A_283] {strides = array<i32>} : memref<640xf32, #tpu.memory_space<vmem>>, vector<16xf32>,
    %swap3A_285 = vector.shape_cast %swap3A_284 : vector<16xf32> to vector<16xf32>
    %swap3A_286 = vector.shape_cast %broadcast_in_dim3A_282 : vector<16xf32> to vector<16xf32>
    tpu.vector_store %arg6[%swap3A_283], %swap3A_286 {strides = array<i32>} : memref<640xf32, #tpu.memory_space<vmem>>, vector<16xf32>,
    %mul3A_287 = arith.constant 640 : i32
    %mul3A_288 = arith.muli %arg1, %mul3A_287 : i32
    "tpu.region"() ({
      %run_scoped3A = tpu.sem_alloc : memref<!tpu.dma_semaphore, #tpu.memory_space<semaphore_mem>>
      %dma_start3A = tpu.memref_slice %arg7[%mul3A_288] : memref<10240xf32, #tpu.memory_space<vmem_shared>> -> memref<640xf32, #tpu.memory_space<vmem_shared>>
      %dma_start3A_305 = tpu.memref_slice %arg7[%mul3A_288] : memref<10240xf32, #tpu.memory_space<vmem_shared>> -> memref<640xf32, #tpu.memory_space<vmem_shared>>
      tpu.enqueue_dma source(%arg6 : memref<640xf32, #tpu.memory_space<vmem>>) target(%dma_start3A_305 : memref<640xf32, #tpu.memory_space<vmem_shared>>) target_semaphore(%run_scoped3A : memref<!tpu.dma_semaphore, #tpu.memory_space<semaphore_mem>>)
      %dma_wait3A = tpu.memref_slice %arg7[%mul3A_288] : memref<10240xf32, #tpu.memory_space<vmem_shared>> -> memref<640xf32, #tpu.memory_space<vmem_shared>>
      %dma_wait3A_306 = tpu.memref_slice %arg7[%mul3A_288] : memref<10240xf32, #tpu.memory_space<vmem_shared>> -> memref<640xf32, #tpu.memory_space<vmem_shared>>
      tpu.wait_dma2 semaphore(%run_scoped3A : memref<!tpu.dma_semaphore, #tpu.memory_space<semaphore_mem>>) src(%arg6 : memref<640xf32, #tpu.memory_space<vmem>>) dst(%dma_wait3A_306 : memref<640xf32, #tpu.memory_space<vmem_shared>>)
      tpu.yield
    }) : () -> ()
    %scan3A = arith.constant 0 : i32
    %scan3A_289 = arith.constant 0 : i32
    %scan3A_290 = arith.constant 79 : i32
    %scan3A_291 = arith.addi %scan3A_289, %scan3A_290 : i32
    %scan3A_292 = arith.constant 1 : i32
    scf.for %scan3A_305 = %scan3A_289 to %scan3A_291 step %scan3A_292  : i32 {
      %get3A = arith.index_cast %scan3A_305 : i32 to index
      %get3A_306 = arith.constant 0 : index
      %get3A_307 = tpu.vector_load %arg4[%get3A, %get3A_306] {strides = array<i32>} : memref<79x128xi32, #tpu.memory_space<vmem>>, vector<1x16xi32>,
      %get3A_308 = vector.shape_cast %get3A_307 : vector<1x16xi32> to vector<16xi32>
      %and3A = arith.constant 16383 : i32
      %and3A_309 = vector.broadcast %and3A : i32 to vector<16xi32>
      %and3A_310 = arith.andi %get3A_308, %and3A_309 : vector<16xi32>
      %swap3A_311 = arith.index_cast %scan3A_305 : i32 to index
      %swap3A_312 = arith.constant 0 : index
      %swap3A_313 = tpu.vector_load %arg4[%swap3A_311, %swap3A_312] {strides = array<i32>} : memref<79x128xi32, #tpu.memory_space<vmem>>, vector<1x16xi32>,
      %swap3A_314 = vector.shape_cast %swap3A_313 : vector<1x16xi32> to vector<16xi32>
      %swap3A_315 = vector.shape_cast %and3A_310 : vector<16xi32> to vector<1x16xi32>
      tpu.vector_store %arg4[%swap3A_311, %swap3A_312], %swap3A_315 {strides = array<i32>} : memref<79x128xi32, #tpu.memory_space<vmem>>, vector<1x16xi32>,
      %get3A_316 = arith.index_cast %scan3A_305 : i32 to index
      %get3A_317 = arith.constant 16 : index
      %get3A_318 = tpu.vector_load %arg4[%get3A_316, %get3A_317] {strides = array<i32>} : memref<79x128xi32, #tpu.memory_space<vmem>>, vector<1x16xi32>,
      %get3A_319 = vector.shape_cast %get3A_318 : vector<1x16xi32> to vector<16xi32>
      %and3A_320 = arith.constant 16383 : i32
      %and3A_321 = vector.broadcast %and3A_320 : i32 to vector<16xi32>
      %and3A_322 = arith.andi %get3A_319, %and3A_321 : vector<16xi32>
      %swap3A_323 = arith.index_cast %scan3A_305 : i32 to index
      %swap3A_324 = arith.constant 16 : index
      %swap3A_325 = tpu.vector_load %arg4[%swap3A_323, %swap3A_324] {strides = array<i32>} : memref<79x128xi32, #tpu.memory_space<vmem>>, vector<1x16xi32>,
      %swap3A_326 = vector.shape_cast %swap3A_325 : vector<1x16xi32> to vector<16xi32>
      %swap3A_327 = vector.shape_cast %and3A_322 : vector<16xi32> to vector<1x16xi32>
      tpu.vector_store %arg4[%swap3A_323, %swap3A_324], %swap3A_327 {strides = array<i32>} : memref<79x128xi32, #tpu.memory_space<vmem>>, vector<1x16xi32>,
      %get3A_328 = arith.index_cast %scan3A_305 : i32 to index
      %get3A_329 = arith.constant 32 : index
      %get3A_330 = tpu.vector_load %arg4[%get3A_328, %get3A_329] {strides = array<i32>} : memref<79x128xi32, #tpu.memory_space<vmem>>, vector<1x16xi32>,
      %get3A_331 = vector.shape_cast %get3A_330 : vector<1x16xi32> to vector<16xi32>
      %and3A_332 = arith.constant 16383 : i32
      %and3A_333 = vector.broadcast %and3A_332 : i32 to vector<16xi32>
      %and3A_334 = arith.andi %get3A_331, %and3A_333 : vector<16xi32>
      %swap3A_335 = arith.index_cast %scan3A_305 : i32 to index
      %swap3A_336 = arith.constant 32 : index
      %swap3A_337 = tpu.vector_load %arg4[%swap3A_335, %swap3A_336] {strides = array<i32>} : memref<79x128xi32, #tpu.memory_space<vmem>>, vector<1x16xi32>,
      %swap3A_338 = vector.shape_cast %swap3A_337 : vector<1x16xi32> to vector<16xi32>
      %swap3A_339 = vector.shape_cast %and3A_334 : vector<16xi32> to vector<1x16xi32>
      tpu.vector_store %arg4[%swap3A_335, %swap3A_336], %swap3A_339 {strides = array<i32>} : memref<79x128xi32, #tpu.memory_space<vmem>>, vector<1x16xi32>,
      %get3A_340 = arith.index_cast %scan3A_305 : i32 to index
      %get3A_341 = arith.constant 48 : index
      %get3A_342 = tpu.vector_load %arg4[%get3A_340, %get3A_341] {strides = array<i32>} : memref<79x128xi32, #tpu.memory_space<vmem>>, vector<1x16xi32>,
      %get3A_343 = vector.shape_cast %get3A_342 : vector<1x16xi32> to vector<16xi32>
      %and3A_344 = arith.constant 16383 : i32
      %and3A_345 = vector.broadcast %and3A_344 : i32 to vector<16xi32>
      %and3A_346 = arith.andi %get3A_343, %and3A_345 : vector<16xi32>
      %swap3A_347 = arith.index_cast %scan3A_305 : i32 to index
      %swap3A_348 = arith.constant 48 : index
      %swap3A_349 = tpu.vector_load %arg4[%swap3A_347, %swap3A_348] {strides = array<i32>} : memref<79x128xi32, #tpu.memory_space<vmem>>, vector<1x16xi32>,
      %swap3A_350 = vector.shape_cast %swap3A_349 : vector<1x16xi32> to vector<16xi32>
      %swap3A_351 = vector.shape_cast %and3A_346 : vector<16xi32> to vector<1x16xi32>
      tpu.vector_store %arg4[%swap3A_347, %swap3A_348], %swap3A_351 {strides = array<i32>} : memref<79x128xi32, #tpu.memory_space<vmem>>, vector<1x16xi32>,
      %get3A_352 = arith.index_cast %scan3A_305 : i32 to index
      %get3A_353 = arith.constant 64 : index
      %get3A_354 = tpu.vector_load %arg4[%get3A_352, %get3A_353] {strides = array<i32>} : memref<79x128xi32, #tpu.memory_space<vmem>>, vector<1x16xi32>,
      %get3A_355 = vector.shape_cast %get3A_354 : vector<1x16xi32> to vector<16xi32>
      %and3A_356 = arith.constant 16383 : i32
      %and3A_357 = vector.broadcast %and3A_356 : i32 to vector<16xi32>
      %and3A_358 = arith.andi %get3A_355, %and3A_357 : vector<16xi32>
      %swap3A_359 = arith.index_cast %scan3A_305 : i32 to index
      %swap3A_360 = arith.constant 64 : index
      %swap3A_361 = tpu.vector_load %arg4[%swap3A_359, %swap3A_360] {strides = array<i32>} : memref<79x128xi32, #tpu.memory_space<vmem>>, vector<1x16xi32>,
      %swap3A_362 = vector.shape_cast %swap3A_361 : vector<1x16xi32> to vector<16xi32>
      %swap3A_363 = vector.shape_cast %and3A_358 : vector<16xi32> to vector<1x16xi32>
      tpu.vector_store %arg4[%swap3A_359, %swap3A_360], %swap3A_363 {strides = array<i32>} : memref<79x128xi32, #tpu.memory_space<vmem>>, vector<1x16xi32>,
      %get3A_364 = arith.index_cast %scan3A_305 : i32 to index
      %get3A_365 = arith.constant 80 : index
      %get3A_366 = tpu.vector_load %arg4[%get3A_364, %get3A_365] {strides = array<i32>} : memref<79x128xi32, #tpu.memory_space<vmem>>, vector<1x16xi32>,
      %get3A_367 = vector.shape_cast %get3A_366 : vector<1x16xi32> to vector<16xi32>
      %and3A_368 = arith.constant 16383 : i32
      %and3A_369 = vector.broadcast %and3A_368 : i32 to vector<16xi32>
      %and3A_370 = arith.andi %get3A_367, %and3A_369 : vector<16xi32>
      %swap3A_371 = arith.index_cast %scan3A_305 : i32 to index
      %swap3A_372 = arith.constant 80 : index
      %swap3A_373 = tpu.vector_load %arg4[%swap3A_371, %swap3A_372] {strides = array<i32>} : memref<79x128xi32, #tpu.memory_space<vmem>>, vector<1x16xi32>,
      %swap3A_374 = vector.shape_cast %swap3A_373 : vector<1x16xi32> to vector<16xi32>
      %swap3A_375 = vector.shape_cast %and3A_370 : vector<16xi32> to vector<1x16xi32>
      tpu.vector_store %arg4[%swap3A_371, %swap3A_372], %swap3A_375 {strides = array<i32>} : memref<79x128xi32, #tpu.memory_space<vmem>>, vector<1x16xi32>,
      %get3A_376 = arith.index_cast %scan3A_305 : i32 to index
      %get3A_377 = arith.constant 96 : index
      %get3A_378 = tpu.vector_load %arg4[%get3A_376, %get3A_377] {strides = array<i32>} : memref<79x128xi32, #tpu.memory_space<vmem>>, vector<1x16xi32>,
      %get3A_379 = vector.shape_cast %get3A_378 : vector<1x16xi32> to vector<16xi32>
      %and3A_380 = arith.constant 16383 : i32
      %and3A_381 = vector.broadcast %and3A_380 : i32 to vector<16xi32>
      %and3A_382 = arith.andi %get3A_379, %and3A_381 : vector<16xi32>
      %swap3A_383 = arith.index_cast %scan3A_305 : i32 to index
      %swap3A_384 = arith.constant 96 : index
      %swap3A_385 = tpu.vector_load %arg4[%swap3A_383, %swap3A_384] {strides = array<i32>} : memref<79x128xi32, #tpu.memory_space<vmem>>, vector<1x16xi32>,
      %swap3A_386 = vector.shape_cast %swap3A_385 : vector<1x16xi32> to vector<16xi32>
      %swap3A_387 = vector.shape_cast %and3A_382 : vector<16xi32> to vector<1x16xi32>
      tpu.vector_store %arg4[%swap3A_383, %swap3A_384], %swap3A_387 {strides = array<i32>} : memref<79x128xi32, #tpu.memory_space<vmem>>, vector<1x16xi32>,
      %get3A_388 = arith.index_cast %scan3A_305 : i32 to index
      %get3A_389 = arith.constant 112 : index
      %get3A_390 = tpu.vector_load %arg4[%get3A_388, %get3A_389] {strides = array<i32>} : memref<79x128xi32, #tpu.memory_space<vmem>>, vector<1x16xi32>,
      %get3A_391 = vector.shape_cast %get3A_390 : vector<1x16xi32> to vector<16xi32>
      %and3A_392 = arith.constant 16383 : i32
      %and3A_393 = vector.broadcast %and3A_392 : i32 to vector<16xi32>
      %and3A_394 = arith.andi %get3A_391, %and3A_393 : vector<16xi32>
      %swap3A_395 = arith.index_cast %scan3A_305 : i32 to index
      %swap3A_396 = arith.constant 112 : index
      %swap3A_397 = tpu.vector_load %arg4[%swap3A_395, %swap3A_396] {strides = array<i32>} : memref<79x128xi32, #tpu.memory_space<vmem>>, vector<1x16xi32>,
      %swap3A_398 = vector.shape_cast %swap3A_397 : vector<1x16xi32> to vector<16xi32>
      %swap3A_399 = vector.shape_cast %and3A_394 : vector<16xi32> to vector<1x16xi32>
      tpu.vector_store %arg4[%swap3A_395, %swap3A_396], %swap3A_399 {strides = array<i32>} : memref<79x128xi32, #tpu.memory_space<vmem>>, vector<1x16xi32>,
    }
    %scan3A_293 = arith.constant 79 : i32
    %barrier3A = arith.constant 0 : index
    tpu.barrier barrier_id(%barrier3A)
    %scan3A_294 = arith.constant 0 : i32
    %scan3A_295 = arith.constant 0 : i32
    %scan3A_296 = arith.constant 79 : i32
    %scan3A_297 = arith.addi %scan3A_295, %scan3A_296 : i32
    %scan3A_298 = arith.constant 1 : i32
    scf.for %scan3A_305 = %scan3A_295 to %scan3A_297 step %scan3A_298  : i32 {
      "tpu.region"() ({
        %run_scoped3A = tpu.sem_alloc : memref<!tpu.dma_semaphore, #tpu.memory_space<semaphore_mem>>
        %dma_start3A = arith.constant 0 : i32
        %dma_start3A_306 = tpu.memref_slice %arg4[%scan3A_305, %dma_start3A] : memref<79x128xi32, #tpu.memory_space<vmem>> -> memref<1x128xi32, #tpu.memory_space<vmem>>
        %dma_start3A_307 = tpu.memref_squeeze %dma_start3A_306 : memref<1x128xi32, #tpu.memory_space<vmem>> -> memref<128xi32, #tpu.memory_space<vmem>>
        %dma_start3A_308 = arith.constant 0 : i32
        %dma_start3A_309 = tpu.memref_slice %arg7[%dma_start3A_308] : memref<10240xf32, #tpu.memory_space<vmem_shared>> -> memref<10240xf32, #tpu.memory_space<vmem_shared>>
        tpu.enqueue_indirect_dma source(%arg5 : memref<128xf32, #tpu.memory_space<vmem>>) target(%dma_start3A_309 : memref<10240xf32, #tpu.memory_space<vmem_shared>>) offsets(%dma_start3A_307 : memref<128xi32, #tpu.memory_space<vmem>>) semaphore(%run_scoped3A : memref<!tpu.dma_semaphore, #tpu.memory_space<semaphore_mem>>) {add = true}
        %dma_wait3A = arith.constant 0 : i32
        %dma_wait3A_310 = tpu.memref_slice %arg4[%scan3A_305, %dma_wait3A] : memref<79x128xi32, #tpu.memory_space<vmem>> -> memref<1x128xi32, #tpu.memory_space<vmem>>
        %dma_wait3A_311 = tpu.memref_squeeze %dma_wait3A_310 : memref<1x128xi32, #tpu.memory_space<vmem>> -> memref<128xi32, #tpu.memory_space<vmem>>
        %dma_wait3A_312 = arith.constant 0 : i32
        %dma_wait3A_313 = tpu.memref_slice %arg7[%dma_wait3A_312] : memref<10240xf32, #tpu.memory_space<vmem_shared>> -> memref<10240xf32, #tpu.memory_space<vmem_shared>>
        tpu.wait_indirect_dma semaphore(%run_scoped3A : memref<!tpu.dma_semaphore, #tpu.memory_space<semaphore_mem>>) src(%arg5 : memref<128xf32, #tpu.memory_space<vmem>>) dst(%dma_wait3A_313 : memref<10240xf32, #tpu.memory_space<vmem_shared>>)
        tpu.yield
      }) : () -> ()
    }
    %scan3A_299 = arith.constant 79 : i32
    %barrier3A_300 = arith.constant 0 : index
    tpu.barrier barrier_id(%barrier3A_300)
    %mul3A_301 = arith.constant 640 : i32
    %mul3A_302 = arith.muli %arg1, %mul3A_301 : i32
    %mul3A_303 = arith.constant 640 : i32
    %mul3A_304 = arith.muli %arg1, %mul3A_303 : i32
    "tpu.region"() ({
      %run_scoped3A = tpu.sem_alloc : memref<!tpu.dma_semaphore, #tpu.memory_space<semaphore_mem>>
      %dma_start3A = tpu.memref_slice %arg3[%arg0, %mul3A_304] : memref<2x10240xf32, #tpu.memory_space<hbm>> -> memref<1x640xf32, #tpu.memory_space<hbm>>
      %dma_start3A_305 = tpu.memref_squeeze %dma_start3A : memref<1x640xf32, #tpu.memory_space<hbm>> -> memref<640xf32, #tpu.memory_space<hbm>>
      %dma_start3A_306 = tpu.memref_slice %arg7[%mul3A_302] : memref<10240xf32, #tpu.memory_space<vmem_shared>> -> memref<640xf32, #tpu.memory_space<vmem_shared>>
      tpu.enqueue_dma source(%dma_start3A_306 : memref<640xf32, #tpu.memory_space<vmem_shared>>) target(%dma_start3A_305 : memref<640xf32, #tpu.memory_space<hbm>>) target_semaphore(%run_scoped3A : memref<!tpu.dma_semaphore, #tpu.memory_space<semaphore_mem>>)
      %dma_wait3A = tpu.memref_slice %arg3[%arg0, %mul3A_304] : memref<2x10240xf32, #tpu.memory_space<hbm>> -> memref<1x640xf32, #tpu.memory_space<hbm>>
      %dma_wait3A_307 = tpu.memref_squeeze %dma_wait3A : memref<1x640xf32, #tpu.memory_space<hbm>> -> memref<640xf32, #tpu.memory_space<hbm>>
      %dma_wait3A_308 = tpu.memref_slice %arg7[%mul3A_302] : memref<10240xf32, #tpu.memory_space<vmem_shared>> -> memref<640xf32, #tpu.memory_space<vmem_shared>>
      tpu.wait_dma2 semaphore(%run_scoped3A : memref<!tpu.dma_semaphore, #tpu.memory_space<semaphore_mem>>) src(%dma_wait3A_308 : memref<640xf32, #tpu.memory_space<vmem_shared>>) dst(%dma_wait3A_307 : memref<640xf32, #tpu.memory_space<hbm>>)
      tpu.yield
    }) : () -> ()
    return
  }
}

#map = affine_map<(d0, d1) -> (0, 0)>
#map1 = affine_map<(d0, d1) -> (0, 0, 0)>
module attributes {stable_mosaic.version = 14 : i64} {
  func.func @agg_kernel(%arg0: i32, %arg1: i32, %arg2: memref<10000x128xf32, #tpu.memory_space<hbm>>, %arg3: memref<32x79x128xi32, #tpu.memory_space<hbm>>, %arg4: memref<2x10240x128xf32, #tpu.memory_space<hbm>>, %arg5: memref<79x128xi32, #tpu.memory_space<vmem>>, %arg6: memref<79x128xi32, #tpu.memory_space<vmem>>, %arg7: memref<128x128xf32, #tpu.memory_space<vmem>>, %arg8: memref<10240x128xf32, #tpu.memory_space<vmem_shared>>, %arg9: memref<!tpu.dma_semaphore, #tpu.memory_space<semaphore_mem>>) attributes {dimension_semantics = [#tpu.dimension_semantics<core_parallel>, #tpu.dimension_semantics<subcore_parallel>], iteration_bounds = array<i64: 2, 16>, scalar_prefetch = 0 : i64, scratch_operands = 5 : i64, tpu.core_type = #tpu.core_type<sc_vector_subcore>, window_params = [{transform_indices = #map}, {transform_indices = #map1}, {transform_indices = #map1}]} {
    %mul3A = arith.constant 16 : i32
    %mul3A_0 = arith.muli %arg0, %mul3A : i32
    %add3A = arith.addi %mul3A_0, %arg1 : i32
    "tpu.region"() ({
      %run_scoped3A = tpu.sem_alloc : memref<!tpu.dma_semaphore, #tpu.memory_space<semaphore_mem>>
      %dma_start3A = arith.constant 0 : i32
      %dma_start3A_31 = arith.constant 0 : i32
      %dma_start3A_32 = tpu.memref_slice %arg3[%add3A, %dma_start3A, %dma_start3A_31] : memref<32x79x128xi32, #tpu.memory_space<hbm>> -> memref<1x79x128xi32, #tpu.memory_space<hbm>>
      %dma_start3A_33 = tpu.memref_squeeze %dma_start3A_32 : memref<1x79x128xi32, #tpu.memory_space<hbm>> -> memref<79x128xi32, #tpu.memory_space<hbm>>
      %dma_start3A_34 = arith.constant 0 : i32
      %dma_start3A_35 = arith.constant 0 : i32
      %dma_start3A_36 = tpu.memref_slice %arg3[%add3A, %dma_start3A_34, %dma_start3A_35] : memref<32x79x128xi32, #tpu.memory_space<hbm>> -> memref<1x79x128xi32, #tpu.memory_space<hbm>>
      %dma_start3A_37 = tpu.memref_squeeze %dma_start3A_36 : memref<1x79x128xi32, #tpu.memory_space<hbm>> -> memref<79x128xi32, #tpu.memory_space<hbm>>
      tpu.enqueue_dma source(%dma_start3A_37 : memref<79x128xi32, #tpu.memory_space<hbm>>) target(%arg5 : memref<79x128xi32, #tpu.memory_space<vmem>>) target_semaphore(%run_scoped3A : memref<!tpu.dma_semaphore, #tpu.memory_space<semaphore_mem>>)
      %dma_wait3A = arith.constant 0 : i32
      %dma_wait3A_38 = arith.constant 0 : i32
      %dma_wait3A_39 = tpu.memref_slice %arg3[%add3A, %dma_wait3A, %dma_wait3A_38] : memref<32x79x128xi32, #tpu.memory_space<hbm>> -> memref<1x79x128xi32, #tpu.memory_space<hbm>>
      %dma_wait3A_40 = tpu.memref_squeeze %dma_wait3A_39 : memref<1x79x128xi32, #tpu.memory_space<hbm>> -> memref<79x128xi32, #tpu.memory_space<hbm>>
      %dma_wait3A_41 = arith.constant 0 : i32
      %dma_wait3A_42 = arith.constant 0 : i32
      %dma_wait3A_43 = tpu.memref_slice %arg3[%add3A, %dma_wait3A_41, %dma_wait3A_42] : memref<32x79x128xi32, #tpu.memory_space<hbm>> -> memref<1x79x128xi32, #tpu.memory_space<hbm>>
      %dma_wait3A_44 = tpu.memref_squeeze %dma_wait3A_43 : memref<1x79x128xi32, #tpu.memory_space<hbm>> -> memref<79x128xi32, #tpu.memory_space<hbm>>
      tpu.wait_dma2 semaphore(%run_scoped3A : memref<!tpu.dma_semaphore, #tpu.memory_space<semaphore_mem>>) src(%dma_wait3A_44 : memref<79x128xi32, #tpu.memory_space<hbm>>) dst(%arg5 : memref<79x128xi32, #tpu.memory_space<vmem>>)
      tpu.yield
    }) : () -> ()
    %scan3A = arith.constant 0 : i32
    %scan3A_1 = arith.constant 0 : i32
    %scan3A_2 = arith.constant 128 : i32
    %scan3A_3 = arith.addi %scan3A_1, %scan3A_2 : i32
    %scan3A_4 = arith.constant 1 : i32
    scf.for %scan3A_31 = %scan3A_1 to %scan3A_3 step %scan3A_4  : i32 {
      %broadcast_in_dim3A = arith.constant 0.000000e+00 : f32
      %broadcast_in_dim3A_32 = vector.broadcast %broadcast_in_dim3A : f32 to vector<16xf32>
      %swap3A = arith.index_cast %scan3A_31 : i32 to index
      %swap3A_33 = arith.constant 0 : index
      %swap3A_34 = tpu.vector_load %arg7[%swap3A, %swap3A_33] {strides = array<i32>} : memref<128x128xf32, #tpu.memory_space<vmem>>, vector<1x16xf32>,
      %swap3A_35 = vector.shape_cast %swap3A_34 : vector<1x16xf32> to vector<16xf32>
      %swap3A_36 = vector.shape_cast %broadcast_in_dim3A_32 : vector<16xf32> to vector<1x16xf32>
      tpu.vector_store %arg7[%swap3A, %swap3A_33], %swap3A_36 {strides = array<i32>} : memref<128x128xf32, #tpu.memory_space<vmem>>, vector<1x16xf32>,
      %broadcast_in_dim3A_37 = arith.constant 0.000000e+00 : f32
      %broadcast_in_dim3A_38 = vector.broadcast %broadcast_in_dim3A_37 : f32 to vector<16xf32>
      %swap3A_39 = arith.index_cast %scan3A_31 : i32 to index
      %swap3A_40 = arith.constant 16 : index
      %swap3A_41 = tpu.vector_load %arg7[%swap3A_39, %swap3A_40] {strides = array<i32>} : memref<128x128xf32, #tpu.memory_space<vmem>>, vector<1x16xf32>,
      %swap3A_42 = vector.shape_cast %swap3A_41 : vector<1x16xf32> to vector<16xf32>
      %swap3A_43 = vector.shape_cast %broadcast_in_dim3A_38 : vector<16xf32> to vector<1x16xf32>
      tpu.vector_store %arg7[%swap3A_39, %swap3A_40], %swap3A_43 {strides = array<i32>} : memref<128x128xf32, #tpu.memory_space<vmem>>, vector<1x16xf32>,
      %broadcast_in_dim3A_44 = arith.constant 0.000000e+00 : f32
      %broadcast_in_dim3A_45 = vector.broadcast %broadcast_in_dim3A_44 : f32 to vector<16xf32>
      %swap3A_46 = arith.index_cast %scan3A_31 : i32 to index
      %swap3A_47 = arith.constant 32 : index
      %swap3A_48 = tpu.vector_load %arg7[%swap3A_46, %swap3A_47] {strides = array<i32>} : memref<128x128xf32, #tpu.memory_space<vmem>>, vector<1x16xf32>,
      %swap3A_49 = vector.shape_cast %swap3A_48 : vector<1x16xf32> to vector<16xf32>
      %swap3A_50 = vector.shape_cast %broadcast_in_dim3A_45 : vector<16xf32> to vector<1x16xf32>
      tpu.vector_store %arg7[%swap3A_46, %swap3A_47], %swap3A_50 {strides = array<i32>} : memref<128x128xf32, #tpu.memory_space<vmem>>, vector<1x16xf32>,
      %broadcast_in_dim3A_51 = arith.constant 0.000000e+00 : f32
      %broadcast_in_dim3A_52 = vector.broadcast %broadcast_in_dim3A_51 : f32 to vector<16xf32>
      %swap3A_53 = arith.index_cast %scan3A_31 : i32 to index
      %swap3A_54 = arith.constant 48 : index
      %swap3A_55 = tpu.vector_load %arg7[%swap3A_53, %swap3A_54] {strides = array<i32>} : memref<128x128xf32, #tpu.memory_space<vmem>>, vector<1x16xf32>,
      %swap3A_56 = vector.shape_cast %swap3A_55 : vector<1x16xf32> to vector<16xf32>
      %swap3A_57 = vector.shape_cast %broadcast_in_dim3A_52 : vector<16xf32> to vector<1x16xf32>
      tpu.vector_store %arg7[%swap3A_53, %swap3A_54], %swap3A_57 {strides = array<i32>} : memref<128x128xf32, #tpu.memory_space<vmem>>, vector<1x16xf32>,
      %broadcast_in_dim3A_58 = arith.constant 0.000000e+00 : f32
      %broadcast_in_dim3A_59 = vector.broadcast %broadcast_in_dim3A_58 : f32 to vector<16xf32>
      %swap3A_60 = arith.index_cast %scan3A_31 : i32 to index
      %swap3A_61 = arith.constant 64 : index
      %swap3A_62 = tpu.vector_load %arg7[%swap3A_60, %swap3A_61] {strides = array<i32>} : memref<128x128xf32, #tpu.memory_space<vmem>>, vector<1x16xf32>,
      %swap3A_63 = vector.shape_cast %swap3A_62 : vector<1x16xf32> to vector<16xf32>
      %swap3A_64 = vector.shape_cast %broadcast_in_dim3A_59 : vector<16xf32> to vector<1x16xf32>
      tpu.vector_store %arg7[%swap3A_60, %swap3A_61], %swap3A_64 {strides = array<i32>} : memref<128x128xf32, #tpu.memory_space<vmem>>, vector<1x16xf32>,
      %broadcast_in_dim3A_65 = arith.constant 0.000000e+00 : f32
      %broadcast_in_dim3A_66 = vector.broadcast %broadcast_in_dim3A_65 : f32 to vector<16xf32>
      %swap3A_67 = arith.index_cast %scan3A_31 : i32 to index
      %swap3A_68 = arith.constant 80 : index
      %swap3A_69 = tpu.vector_load %arg7[%swap3A_67, %swap3A_68] {strides = array<i32>} : memref<128x128xf32, #tpu.memory_space<vmem>>, vector<1x16xf32>,
      %swap3A_70 = vector.shape_cast %swap3A_69 : vector<1x16xf32> to vector<16xf32>
      %swap3A_71 = vector.shape_cast %broadcast_in_dim3A_66 : vector<16xf32> to vector<1x16xf32>
      tpu.vector_store %arg7[%swap3A_67, %swap3A_68], %swap3A_71 {strides = array<i32>} : memref<128x128xf32, #tpu.memory_space<vmem>>, vector<1x16xf32>,
      %broadcast_in_dim3A_72 = arith.constant 0.000000e+00 : f32
      %broadcast_in_dim3A_73 = vector.broadcast %broadcast_in_dim3A_72 : f32 to vector<16xf32>
      %swap3A_74 = arith.index_cast %scan3A_31 : i32 to index
      %swap3A_75 = arith.constant 96 : index
      %swap3A_76 = tpu.vector_load %arg7[%swap3A_74, %swap3A_75] {strides = array<i32>} : memref<128x128xf32, #tpu.memory_space<vmem>>, vector<1x16xf32>,
      %swap3A_77 = vector.shape_cast %swap3A_76 : vector<1x16xf32> to vector<16xf32>
      %swap3A_78 = vector.shape_cast %broadcast_in_dim3A_73 : vector<16xf32> to vector<1x16xf32>
      tpu.vector_store %arg7[%swap3A_74, %swap3A_75], %swap3A_78 {strides = array<i32>} : memref<128x128xf32, #tpu.memory_space<vmem>>, vector<1x16xf32>,
      %broadcast_in_dim3A_79 = arith.constant 0.000000e+00 : f32
      %broadcast_in_dim3A_80 = vector.broadcast %broadcast_in_dim3A_79 : f32 to vector<16xf32>
      %swap3A_81 = arith.index_cast %scan3A_31 : i32 to index
      %swap3A_82 = arith.constant 112 : index
      %swap3A_83 = tpu.vector_load %arg7[%swap3A_81, %swap3A_82] {strides = array<i32>} : memref<128x128xf32, #tpu.memory_space<vmem>>, vector<1x16xf32>,
      %swap3A_84 = vector.shape_cast %swap3A_83 : vector<1x16xf32> to vector<16xf32>
      %swap3A_85 = vector.shape_cast %broadcast_in_dim3A_80 : vector<16xf32> to vector<1x16xf32>
      tpu.vector_store %arg7[%swap3A_81, %swap3A_82], %swap3A_85 {strides = array<i32>} : memref<128x128xf32, #tpu.memory_space<vmem>>, vector<1x16xf32>,
    }
    %scan3A_5 = arith.constant 128 : i32
    %mul3A_6 = arith.constant 640 : i32
    %mul3A_7 = arith.muli %arg1, %mul3A_6 : i32
    %add3A_8 = arith.constant 0 : i32
    %add3A_9 = arith.addi %mul3A_7, %add3A_8 : i32
    "tpu.region"() ({
      %run_scoped3A = tpu.sem_alloc : memref<!tpu.dma_semaphore, #tpu.memory_space<semaphore_mem>>
      %dma_start3A = arith.constant 0 : i32
      %dma_start3A_31 = tpu.memref_slice %arg8[%add3A_9, %dma_start3A] : memref<10240x128xf32, #tpu.memory_space<vmem_shared>> -> memref<128x128xf32, #tpu.memory_space<vmem_shared>>
      %dma_start3A_32 = arith.constant 0 : i32
      %dma_start3A_33 = tpu.memref_slice %arg8[%add3A_9, %dma_start3A_32] : memref<10240x128xf32, #tpu.memory_space<vmem_shared>> -> memref<128x128xf32, #tpu.memory_space<vmem_shared>>
      tpu.enqueue_dma source(%arg7 : memref<128x128xf32, #tpu.memory_space<vmem>>) target(%dma_start3A_33 : memref<128x128xf32, #tpu.memory_space<vmem_shared>>) target_semaphore(%run_scoped3A : memref<!tpu.dma_semaphore, #tpu.memory_space<semaphore_mem>>)
      %dma_wait3A = arith.constant 0 : i32
      %dma_wait3A_34 = tpu.memref_slice %arg8[%add3A_9, %dma_wait3A] : memref<10240x128xf32, #tpu.memory_space<vmem_shared>> -> memref<128x128xf32, #tpu.memory_space<vmem_shared>>
      %dma_wait3A_35 = arith.constant 0 : i32
      %dma_wait3A_36 = tpu.memref_slice %arg8[%add3A_9, %dma_wait3A_35] : memref<10240x128xf32, #tpu.memory_space<vmem_shared>> -> memref<128x128xf32, #tpu.memory_space<vmem_shared>>
      tpu.wait_dma2 semaphore(%run_scoped3A : memref<!tpu.dma_semaphore, #tpu.memory_space<semaphore_mem>>) src(%arg7 : memref<128x128xf32, #tpu.memory_space<vmem>>) dst(%dma_wait3A_36 : memref<128x128xf32, #tpu.memory_space<vmem_shared>>)
      tpu.yield
    }) : () -> ()
    %add3A_10 = arith.constant 128 : i32
    %add3A_11 = arith.addi %mul3A_7, %add3A_10 : i32
    "tpu.region"() ({
      %run_scoped3A = tpu.sem_alloc : memref<!tpu.dma_semaphore, #tpu.memory_space<semaphore_mem>>
      %dma_start3A = arith.constant 0 : i32
      %dma_start3A_31 = tpu.memref_slice %arg8[%add3A_11, %dma_start3A] : memref<10240x128xf32, #tpu.memory_space<vmem_shared>> -> memref<128x128xf32, #tpu.memory_space<vmem_shared>>
      %dma_start3A_32 = arith.constant 0 : i32
      %dma_start3A_33 = tpu.memref_slice %arg8[%add3A_11, %dma_start3A_32] : memref<10240x128xf32, #tpu.memory_space<vmem_shared>> -> memref<128x128xf32, #tpu.memory_space<vmem_shared>>
      tpu.enqueue_dma source(%arg7 : memref<128x128xf32, #tpu.memory_space<vmem>>) target(%dma_start3A_33 : memref<128x128xf32, #tpu.memory_space<vmem_shared>>) target_semaphore(%run_scoped3A : memref<!tpu.dma_semaphore, #tpu.memory_space<semaphore_mem>>)
      %dma_wait3A = arith.constant 0 : i32
      %dma_wait3A_34 = tpu.memref_slice %arg8[%add3A_11, %dma_wait3A] : memref<10240x128xf32, #tpu.memory_space<vmem_shared>> -> memref<128x128xf32, #tpu.memory_space<vmem_shared>>
      %dma_wait3A_35 = arith.constant 0 : i32
      %dma_wait3A_36 = tpu.memref_slice %arg8[%add3A_11, %dma_wait3A_35] : memref<10240x128xf32, #tpu.memory_space<vmem_shared>> -> memref<128x128xf32, #tpu.memory_space<vmem_shared>>
      tpu.wait_dma2 semaphore(%run_scoped3A : memref<!tpu.dma_semaphore, #tpu.memory_space<semaphore_mem>>) src(%arg7 : memref<128x128xf32, #tpu.memory_space<vmem>>) dst(%dma_wait3A_36 : memref<128x128xf32, #tpu.memory_space<vmem_shared>>)
      tpu.yield
    }) : () -> ()
    %add3A_12 = arith.constant 256 : i32
    %add3A_13 = arith.addi %mul3A_7, %add3A_12 : i32
    "tpu.region"() ({
      %run_scoped3A = tpu.sem_alloc : memref<!tpu.dma_semaphore, #tpu.memory_space<semaphore_mem>>
      %dma_start3A = arith.constant 0 : i32
      %dma_start3A_31 = tpu.memref_slice %arg8[%add3A_13, %dma_start3A] : memref<10240x128xf32, #tpu.memory_space<vmem_shared>> -> memref<128x128xf32, #tpu.memory_space<vmem_shared>>
      %dma_start3A_32 = arith.constant 0 : i32
      %dma_start3A_33 = tpu.memref_slice %arg8[%add3A_13, %dma_start3A_32] : memref<10240x128xf32, #tpu.memory_space<vmem_shared>> -> memref<128x128xf32, #tpu.memory_space<vmem_shared>>
      tpu.enqueue_dma source(%arg7 : memref<128x128xf32, #tpu.memory_space<vmem>>) target(%dma_start3A_33 : memref<128x128xf32, #tpu.memory_space<vmem_shared>>) target_semaphore(%run_scoped3A : memref<!tpu.dma_semaphore, #tpu.memory_space<semaphore_mem>>)
      %dma_wait3A = arith.constant 0 : i32
      %dma_wait3A_34 = tpu.memref_slice %arg8[%add3A_13, %dma_wait3A] : memref<10240x128xf32, #tpu.memory_space<vmem_shared>> -> memref<128x128xf32, #tpu.memory_space<vmem_shared>>
      %dma_wait3A_35 = arith.constant 0 : i32
      %dma_wait3A_36 = tpu.memref_slice %arg8[%add3A_13, %dma_wait3A_35] : memref<10240x128xf32, #tpu.memory_space<vmem_shared>> -> memref<128x128xf32, #tpu.memory_space<vmem_shared>>
      tpu.wait_dma2 semaphore(%run_scoped3A : memref<!tpu.dma_semaphore, #tpu.memory_space<semaphore_mem>>) src(%arg7 : memref<128x128xf32, #tpu.memory_space<vmem>>) dst(%dma_wait3A_36 : memref<128x128xf32, #tpu.memory_space<vmem_shared>>)
      tpu.yield
    }) : () -> ()
    %add3A_14 = arith.constant 384 : i32
    %add3A_15 = arith.addi %mul3A_7, %add3A_14 : i32
    "tpu.region"() ({
      %run_scoped3A = tpu.sem_alloc : memref<!tpu.dma_semaphore, #tpu.memory_space<semaphore_mem>>
      %dma_start3A = arith.constant 0 : i32
      %dma_start3A_31 = tpu.memref_slice %arg8[%add3A_15, %dma_start3A] : memref<10240x128xf32, #tpu.memory_space<vmem_shared>> -> memref<128x128xf32, #tpu.memory_space<vmem_shared>>
      %dma_start3A_32 = arith.constant 0 : i32
      %dma_start3A_33 = tpu.memref_slice %arg8[%add3A_15, %dma_start3A_32] : memref<10240x128xf32, #tpu.memory_space<vmem_shared>> -> memref<128x128xf32, #tpu.memory_space<vmem_shared>>
      tpu.enqueue_dma source(%arg7 : memref<128x128xf32, #tpu.memory_space<vmem>>) target(%dma_start3A_33 : memref<128x128xf32, #tpu.memory_space<vmem_shared>>) target_semaphore(%run_scoped3A : memref<!tpu.dma_semaphore, #tpu.memory_space<semaphore_mem>>)
      %dma_wait3A = arith.constant 0 : i32
      %dma_wait3A_34 = tpu.memref_slice %arg8[%add3A_15, %dma_wait3A] : memref<10240x128xf32, #tpu.memory_space<vmem_shared>> -> memref<128x128xf32, #tpu.memory_space<vmem_shared>>
      %dma_wait3A_35 = arith.constant 0 : i32
      %dma_wait3A_36 = tpu.memref_slice %arg8[%add3A_15, %dma_wait3A_35] : memref<10240x128xf32, #tpu.memory_space<vmem_shared>> -> memref<128x128xf32, #tpu.memory_space<vmem_shared>>
      tpu.wait_dma2 semaphore(%run_scoped3A : memref<!tpu.dma_semaphore, #tpu.memory_space<semaphore_mem>>) src(%arg7 : memref<128x128xf32, #tpu.memory_space<vmem>>) dst(%dma_wait3A_36 : memref<128x128xf32, #tpu.memory_space<vmem_shared>>)
      tpu.yield
    }) : () -> ()
    %add3A_16 = arith.constant 512 : i32
    %add3A_17 = arith.addi %mul3A_7, %add3A_16 : i32
    "tpu.region"() ({
      %run_scoped3A = tpu.sem_alloc : memref<!tpu.dma_semaphore, #tpu.memory_space<semaphore_mem>>
      %dma_start3A = arith.constant 0 : i32
      %dma_start3A_31 = tpu.memref_slice %arg8[%add3A_17, %dma_start3A] : memref<10240x128xf32, #tpu.memory_space<vmem_shared>> -> memref<128x128xf32, #tpu.memory_space<vmem_shared>>
      %dma_start3A_32 = arith.constant 0 : i32
      %dma_start3A_33 = tpu.memref_slice %arg8[%add3A_17, %dma_start3A_32] : memref<10240x128xf32, #tpu.memory_space<vmem_shared>> -> memref<128x128xf32, #tpu.memory_space<vmem_shared>>
      tpu.enqueue_dma source(%arg7 : memref<128x128xf32, #tpu.memory_space<vmem>>) target(%dma_start3A_33 : memref<128x128xf32, #tpu.memory_space<vmem_shared>>) target_semaphore(%run_scoped3A : memref<!tpu.dma_semaphore, #tpu.memory_space<semaphore_mem>>)
      %dma_wait3A = arith.constant 0 : i32
      %dma_wait3A_34 = tpu.memref_slice %arg8[%add3A_17, %dma_wait3A] : memref<10240x128xf32, #tpu.memory_space<vmem_shared>> -> memref<128x128xf32, #tpu.memory_space<vmem_shared>>
      %dma_wait3A_35 = arith.constant 0 : i32
      %dma_wait3A_36 = tpu.memref_slice %arg8[%add3A_17, %dma_wait3A_35] : memref<10240x128xf32, #tpu.memory_space<vmem_shared>> -> memref<128x128xf32, #tpu.memory_space<vmem_shared>>
      tpu.wait_dma2 semaphore(%run_scoped3A : memref<!tpu.dma_semaphore, #tpu.memory_space<semaphore_mem>>) src(%arg7 : memref<128x128xf32, #tpu.memory_space<vmem>>) dst(%dma_wait3A_36 : memref<128x128xf32, #tpu.memory_space<vmem_shared>>)
      tpu.yield
    }) : () -> ()
    %scan3A_18 = arith.constant 0 : i32
    %scan3A_19 = arith.constant 0 : i32
    %scan3A_20 = arith.constant 79 : i32
    %scan3A_21 = arith.addi %scan3A_19, %scan3A_20 : i32
    %scan3A_22 = arith.constant 1 : i32
    scf.for %scan3A_31 = %scan3A_19 to %scan3A_21 step %scan3A_22  : i32 {
      %get3A = arith.index_cast %scan3A_31 : i32 to index
      %get3A_32 = arith.constant 0 : index
      %get3A_33 = tpu.vector_load %arg5[%get3A, %get3A_32] {strides = array<i32>} : memref<79x128xi32, #tpu.memory_space<vmem>>, vector<1x16xi32>,
      %get3A_34 = vector.shape_cast %get3A_33 : vector<1x16xi32> to vector<16xi32>
      %shift_right_arithmetic3A = arith.constant 14 : i32
      %shift_right_arithmetic3A_35 = vector.broadcast %shift_right_arithmetic3A : i32 to vector<16xi32>
      %shift_right_arithmetic3A_36 = arith.shrsi %get3A_34, %shift_right_arithmetic3A_35 : vector<16xi32>
      %swap3A = arith.index_cast %scan3A_31 : i32 to index
      %swap3A_37 = arith.constant 0 : index
      %swap3A_38 = tpu.vector_load %arg6[%swap3A, %swap3A_37] {strides = array<i32>} : memref<79x128xi32, #tpu.memory_space<vmem>>, vector<1x16xi32>,
      %swap3A_39 = vector.shape_cast %swap3A_38 : vector<1x16xi32> to vector<16xi32>
      %swap3A_40 = vector.shape_cast %shift_right_arithmetic3A_36 : vector<16xi32> to vector<1x16xi32>
      tpu.vector_store %arg6[%swap3A, %swap3A_37], %swap3A_40 {strides = array<i32>} : memref<79x128xi32, #tpu.memory_space<vmem>>, vector<1x16xi32>,
      %and3A = arith.constant 16383 : i32
      %and3A_41 = vector.broadcast %and3A : i32 to vector<16xi32>
      %and3A_42 = arith.andi %get3A_34, %and3A_41 : vector<16xi32>
      %swap3A_43 = arith.index_cast %scan3A_31 : i32 to index
      %swap3A_44 = arith.constant 0 : index
      %swap3A_45 = tpu.vector_load %arg5[%swap3A_43, %swap3A_44] {strides = array<i32>} : memref<79x128xi32, #tpu.memory_space<vmem>>, vector<1x16xi32>,
      %swap3A_46 = vector.shape_cast %swap3A_45 : vector<1x16xi32> to vector<16xi32>
      %swap3A_47 = vector.shape_cast %and3A_42 : vector<16xi32> to vector<1x16xi32>
      tpu.vector_store %arg5[%swap3A_43, %swap3A_44], %swap3A_47 {strides = array<i32>} : memref<79x128xi32, #tpu.memory_space<vmem>>, vector<1x16xi32>,
      %get3A_48 = arith.index_cast %scan3A_31 : i32 to index
      %get3A_49 = arith.constant 16 : index
      %get3A_50 = tpu.vector_load %arg5[%get3A_48, %get3A_49] {strides = array<i32>} : memref<79x128xi32, #tpu.memory_space<vmem>>, vector<1x16xi32>,
      %get3A_51 = vector.shape_cast %get3A_50 : vector<1x16xi32> to vector<16xi32>
      %shift_right_arithmetic3A_52 = arith.constant 14 : i32
      %shift_right_arithmetic3A_53 = vector.broadcast %shift_right_arithmetic3A_52 : i32 to vector<16xi32>
      %shift_right_arithmetic3A_54 = arith.shrsi %get3A_51, %shift_right_arithmetic3A_53 : vector<16xi32>
      %swap3A_55 = arith.index_cast %scan3A_31 : i32 to index
      %swap3A_56 = arith.constant 16 : index
      %swap3A_57 = tpu.vector_load %arg6[%swap3A_55, %swap3A_56] {strides = array<i32>} : memref<79x128xi32, #tpu.memory_space<vmem>>, vector<1x16xi32>,
      %swap3A_58 = vector.shape_cast %swap3A_57 : vector<1x16xi32> to vector<16xi32>
      %swap3A_59 = vector.shape_cast %shift_right_arithmetic3A_54 : vector<16xi32> to vector<1x16xi32>
      tpu.vector_store %arg6[%swap3A_55, %swap3A_56], %swap3A_59 {strides = array<i32>} : memref<79x128xi32, #tpu.memory_space<vmem>>, vector<1x16xi32>,
      %and3A_60 = arith.constant 16383 : i32
      %and3A_61 = vector.broadcast %and3A_60 : i32 to vector<16xi32>
      %and3A_62 = arith.andi %get3A_51, %and3A_61 : vector<16xi32>
      %swap3A_63 = arith.index_cast %scan3A_31 : i32 to index
      %swap3A_64 = arith.constant 16 : index
      %swap3A_65 = tpu.vector_load %arg5[%swap3A_63, %swap3A_64] {strides = array<i32>} : memref<79x128xi32, #tpu.memory_space<vmem>>, vector<1x16xi32>,
      %swap3A_66 = vector.shape_cast %swap3A_65 : vector<1x16xi32> to vector<16xi32>
      %swap3A_67 = vector.shape_cast %and3A_62 : vector<16xi32> to vector<1x16xi32>
      tpu.vector_store %arg5[%swap3A_63, %swap3A_64], %swap3A_67 {strides = array<i32>} : memref<79x128xi32, #tpu.memory_space<vmem>>, vector<1x16xi32>,
      %get3A_68 = arith.index_cast %scan3A_31 : i32 to index
      %get3A_69 = arith.constant 32 : index
      %get3A_70 = tpu.vector_load %arg5[%get3A_68, %get3A_69] {strides = array<i32>} : memref<79x128xi32, #tpu.memory_space<vmem>>, vector<1x16xi32>,
      %get3A_71 = vector.shape_cast %get3A_70 : vector<1x16xi32> to vector<16xi32>
      %shift_right_arithmetic3A_72 = arith.constant 14 : i32
      %shift_right_arithmetic3A_73 = vector.broadcast %shift_right_arithmetic3A_72 : i32 to vector<16xi32>
      %shift_right_arithmetic3A_74 = arith.shrsi %get3A_71, %shift_right_arithmetic3A_73 : vector<16xi32>
      %swap3A_75 = arith.index_cast %scan3A_31 : i32 to index
      %swap3A_76 = arith.constant 32 : index
      %swap3A_77 = tpu.vector_load %arg6[%swap3A_75, %swap3A_76] {strides = array<i32>} : memref<79x128xi32, #tpu.memory_space<vmem>>, vector<1x16xi32>,
      %swap3A_78 = vector.shape_cast %swap3A_77 : vector<1x16xi32> to vector<16xi32>
      %swap3A_79 = vector.shape_cast %shift_right_arithmetic3A_74 : vector<16xi32> to vector<1x16xi32>
      tpu.vector_store %arg6[%swap3A_75, %swap3A_76], %swap3A_79 {strides = array<i32>} : memref<79x128xi32, #tpu.memory_space<vmem>>, vector<1x16xi32>,
      %and3A_80 = arith.constant 16383 : i32
      %and3A_81 = vector.broadcast %and3A_80 : i32 to vector<16xi32>
      %and3A_82 = arith.andi %get3A_71, %and3A_81 : vector<16xi32>
      %swap3A_83 = arith.index_cast %scan3A_31 : i32 to index
      %swap3A_84 = arith.constant 32 : index
      %swap3A_85 = tpu.vector_load %arg5[%swap3A_83, %swap3A_84] {strides = array<i32>} : memref<79x128xi32, #tpu.memory_space<vmem>>, vector<1x16xi32>,
      %swap3A_86 = vector.shape_cast %swap3A_85 : vector<1x16xi32> to vector<16xi32>
      %swap3A_87 = vector.shape_cast %and3A_82 : vector<16xi32> to vector<1x16xi32>
      tpu.vector_store %arg5[%swap3A_83, %swap3A_84], %swap3A_87 {strides = array<i32>} : memref<79x128xi32, #tpu.memory_space<vmem>>, vector<1x16xi32>,
      %get3A_88 = arith.index_cast %scan3A_31 : i32 to index
      %get3A_89 = arith.constant 48 : index
      %get3A_90 = tpu.vector_load %arg5[%get3A_88, %get3A_89] {strides = array<i32>} : memref<79x128xi32, #tpu.memory_space<vmem>>, vector<1x16xi32>,
      %get3A_91 = vector.shape_cast %get3A_90 : vector<1x16xi32> to vector<16xi32>
      %shift_right_arithmetic3A_92 = arith.constant 14 : i32
      %shift_right_arithmetic3A_93 = vector.broadcast %shift_right_arithmetic3A_92 : i32 to vector<16xi32>
      %shift_right_arithmetic3A_94 = arith.shrsi %get3A_91, %shift_right_arithmetic3A_93 : vector<16xi32>
      %swap3A_95 = arith.index_cast %scan3A_31 : i32 to index
      %swap3A_96 = arith.constant 48 : index
      %swap3A_97 = tpu.vector_load %arg6[%swap3A_95, %swap3A_96] {strides = array<i32>} : memref<79x128xi32, #tpu.memory_space<vmem>>, vector<1x16xi32>,
      %swap3A_98 = vector.shape_cast %swap3A_97 : vector<1x16xi32> to vector<16xi32>
      %swap3A_99 = vector.shape_cast %shift_right_arithmetic3A_94 : vector<16xi32> to vector<1x16xi32>
      tpu.vector_store %arg6[%swap3A_95, %swap3A_96], %swap3A_99 {strides = array<i32>} : memref<79x128xi32, #tpu.memory_space<vmem>>, vector<1x16xi32>,
      %and3A_100 = arith.constant 16383 : i32
      %and3A_101 = vector.broadcast %and3A_100 : i32 to vector<16xi32>
      %and3A_102 = arith.andi %get3A_91, %and3A_101 : vector<16xi32>
      %swap3A_103 = arith.index_cast %scan3A_31 : i32 to index
      %swap3A_104 = arith.constant 48 : index
      %swap3A_105 = tpu.vector_load %arg5[%swap3A_103, %swap3A_104] {strides = array<i32>} : memref<79x128xi32, #tpu.memory_space<vmem>>, vector<1x16xi32>,
      %swap3A_106 = vector.shape_cast %swap3A_105 : vector<1x16xi32> to vector<16xi32>
      %swap3A_107 = vector.shape_cast %and3A_102 : vector<16xi32> to vector<1x16xi32>
      tpu.vector_store %arg5[%swap3A_103, %swap3A_104], %swap3A_107 {strides = array<i32>} : memref<79x128xi32, #tpu.memory_space<vmem>>, vector<1x16xi32>,
      %get3A_108 = arith.index_cast %scan3A_31 : i32 to index
      %get3A_109 = arith.constant 64 : index
      %get3A_110 = tpu.vector_load %arg5[%get3A_108, %get3A_109] {strides = array<i32>} : memref<79x128xi32, #tpu.memory_space<vmem>>, vector<1x16xi32>,
      %get3A_111 = vector.shape_cast %get3A_110 : vector<1x16xi32> to vector<16xi32>
      %shift_right_arithmetic3A_112 = arith.constant 14 : i32
      %shift_right_arithmetic3A_113 = vector.broadcast %shift_right_arithmetic3A_112 : i32 to vector<16xi32>
      %shift_right_arithmetic3A_114 = arith.shrsi %get3A_111, %shift_right_arithmetic3A_113 : vector<16xi32>
      %swap3A_115 = arith.index_cast %scan3A_31 : i32 to index
      %swap3A_116 = arith.constant 64 : index
      %swap3A_117 = tpu.vector_load %arg6[%swap3A_115, %swap3A_116] {strides = array<i32>} : memref<79x128xi32, #tpu.memory_space<vmem>>, vector<1x16xi32>,
      %swap3A_118 = vector.shape_cast %swap3A_117 : vector<1x16xi32> to vector<16xi32>
      %swap3A_119 = vector.shape_cast %shift_right_arithmetic3A_114 : vector<16xi32> to vector<1x16xi32>
      tpu.vector_store %arg6[%swap3A_115, %swap3A_116], %swap3A_119 {strides = array<i32>} : memref<79x128xi32, #tpu.memory_space<vmem>>, vector<1x16xi32>,
      %and3A_120 = arith.constant 16383 : i32
      %and3A_121 = vector.broadcast %and3A_120 : i32 to vector<16xi32>
      %and3A_122 = arith.andi %get3A_111, %and3A_121 : vector<16xi32>
      %swap3A_123 = arith.index_cast %scan3A_31 : i32 to index
      %swap3A_124 = arith.constant 64 : index
      %swap3A_125 = tpu.vector_load %arg5[%swap3A_123, %swap3A_124] {strides = array<i32>} : memref<79x128xi32, #tpu.memory_space<vmem>>, vector<1x16xi32>,
      %swap3A_126 = vector.shape_cast %swap3A_125 : vector<1x16xi32> to vector<16xi32>
      %swap3A_127 = vector.shape_cast %and3A_122 : vector<16xi32> to vector<1x16xi32>
      tpu.vector_store %arg5[%swap3A_123, %swap3A_124], %swap3A_127 {strides = array<i32>} : memref<79x128xi32, #tpu.memory_space<vmem>>, vector<1x16xi32>,
      %get3A_128 = arith.index_cast %scan3A_31 : i32 to index
      %get3A_129 = arith.constant 80 : index
      %get3A_130 = tpu.vector_load %arg5[%get3A_128, %get3A_129] {strides = array<i32>} : memref<79x128xi32, #tpu.memory_space<vmem>>, vector<1x16xi32>,
      %get3A_131 = vector.shape_cast %get3A_130 : vector<1x16xi32> to vector<16xi32>
      %shift_right_arithmetic3A_132 = arith.constant 14 : i32
      %shift_right_arithmetic3A_133 = vector.broadcast %shift_right_arithmetic3A_132 : i32 to vector<16xi32>
      %shift_right_arithmetic3A_134 = arith.shrsi %get3A_131, %shift_right_arithmetic3A_133 : vector<16xi32>
      %swap3A_135 = arith.index_cast %scan3A_31 : i32 to index
      %swap3A_136 = arith.constant 80 : index
      %swap3A_137 = tpu.vector_load %arg6[%swap3A_135, %swap3A_136] {strides = array<i32>} : memref<79x128xi32, #tpu.memory_space<vmem>>, vector<1x16xi32>,
      %swap3A_138 = vector.shape_cast %swap3A_137 : vector<1x16xi32> to vector<16xi32>
      %swap3A_139 = vector.shape_cast %shift_right_arithmetic3A_134 : vector<16xi32> to vector<1x16xi32>
      tpu.vector_store %arg6[%swap3A_135, %swap3A_136], %swap3A_139 {strides = array<i32>} : memref<79x128xi32, #tpu.memory_space<vmem>>, vector<1x16xi32>,
      %and3A_140 = arith.constant 16383 : i32
      %and3A_141 = vector.broadcast %and3A_140 : i32 to vector<16xi32>
      %and3A_142 = arith.andi %get3A_131, %and3A_141 : vector<16xi32>
      %swap3A_143 = arith.index_cast %scan3A_31 : i32 to index
      %swap3A_144 = arith.constant 80 : index
      %swap3A_145 = tpu.vector_load %arg5[%swap3A_143, %swap3A_144] {strides = array<i32>} : memref<79x128xi32, #tpu.memory_space<vmem>>, vector<1x16xi32>,
      %swap3A_146 = vector.shape_cast %swap3A_145 : vector<1x16xi32> to vector<16xi32>
      %swap3A_147 = vector.shape_cast %and3A_142 : vector<16xi32> to vector<1x16xi32>
      tpu.vector_store %arg5[%swap3A_143, %swap3A_144], %swap3A_147 {strides = array<i32>} : memref<79x128xi32, #tpu.memory_space<vmem>>, vector<1x16xi32>,
      %get3A_148 = arith.index_cast %scan3A_31 : i32 to index
      %get3A_149 = arith.constant 96 : index
      %get3A_150 = tpu.vector_load %arg5[%get3A_148, %get3A_149] {strides = array<i32>} : memref<79x128xi32, #tpu.memory_space<vmem>>, vector<1x16xi32>,
      %get3A_151 = vector.shape_cast %get3A_150 : vector<1x16xi32> to vector<16xi32>
      %shift_right_arithmetic3A_152 = arith.constant 14 : i32
      %shift_right_arithmetic3A_153 = vector.broadcast %shift_right_arithmetic3A_152 : i32 to vector<16xi32>
      %shift_right_arithmetic3A_154 = arith.shrsi %get3A_151, %shift_right_arithmetic3A_153 : vector<16xi32>
      %swap3A_155 = arith.index_cast %scan3A_31 : i32 to index
      %swap3A_156 = arith.constant 96 : index
      %swap3A_157 = tpu.vector_load %arg6[%swap3A_155, %swap3A_156] {strides = array<i32>} : memref<79x128xi32, #tpu.memory_space<vmem>>, vector<1x16xi32>,
      %swap3A_158 = vector.shape_cast %swap3A_157 : vector<1x16xi32> to vector<16xi32>
      %swap3A_159 = vector.shape_cast %shift_right_arithmetic3A_154 : vector<16xi32> to vector<1x16xi32>
      tpu.vector_store %arg6[%swap3A_155, %swap3A_156], %swap3A_159 {strides = array<i32>} : memref<79x128xi32, #tpu.memory_space<vmem>>, vector<1x16xi32>,
      %and3A_160 = arith.constant 16383 : i32
      %and3A_161 = vector.broadcast %and3A_160 : i32 to vector<16xi32>
      %and3A_162 = arith.andi %get3A_151, %and3A_161 : vector<16xi32>
      %swap3A_163 = arith.index_cast %scan3A_31 : i32 to index
      %swap3A_164 = arith.constant 96 : index
      %swap3A_165 = tpu.vector_load %arg5[%swap3A_163, %swap3A_164] {strides = array<i32>} : memref<79x128xi32, #tpu.memory_space<vmem>>, vector<1x16xi32>,
      %swap3A_166 = vector.shape_cast %swap3A_165 : vector<1x16xi32> to vector<16xi32>
      %swap3A_167 = vector.shape_cast %and3A_162 : vector<16xi32> to vector<1x16xi32>
      tpu.vector_store %arg5[%swap3A_163, %swap3A_164], %swap3A_167 {strides = array<i32>} : memref<79x128xi32, #tpu.memory_space<vmem>>, vector<1x16xi32>,
      %get3A_168 = arith.index_cast %scan3A_31 : i32 to index
      %get3A_169 = arith.constant 112 : index
      %get3A_170 = tpu.vector_load %arg5[%get3A_168, %get3A_169] {strides = array<i32>} : memref<79x128xi32, #tpu.memory_space<vmem>>, vector<1x16xi32>,
      %get3A_171 = vector.shape_cast %get3A_170 : vector<1x16xi32> to vector<16xi32>
      %shift_right_arithmetic3A_172 = arith.constant 14 : i32
      %shift_right_arithmetic3A_173 = vector.broadcast %shift_right_arithmetic3A_172 : i32 to vector<16xi32>
      %shift_right_arithmetic3A_174 = arith.shrsi %get3A_171, %shift_right_arithmetic3A_173 : vector<16xi32>
      %swap3A_175 = arith.index_cast %scan3A_31 : i32 to index
      %swap3A_176 = arith.constant 112 : index
      %swap3A_177 = tpu.vector_load %arg6[%swap3A_175, %swap3A_176] {strides = array<i32>} : memref<79x128xi32, #tpu.memory_space<vmem>>, vector<1x16xi32>,
      %swap3A_178 = vector.shape_cast %swap3A_177 : vector<1x16xi32> to vector<16xi32>
      %swap3A_179 = vector.shape_cast %shift_right_arithmetic3A_174 : vector<16xi32> to vector<1x16xi32>
      tpu.vector_store %arg6[%swap3A_175, %swap3A_176], %swap3A_179 {strides = array<i32>} : memref<79x128xi32, #tpu.memory_space<vmem>>, vector<1x16xi32>,
      %and3A_180 = arith.constant 16383 : i32
      %and3A_181 = vector.broadcast %and3A_180 : i32 to vector<16xi32>
      %and3A_182 = arith.andi %get3A_171, %and3A_181 : vector<16xi32>
      %swap3A_183 = arith.index_cast %scan3A_31 : i32 to index
      %swap3A_184 = arith.constant 112 : index
      %swap3A_185 = tpu.vector_load %arg5[%swap3A_183, %swap3A_184] {strides = array<i32>} : memref<79x128xi32, #tpu.memory_space<vmem>>, vector<1x16xi32>,
      %swap3A_186 = vector.shape_cast %swap3A_185 : vector<1x16xi32> to vector<16xi32>
      %swap3A_187 = vector.shape_cast %and3A_182 : vector<16xi32> to vector<1x16xi32>
      tpu.vector_store %arg5[%swap3A_183, %swap3A_184], %swap3A_187 {strides = array<i32>} : memref<79x128xi32, #tpu.memory_space<vmem>>, vector<1x16xi32>,
    }
    %scan3A_23 = arith.constant 79 : i32
    %barrier3A = arith.constant 0 : index
    tpu.barrier barrier_id(%barrier3A)
    %scan3A_24 = arith.constant 0 : i32
    %scan3A_25 = arith.constant 0 : i32
    %scan3A_26 = arith.constant 79 : i32
    %scan3A_27 = arith.addi %scan3A_25, %scan3A_26 : i32
    %scan3A_28 = arith.constant 1 : i32
    scf.for %scan3A_31 = %scan3A_25 to %scan3A_27 step %scan3A_28  : i32 {
      %dma_start3A = arith.constant 0 : i32
      %dma_start3A_32 = tpu.memref_slice %arg6[%scan3A_31, %dma_start3A] : memref<79x128xi32, #tpu.memory_space<vmem>> -> memref<1x128xi32, #tpu.memory_space<vmem>>
      %dma_start3A_33 = tpu.memref_squeeze %dma_start3A_32 : memref<1x128xi32, #tpu.memory_space<vmem>> -> memref<128xi32, #tpu.memory_space<vmem>>
      %dma_start3A_34 = arith.constant 0 : i32
      %dma_start3A_35 = arith.constant 0 : i32
      %dma_start3A_36 = tpu.memref_slice %arg2[%dma_start3A_34, %dma_start3A_35] : memref<10000x128xf32, #tpu.memory_space<hbm>> -> memref<10000x128xf32, #tpu.memory_space<hbm>>
      tpu.enqueue_indirect_dma source(%dma_start3A_36 : memref<10000x128xf32, #tpu.memory_space<hbm>>) target(%arg7 : memref<128x128xf32, #tpu.memory_space<vmem>>) offsets(%dma_start3A_33 : memref<128xi32, #tpu.memory_space<vmem>>) semaphore(%arg9 : memref<!tpu.dma_semaphore, #tpu.memory_space<semaphore_mem>>)
      %dma_wait3A = arith.constant 0 : i32
      %dma_wait3A_37 = tpu.memref_slice %arg6[%scan3A_31, %dma_wait3A] : memref<79x128xi32, #tpu.memory_space<vmem>> -> memref<1x128xi32, #tpu.memory_space<vmem>>
      %dma_wait3A_38 = tpu.memref_squeeze %dma_wait3A_37 : memref<1x128xi32, #tpu.memory_space<vmem>> -> memref<128xi32, #tpu.memory_space<vmem>>
      %dma_wait3A_39 = arith.constant 0 : i32
      %dma_wait3A_40 = arith.constant 0 : i32
      %dma_wait3A_41 = tpu.memref_slice %arg2[%dma_wait3A_39, %dma_wait3A_40] : memref<10000x128xf32, #tpu.memory_space<hbm>> -> memref<10000x128xf32, #tpu.memory_space<hbm>>
      tpu.wait_indirect_dma semaphore(%arg9 : memref<!tpu.dma_semaphore, #tpu.memory_space<semaphore_mem>>) src(%dma_wait3A_41 : memref<10000x128xf32, #tpu.memory_space<hbm>>) dst(%arg7 : memref<128x128xf32, #tpu.memory_space<vmem>>)
      "tpu.region"() ({
        %run_scoped3A = tpu.sem_alloc : memref<!tpu.dma_semaphore, #tpu.memory_space<semaphore_mem>>
        %dma_start3A_42 = arith.constant 0 : i32
        %dma_start3A_43 = tpu.memref_slice %arg5[%scan3A_31, %dma_start3A_42] : memref<79x128xi32, #tpu.memory_space<vmem>> -> memref<1x128xi32, #tpu.memory_space<vmem>>
        %dma_start3A_44 = tpu.memref_squeeze %dma_start3A_43 : memref<1x128xi32, #tpu.memory_space<vmem>> -> memref<128xi32, #tpu.memory_space<vmem>>
        %dma_start3A_45 = arith.constant 0 : i32
        %dma_start3A_46 = arith.constant 0 : i32
        %dma_start3A_47 = tpu.memref_slice %arg8[%dma_start3A_45, %dma_start3A_46] : memref<10240x128xf32, #tpu.memory_space<vmem_shared>> -> memref<10240x128xf32, #tpu.memory_space<vmem_shared>>
        tpu.enqueue_indirect_dma source(%arg7 : memref<128x128xf32, #tpu.memory_space<vmem>>) target(%dma_start3A_47 : memref<10240x128xf32, #tpu.memory_space<vmem_shared>>) offsets(%dma_start3A_44 : memref<128xi32, #tpu.memory_space<vmem>>) semaphore(%run_scoped3A : memref<!tpu.dma_semaphore, #tpu.memory_space<semaphore_mem>>) {add = true}
        %dma_wait3A_48 = arith.constant 0 : i32
        %dma_wait3A_49 = tpu.memref_slice %arg5[%scan3A_31, %dma_wait3A_48] : memref<79x128xi32, #tpu.memory_space<vmem>> -> memref<1x128xi32, #tpu.memory_space<vmem>>
        %dma_wait3A_50 = tpu.memref_squeeze %dma_wait3A_49 : memref<1x128xi32, #tpu.memory_space<vmem>> -> memref<128xi32, #tpu.memory_space<vmem>>
        %dma_wait3A_51 = arith.constant 0 : i32
        %dma_wait3A_52 = arith.constant 0 : i32
        %dma_wait3A_53 = tpu.memref_slice %arg8[%dma_wait3A_51, %dma_wait3A_52] : memref<10240x128xf32, #tpu.memory_space<vmem_shared>> -> memref<10240x128xf32, #tpu.memory_space<vmem_shared>>
        tpu.wait_indirect_dma semaphore(%run_scoped3A : memref<!tpu.dma_semaphore, #tpu.memory_space<semaphore_mem>>) src(%arg7 : memref<128x128xf32, #tpu.memory_space<vmem>>) dst(%dma_wait3A_53 : memref<10240x128xf32, #tpu.memory_space<vmem_shared>>)
        tpu.yield
      }) : () -> ()
    }
    %scan3A_29 = arith.constant 79 : i32
    %barrier3A_30 = arith.constant 0 : index
    tpu.barrier barrier_id(%barrier3A_30)
    "tpu.region"() ({
      %run_scoped3A = tpu.sem_alloc : memref<!tpu.dma_semaphore, #tpu.memory_space<semaphore_mem>>
      %dma_start3A = arith.constant 0 : i32
      %dma_start3A_31 = tpu.memref_slice %arg4[%arg0, %mul3A_7, %dma_start3A] : memref<2x10240x128xf32, #tpu.memory_space<hbm>> -> memref<1x640x128xf32, #tpu.memory_space<hbm>>
      %dma_start3A_32 = tpu.memref_squeeze %dma_start3A_31 : memref<1x640x128xf32, #tpu.memory_space<hbm>> -> memref<640x128xf32, #tpu.memory_space<hbm>>
      %dma_start3A_33 = arith.constant 0 : i32
      %dma_start3A_34 = tpu.memref_slice %arg8[%mul3A_7, %dma_start3A_33] : memref<10240x128xf32, #tpu.memory_space<vmem_shared>> -> memref<640x128xf32, #tpu.memory_space<vmem_shared>>
      tpu.enqueue_dma source(%dma_start3A_34 : memref<640x128xf32, #tpu.memory_space<vmem_shared>>) target(%dma_start3A_32 : memref<640x128xf32, #tpu.memory_space<hbm>>) target_semaphore(%run_scoped3A : memref<!tpu.dma_semaphore, #tpu.memory_space<semaphore_mem>>)
      %dma_wait3A = arith.constant 0 : i32
      %dma_wait3A_35 = tpu.memref_slice %arg4[%arg0, %mul3A_7, %dma_wait3A] : memref<2x10240x128xf32, #tpu.memory_space<hbm>> -> memref<1x640x128xf32, #tpu.memory_space<hbm>>
      %dma_wait3A_36 = tpu.memref_squeeze %dma_wait3A_35 : memref<1x640x128xf32, #tpu.memory_space<hbm>> -> memref<640x128xf32, #tpu.memory_space<hbm>>
      %dma_wait3A_37 = arith.constant 0 : i32
      %dma_wait3A_38 = tpu.memref_slice %arg8[%mul3A_7, %dma_wait3A_37] : memref<10240x128xf32, #tpu.memory_space<vmem_shared>> -> memref<640x128xf32, #tpu.memory_space<vmem_shared>>
      tpu.wait_dma2 semaphore(%run_scoped3A : memref<!tpu.dma_semaphore, #tpu.memory_space<semaphore_mem>>) src(%dma_wait3A_38 : memref<640x128xf32, #tpu.memory_space<vmem_shared>>) dst(%dma_wait3A_36 : memref<640x128xf32, #tpu.memory_space<hbm>>)
      tpu.yield
    }) : () -> ()
    return
  }
}

module attributes {stable_mosaic.version = 14 : i64} {
  func.func @body(%arg0: memref<10000x128xf32, #tpu.memory_space<vmem>>, %arg1: memref<128x128xf32, #tpu.memory_space<vmem>>, %arg2: memref<10000x1xf32, #tpu.memory_space<vmem>>, %arg3: memref<10000x128xf32, #tpu.memory_space<vmem>>) attributes {dimension_semantics = [], scalar_prefetch = 0 : i64, scratch_operands = 0 : i64, tpu.core_type = #tpu.core_type<tc>} {
    %get3A = arith.constant 0 : index
    %get3A_0 = arith.constant 0 : index
    %get3A_1 = vector.load %arg2[%get3A, %get3A_0] : memref<10000x1xf32, #tpu.memory_space<vmem>>, vector<10000x1xf32>
    %add3A = arith.constant 1.000000e+00 : f32
    %add3A_2 = vector.broadcast %add3A : f32 to vector<10000x1xf32>
    %add3A_3 = arith.addf %get3A_1, %add3A_2 : vector<10000x1xf32>
    %rsqrt3A = math.rsqrt %add3A_3 : vector<10000x1xf32>
    %get3A_4 = arith.constant 0 : index
    %get3A_5 = arith.constant 0 : index
    %get3A_6 = vector.load %arg0[%get3A_4, %get3A_5] : memref<10000x128xf32, #tpu.memory_space<vmem>>, vector<10000x128xf32>
    %get3A_7 = arith.constant 0 : index
    %get3A_8 = arith.constant 0 : index
    %get3A_9 = vector.load %arg1[%get3A_7, %get3A_8] : memref<128x128xf32, #tpu.memory_space<vmem>>, vector<128x128xf32>
    %dot_general3A = arith.constant dense<0.000000e+00> : vector<10000x128xf32>
    %dot_general3A_10 = tpu.matmul %get3A_6, %get3A_9, %dot_general3A {dimension_numbers = #tpu.dot_dimension_numbers<[1], [0], [0], [1], [0, 0, 1, 1], [], []>, transpose_lhs_hint = false} : vector<10000x128xf32>, vector<128x128xf32>, vector<10000x128xf32> -> vector<10000x128xf32>
    %mul3A = vector.broadcast %rsqrt3A : vector<10000x1xf32> to vector<10000x128xf32>
    %mul3A_11 = arith.mulf %dot_general3A_10, %mul3A : vector<10000x128xf32>
    %swap3A = arith.constant 0 : index
    %swap3A_12 = arith.constant 0 : index
    %swap3A_13 = vector.load %arg3[%swap3A, %swap3A_12] : memref<10000x128xf32, #tpu.memory_space<vmem>>, vector<10000x128xf32>
    tpu.vector_store %arg3[%swap3A, %swap3A_12], %mul3A_11 {strides = array<i32>} : memref<10000x128xf32, #tpu.memory_space<vmem>>, vector<10000x128xf32>,
    return
  }
}

module attributes {stable_mosaic.version = 14 : i64} {
  func.func @body(%arg0: memref<10000x1xf32, #tpu.memory_space<vmem>>, %arg1: memref<2x10240x128xf32, #tpu.memory_space<vmem>>, %arg2: memref<10000x128xf32, #tpu.memory_space<vmem>>, %arg3: memref<1x128xf32, #tpu.memory_space<vmem>>, %arg4: memref<1x128xf32, #tpu.memory_space<vmem>>, %arg5: memref<1x128xf32, #tpu.memory_space<vmem>>, %arg6: memref<1x128xf32, #tpu.memory_space<vmem>>, %arg7: memref<1x128xf32, #tpu.memory_space<vmem>>, %arg8: memref<128x128xf32, #tpu.memory_space<vmem>>, %arg9: memref<10000x128xf32, #tpu.memory_space<vmem>>) attributes {dimension_semantics = [], scalar_prefetch = 0 : i64, scratch_operands = 0 : i64, tpu.core_type = #tpu.core_type<tc>} {
    %get3A = arith.constant 0 : index
    %get3A_0 = arith.constant 0 : index
    %get3A_1 = vector.load %arg0[%get3A, %get3A_0] : memref<10000x1xf32, #tpu.memory_space<vmem>>, vector<10000x1xf32>
    %add3A = arith.constant 1.000000e+00 : f32
    %add3A_2 = vector.broadcast %add3A : f32 to vector<10000x1xf32>
    %add3A_3 = arith.addf %get3A_1, %add3A_2 : vector<10000x1xf32>
    %rsqrt3A = math.rsqrt %add3A_3 : vector<10000x1xf32>
    %get3A_4 = arith.constant 0 : index
    %get3A_5 = arith.constant 0 : index
    %get3A_6 = arith.constant 0 : index
    %get3A_7 = vector.load %arg1[%get3A_4, %get3A_5, %get3A_6] : memref<2x10240x128xf32, #tpu.memory_space<vmem>>, vector<1x10000x128xf32>
    %get3A_8 = vector.shape_cast %get3A_7 : vector<1x10000x128xf32> to vector<10000x128xf32>
    %get3A_9 = arith.constant 1 : index
    %get3A_10 = arith.constant 0 : index
    %get3A_11 = arith.constant 0 : index
    %get3A_12 = vector.load %arg1[%get3A_9, %get3A_10, %get3A_11] : memref<2x10240x128xf32, #tpu.memory_space<vmem>>, vector<1x10000x128xf32>
    %get3A_13 = vector.shape_cast %get3A_12 : vector<1x10000x128xf32> to vector<10000x128xf32>
    %add3A_14 = arith.addf %get3A_8, %get3A_13 : vector<10000x128xf32>
    %get3A_15 = arith.constant 0 : index
    %get3A_16 = arith.constant 0 : index
    %get3A_17 = vector.load %arg2[%get3A_15, %get3A_16] : memref<10000x128xf32, #tpu.memory_space<vmem>>, vector<10000x128xf32>
    %add3A_18 = arith.addf %add3A_14, %get3A_17 : vector<10000x128xf32>
    %mul3A = vector.broadcast %rsqrt3A : vector<10000x1xf32> to vector<10000x128xf32>
    %mul3A_19 = arith.mulf %add3A_18, %mul3A : vector<10000x128xf32>
    %get3A_20 = arith.constant 0 : index
    %get3A_21 = arith.constant 0 : index
    %get3A_22 = vector.load %arg3[%get3A_20, %get3A_21] : memref<1x128xf32, #tpu.memory_space<vmem>>, vector<1x128xf32>
    %add3A_23 = vector.broadcast %get3A_22 : vector<1x128xf32> to vector<10000x128xf32>
    %add3A_24 = arith.addf %mul3A_19, %add3A_23 : vector<10000x128xf32>
    %get3A_25 = arith.constant 0 : index
    %get3A_26 = arith.constant 0 : index
    %get3A_27 = vector.load %arg4[%get3A_25, %get3A_26] : memref<1x128xf32, #tpu.memory_space<vmem>>, vector<1x128xf32>
    %get3A_28 = arith.constant 0 : index
    %get3A_29 = arith.constant 0 : index
    %get3A_30 = vector.load %arg7[%get3A_28, %get3A_29] : memref<1x128xf32, #tpu.memory_space<vmem>>, vector<1x128xf32>
    %add3A_31 = arith.constant 9.99999974E-6 : f32
    %add3A_32 = vector.broadcast %add3A_31 : f32 to vector<1x128xf32>
    %add3A_33 = arith.addf %get3A_30, %add3A_32 : vector<1x128xf32>
    %rsqrt3A_34 = math.rsqrt %add3A_33 : vector<1x128xf32>
    %mul3A_35 = arith.mulf %get3A_27, %rsqrt3A_34 : vector<1x128xf32>
    %get3A_36 = arith.constant 0 : index
    %get3A_37 = arith.constant 0 : index
    %get3A_38 = vector.load %arg6[%get3A_36, %get3A_37] : memref<1x128xf32, #tpu.memory_space<vmem>>, vector<1x128xf32>
    %sub3A = vector.broadcast %get3A_38 : vector<1x128xf32> to vector<10000x128xf32>
    %sub3A_39 = arith.subf %add3A_24, %sub3A : vector<10000x128xf32>
    %mul3A_40 = vector.broadcast %mul3A_35 : vector<1x128xf32> to vector<10000x128xf32>
    %mul3A_41 = arith.mulf %sub3A_39, %mul3A_40 : vector<10000x128xf32>
    %get3A_42 = arith.constant 0 : index
    %get3A_43 = arith.constant 0 : index
    %get3A_44 = vector.load %arg5[%get3A_42, %get3A_43] : memref<1x128xf32, #tpu.memory_space<vmem>>, vector<1x128xf32>
    %add3A_45 = vector.broadcast %get3A_44 : vector<1x128xf32> to vector<10000x128xf32>
    %add3A_46 = arith.addf %mul3A_41, %add3A_45 : vector<10000x128xf32>
    %max3A = arith.constant 0.000000e+00 : f32
    %max3A_47 = vector.broadcast %max3A : f32 to vector<10000x128xf32>
    %max3A_48 = arith.maximumf %add3A_46, %max3A_47 : vector<10000x128xf32>
    %get3A_49 = arith.constant 0 : index
    %get3A_50 = arith.constant 0 : index
    %get3A_51 = vector.load %arg8[%get3A_49, %get3A_50] : memref<128x128xf32, #tpu.memory_space<vmem>>, vector<128x128xf32>
    %dot_general3A = arith.constant dense<0.000000e+00> : vector<10000x128xf32>
    %dot_general3A_52 = tpu.matmul %max3A_48, %get3A_51, %dot_general3A {dimension_numbers = #tpu.dot_dimension_numbers<[1], [0], [0], [1], [0, 0, 1, 1], [], []>, transpose_lhs_hint = false} : vector<10000x128xf32>, vector<128x128xf32>, vector<10000x128xf32> -> vector<10000x128xf32>
    %mul3A_53 = vector.broadcast %rsqrt3A : vector<10000x1xf32> to vector<10000x128xf32>
    %mul3A_54 = arith.mulf %dot_general3A_52, %mul3A_53 : vector<10000x128xf32>
    %swap3A = arith.constant 0 : index
    %swap3A_55 = arith.constant 0 : index
    %swap3A_56 = vector.load %arg9[%swap3A, %swap3A_55] : memref<10000x128xf32, #tpu.memory_space<vmem>>, vector<10000x128xf32>
    tpu.vector_store %arg9[%swap3A, %swap3A_55], %mul3A_54 {strides = array<i32>} : memref<10000x128xf32, #tpu.memory_space<vmem>>, vector<10000x128xf32>,
    return
  }
}

module attributes {stable_mosaic.version = 14 : i64} {
  func.func @body(%arg0: memref<10000x1xf32, #tpu.memory_space<vmem>>, %arg1: memref<2x10240x128xf32, #tpu.memory_space<vmem>>, %arg2: memref<10000x128xf32, #tpu.memory_space<vmem>>, %arg3: memref<1x128xf32, #tpu.memory_space<vmem>>, %arg4: memref<1x10000xi32, #tpu.memory_space<vmem>>, %arg5: memref<128x64xf32, #tpu.memory_space<vmem>>, %arg6: memref<1x64xf32, #tpu.memory_space<vmem>>, %arg7: memref<64x2xf32, #tpu.memory_space<vmem>>, %arg8: memref<1x2xf32, #tpu.memory_space<vmem>>, %arg9: memref<64x2xf32, #tpu.memory_space<vmem>>) attributes {dimension_semantics = [], scalar_prefetch = 0 : i64, scratch_operands = 0 : i64, tpu.core_type = #tpu.core_type<tc>} {
    %get3A = arith.constant 0 : index
    %get3A_0 = arith.constant 0 : index
    %get3A_1 = vector.load %arg0[%get3A, %get3A_0] : memref<10000x1xf32, #tpu.memory_space<vmem>>, vector<10000x1xf32>
    %add3A = arith.constant 1.000000e+00 : f32
    %add3A_2 = vector.broadcast %add3A : f32 to vector<10000x1xf32>
    %add3A_3 = arith.addf %get3A_1, %add3A_2 : vector<10000x1xf32>
    %rsqrt3A = math.rsqrt %add3A_3 : vector<10000x1xf32>
    %get3A_4 = arith.constant 0 : index
    %get3A_5 = arith.constant 0 : index
    %get3A_6 = arith.constant 0 : index
    %get3A_7 = vector.load %arg1[%get3A_4, %get3A_5, %get3A_6] : memref<2x10240x128xf32, #tpu.memory_space<vmem>>, vector<1x10000x128xf32>
    %get3A_8 = vector.shape_cast %get3A_7 : vector<1x10000x128xf32> to vector<10000x128xf32>
    %get3A_9 = arith.constant 1 : index
    %get3A_10 = arith.constant 0 : index
    %get3A_11 = arith.constant 0 : index
    %get3A_12 = vector.load %arg1[%get3A_9, %get3A_10, %get3A_11] : memref<2x10240x128xf32, #tpu.memory_space<vmem>>, vector<1x10000x128xf32>
    %get3A_13 = vector.shape_cast %get3A_12 : vector<1x10000x128xf32> to vector<10000x128xf32>
    %add3A_14 = arith.addf %get3A_8, %get3A_13 : vector<10000x128xf32>
    %get3A_15 = arith.constant 0 : index
    %get3A_16 = arith.constant 0 : index
    %get3A_17 = vector.load %arg2[%get3A_15, %get3A_16] : memref<10000x128xf32, #tpu.memory_space<vmem>>, vector<10000x128xf32>
    %add3A_18 = arith.addf %add3A_14, %get3A_17 : vector<10000x128xf32>
    %mul3A = vector.broadcast %rsqrt3A : vector<10000x1xf32> to vector<10000x128xf32>
    %mul3A_19 = arith.mulf %add3A_18, %mul3A : vector<10000x128xf32>
    %get3A_20 = arith.constant 0 : index
    %get3A_21 = arith.constant 0 : index
    %get3A_22 = vector.load %arg3[%get3A_20, %get3A_21] : memref<1x128xf32, #tpu.memory_space<vmem>>, vector<1x128xf32>
    %add3A_23 = vector.broadcast %get3A_22 : vector<1x128xf32> to vector<10000x128xf32>
    %add3A_24 = arith.addf %mul3A_19, %add3A_23 : vector<10000x128xf32>
    %iota3A = tpu.iota {dimensions = array<i32: 0>} : vector<64x10000xi32>
    %get3A_25 = arith.constant 0 : index
    %get3A_26 = arith.constant 0 : index
    %get3A_27 = vector.load %arg4[%get3A_25, %get3A_26] : memref<1x10000xi32, #tpu.memory_space<vmem>>, vector<1x10000xi32>
    %eq3A = vector.broadcast %get3A_27 : vector<1x10000xi32> to vector<64x10000xi32>
    %eq3A_28 = arith.cmpi eq, %iota3A, %eq3A : vector<64x10000xi32>
    %convert_element_type3A = arith.extui %eq3A_28 : vector<64x10000xi1> to vector<64x10000xi32>
    %convert_element_type3A_29 = arith.sitofp %convert_element_type3A : vector<64x10000xi32> to vector<64x10000xf32>
    %dot_general3A = arith.constant dense<0.000000e+00> : vector<64x128xf32>
    %dot_general3A_30 = tpu.matmul %convert_element_type3A_29, %add3A_24, %dot_general3A {dimension_numbers = #tpu.dot_dimension_numbers<[1], [0], [0], [1], [0, 0, 1, 1], [], []>, precision = #tpu.contract_precision<fp32>, transpose_lhs_hint = false} : vector<64x10000xf32>, vector<10000x128xf32>, vector<64x128xf32> -> vector<64x128xf32>
    %reduce_sum3A = arith.constant dense<0.000000e+00> : vector<64xf32>
    %reduce_sum3A_31 = vector.multi_reduction <add>, %convert_element_type3A_29, %reduce_sum3A [1] : vector<64x10000xf32> to vector<64xf32>
    %broadcast_in_dim3A = vector.shape_cast %reduce_sum3A_31 : vector<64xf32> to vector<64x1xf32>
    %max3A = arith.constant 1.000000e+00 : f32
    %max3A_32 = vector.broadcast %max3A : f32 to vector<64x1xf32>
    %max3A_33 = arith.maximumf %broadcast_in_dim3A, %max3A_32 : vector<64x1xf32>
    %div3A = vector.broadcast %max3A_33 : vector<64x1xf32> to vector<64x128xf32>
    %div3A_34 = arith.divf %dot_general3A_30, %div3A : vector<64x128xf32>
    %get3A_35 = arith.constant 0 : index
    %get3A_36 = arith.constant 0 : index
    %get3A_37 = vector.load %arg5[%get3A_35, %get3A_36] : memref<128x64xf32, #tpu.memory_space<vmem>>, vector<128x64xf32>
    %dot_general3A_38 = arith.constant dense<0.000000e+00> : vector<64x64xf32>
    %dot_general3A_39 = tpu.matmul %div3A_34, %get3A_37, %dot_general3A_38 {dimension_numbers = #tpu.dot_dimension_numbers<[1], [0], [0], [1], [0, 0, 1, 1], [], []>, transpose_lhs_hint = false} : vector<64x128xf32>, vector<128x64xf32>, vector<64x64xf32> -> vector<64x64xf32>
    %get3A_40 = arith.constant 0 : index
    %get3A_41 = arith.constant 0 : index
    %get3A_42 = vector.load %arg6[%get3A_40, %get3A_41] : memref<1x64xf32, #tpu.memory_space<vmem>>, vector<1x64xf32>
    %add3A_43 = vector.broadcast %get3A_42 : vector<1x64xf32> to vector<64x64xf32>
    %add3A_44 = arith.addf %dot_general3A_39, %add3A_43 : vector<64x64xf32>
    %max3A_45 = arith.constant 0.000000e+00 : f32
    %max3A_46 = vector.broadcast %max3A_45 : f32 to vector<64x64xf32>
    %max3A_47 = arith.maximumf %add3A_44, %max3A_46 : vector<64x64xf32>
    %get3A_48 = arith.constant 0 : index
    %get3A_49 = arith.constant 0 : index
    %get3A_50 = vector.load %arg7[%get3A_48, %get3A_49] : memref<64x2xf32, #tpu.memory_space<vmem>>, vector<64x2xf32>
    %dot_general3A_51 = arith.constant dense<0.000000e+00> : vector<64x2xf32>
    %dot_general3A_52 = tpu.matmul %max3A_47, %get3A_50, %dot_general3A_51 {dimension_numbers = #tpu.dot_dimension_numbers<[1], [0], [0], [1], [0, 0, 1, 1], [], []>, transpose_lhs_hint = false} : vector<64x64xf32>, vector<64x2xf32>, vector<64x2xf32> -> vector<64x2xf32>
    %get3A_53 = arith.constant 0 : index
    %get3A_54 = arith.constant 0 : index
    %get3A_55 = vector.load %arg8[%get3A_53, %get3A_54] : memref<1x2xf32, #tpu.memory_space<vmem>>, vector<1x2xf32>
    %add3A_56 = vector.broadcast %get3A_55 : vector<1x2xf32> to vector<64x2xf32>
    %add3A_57 = arith.addf %dot_general3A_52, %add3A_56 : vector<64x2xf32>
    %swap3A = arith.constant 0 : index
    %swap3A_58 = arith.constant 0 : index
    %swap3A_59 = vector.load %arg9[%swap3A, %swap3A_58] : memref<64x2xf32, #tpu.memory_space<vmem>>, vector<64x2xf32>
    tpu.vector_store %arg9[%swap3A, %swap3A_58], %add3A_57 {strides = array<i32>} : memref<64x2xf32, #tpu.memory_space<vmem>>, vector<64x2xf32>,
    return
  }
}

</mosaic_0001>

<sc_bundles>
// kernel: kernel.11.cloned.1.call-start
scs
__scs_entry_jumppad:
0x0: {  	(pc) =	sbr.rel $0x88, $3  }
0x1: {  	(tag) =	ssettag $0x0;
	lr =	simm.s32 $0x1  }
0x2: {  	[smem:$0x3F92] =	sst lr;
	_ =	strace $0xD0000000  }
0x3: {  	_ = 	snop  }
0x4: {  	_ = 	snop  }
0x5: {  	_ = 	snop  }
0x6: {  	_ = 	snop  }
0x7: {  	_ = 	snop  }
__scs_overlays_trampoline_lowered:
0x8: {  	[smem:$0x3FA1] =	sst s0  }
0x9: {  	[smem:$0x3FA2] =	sst s1  }
0xa: {  	[smem:$0x3FA3] =	sst s2  }
0xb: {  	[smem:$0x3FA4] =	sst s3  }
0xc: {  	[smem:$0x3FA5] =	sst s4  }
0xd: {  	[smem:$0x3FA6] =	sst s5  }
0xe: {  	[smem:$0x3FA7] =	sst s6  }
0xf: {  	[smem:$0x3FA8] =	sst s7  }
0x10: {  	[smem:$0x3FA9] =	sst s8  }
0x11: {  	[smem:$0x3FAA] =	sst s9;
	s0 =	simm.s32 @!p0 $0x0  }
0x12: {  	s1 =	sld [smem:$0x3F90];
	s0 =	simm.s32 @p0 $0x1  }
0x13: {  	[smem:$0x3FAB] =	sst s0;
	s0 =	simm.s32 @!p1 $0x0  }
0x14: {  	s2 =	sld [smem:$0x3F8F];
	s0 =	simm.s32 @p1 $0x1  }
0x15: {  	[smem:$0x3FAC] =	sst s0;
	s0 =	simm.s32 @!p2 $0x0  }
0x16: {  	s3 =	sld [smem:$0x3FDB];
	s0 =	simm.s32 @p2 $0x1  }
0x17: {  	s4 =	simm.s32 $0x1BF5;
	[smem:$0x3FAE] =	sst s0  }
0x18: {  	s0 =	sld [smem:$0x3F91];
	_ =	swait.ge [sflag:s4], $0x0  }
0x19: {  	s7 =	sld [smem:$0x3F92]  }
0x1a: {  	s8 =	sadd.s32 $0xFFFFE003, lr  }
0x1b: {  	s9 =	sadd.s32 $0xFFFFFEF7, lr;
	s5 =	simm.s32 $0xFFFFFFFF;
	p2 =	slt.u32 s8, $0xFFFFF086  }
0x1c: {  	p1 =	slt.u32 s9, $0xF7A;
	s5 =	simm.s32 @!p2 $0x0  }
0x1d: {  	s5 =	simm.s32 @p1 $0x1;
	p0 =	seq.s32 s7, s2  }
0x1e: {  	s7 =	smul.u32 @!p0 $0xF7A, s2;
	p2 =	seq.s32 @!p0 s5, $0x0  }
0x1f: {  	s9 =	smul.u32 $0xF7A, s1;
	s8 =	simm.s32 @!p0 $0x1BF5;
	p2 =	por !p2, p0  }
0x20: {  	[sflag:s8] =	ssyncset.s32 @!p0 $0xFFFFF086;
	s6 =	sadd.s32 @!p0 s3, s7;
	s7 =	simm.s32 @!p0 $0x108  }
0x21: {  	s3 =	sadd.s32 s3, s9;
	s6 =	sadd.s32 @!p0 $0x88, s6;
	s7 =	simm.s32 @p2 $0x1082  }
0x22: {  	[simem:s7], [sflag:s8] =	dma.local @!p0 [hbm:s6], $0xF7A  }
0x23: {  	s9 =	sor.u32 $0xD0000000, s2;
	s6 =	simm.s32 $0x108;
	_ =	swait.ge @!p0 [sflag:s8], $0x0  }
0x24: {  	s3 =	sadd.s32 $0x88, s3;
	s6 =	simm.s32 @!p1 $0x1082;
	[sflag:s4] =	ssyncset.s32 $0xFFFFF086  }
0x25: {  	[simem:s6], [sflag:s4] =	dma.local [hbm:s3], $0xF7A  }
0x26: {  	[smem:$0x3F92] =	sst s1;
	(tag) =	ssettag s2;
	_ =	strace s9  }
0x27: {  	s1 =	sld [smem:$0x3FA2]  }
0x28: {  	s2 =	sld [smem:$0x3FA3]  }
0x29: {  	s4 =	sld [smem:$0x3FA5]  }
0x2a: {  	p0 =	seq.s32 s5, $0x0;
	s5 =	sld [smem:$0x3FA6]  }
0x2b: {  	s6 =	sld [smem:$0x3FA7]  }
0x2c: {  	s7 =	sld [smem:$0x3FA8]  }
0x2d: {  	s3 =	simm.s32 $0x108;
	s8 =	sld [smem:$0x3FA9]  }
0x2e: {  	s3 =	simm.s32 @!p0 $0x1082;
	s9 =	sld [smem:$0x3FAA]  }
0x2f: {  	lr =	sadd.s32 s0, s3;
	s0 =	sld [smem:$0x3FA1]  }
0x30: {  	s3 =	sld [smem:$0x3FA4]  }
0x31: {  	[smem:$0x3FAD] =	sst s10  }
0x32: {  	s10 =	sld [smem:$0x3FAB];
	_ =	sdelay $0x3  }
0x33: {  	p0 =	seq.s32 s10, $0x1;
	s10 =	sld [smem:$0x3FAD];
	_ =	sdelay $0x3  }
0x34: {  	[smem:$0x3FAD] =	sst s10  }
0x35: {  	s10 =	sld [smem:$0x3FAC];
	_ =	sdelay $0x3  }
0x36: {  	p1 =	seq.s32 s10, $0x1;
	s10 =	sld [smem:$0x3FAD];
	_ =	sdelay $0x3  }
0x37: {  	[smem:$0x3FAD] =	sst s10  }
0x38: {  	s10 =	sld [smem:$0x3FAE]  }
0x39: {  	_ = 	snop;
	(pc) =	sbr.ind lr, $3  }
0x3a: {  	_ = 	snop  }
0x3b: {  	_ = 	snop  }
0x3c: {  	p2 =	seq.s32 s10, $0x1;
	s10 =	sld [smem:$0x3FAD]  }
0x3d: {  	_ =	shalt  }
0x3e: {  	_ =	shalt  }
0x3f: {  	_ =	shalt  }
0x40: {  	_ =	shalt  }
0x41: {  	_ =	shalt  }
0x42: {  	_ =	shalt  }
0x43: {  	_ =	shalt  }
0x44: {  	_ =	shalt  }
0x45: {  	_ =	shalt  }
0x46: {  	_ =	shalt  }
0x47: {  	_ =	shalt  }
0x48: {  	_ =	shalt  }
0x49: {  	_ =	shalt  }
0x4a: {  	_ =	shalt  }
0x4b: {  	_ =	shalt  }
0x4c: {  	_ =	shalt  }
0x4d: {  	_ =	shalt  }
0x4e: {  	_ =	shalt  }
0x4f: {  	_ =	shalt  }
0x50: {  	_ =	shalt  }
0x51: {  	_ =	shalt  }
0x52: {  	_ =	shalt  }
0x53: {  	_ =	shalt  }
0x54: {  	_ =	shalt  }
0x55: {  	_ =	shalt  }
0x56: {  	_ =	shalt  }
0x57: {  	_ =	shalt  }
0x58: {  	_ =	shalt  }
0x59: {  	_ =	shalt  }
0x5a: {  	_ =	shalt  }
0x5b: {  	_ =	shalt  }
0x5c: {  	_ =	shalt  }
0x5d: {  	_ =	shalt  }
0x5e: {  	_ =	shalt  }
0x5f: {  	_ =	shalt  }
0x60: {  	_ =	shalt  }
0x61: {  	_ =	shalt  }
0x62: {  	_ =	shalt  }
0x63: {  	_ =	shalt  }
0x64: {  	_ =	shalt  }
0x65: {  	_ =	shalt  }
0x66: {  	_ =	shalt  }
0x67: {  	_ =	shalt  }
0x68: {  	_ =	shalt  }
0x69: {  	_ =	shalt  }
0x6a: {  	_ =	shalt  }
0x6b: {  	_ =	shalt  }
0x6c: {  	_ =	shalt  }
0x6d: {  	_ =	shalt  }
0x6e: {  	_ =	shalt  }
0x6f: {  	_ =	shalt  }
0x70: {  	_ =	shalt  }
0x71: {  	_ =	shalt  }
0x72: {  	_ =	shalt  }
0x73: {  	_ =	shalt  }
0x74: {  	_ =	shalt  }
0x75: {  	_ =	shalt  }
0x76: {  	_ =	shalt  }
0x77: {  	_ =	shalt  }
0x78: {  	_ =	shalt  }
0x79: {  	_ =	shalt  }
0x7a: {  	_ =	shalt  }
0x7b: {  	_ =	shalt  }
0x7c: {  	_ =	shalt  }
0x7d: {  	_ =	shalt  }
0x7e: {  	_ =	shalt  }
0x7f: {  	_ =	shalt  }
0x80: {  	_ =	shalt  }
0x81: {  	_ =	shalt  }
0x82: {  	_ =	shalt  }
0x83: {  	_ =	shalt  }
0x84: {  	_ =	shalt  }
0x85: {  	_ =	shalt  }
0x86: {  	_ =	shalt  }
0x87: {  	_ =	shalt  }
.Lfunc_end0:
.L_simem_size_0:
called_computation.1_lowered:
.L_overlay_start_0:
0x88: {  	s2 =	sld [smem:$0x3FD9]  }
0x89: {  	s3 =	sld [smem:$0x3FFE];
	_ =	sdelay $0x1  }
0x8a: {  	s1 =	srdreg.scid  }
0x8b: {  	s0 =	sand.u32 $0x1, s1  }
0x8c: {  	s16 =	sshll.u32 s0, $0xA;
	s2 =	sadd.s32 s3, s2  }
0x8d: {  	s2 =	sadd.s32 s2, s16  }
0x8e: {  	[smem:$0x3FB9] =	sst s2  }
0x8f: {  	_ = 	snop  }
0x90: {  	(tm) =	ssettm $0x1  }
0x91: {  	s17 =	sld [smem:$0x3FFB];
	_ =	sdelay $0x3  }
0x92: {  	_ =	strace s17  }
0x93: {  	s2 =	sld [smem:$0x3FFC];
	_ =	sdelay $0x3  }
0x94: {  	_ =	strace s2  }
0x95: {  	s2 =	sld [smem:$0x3FFD];
	_ =	sdelay $0x3  }
0x96: {  	_ =	strace s2  }
0x97: {  	_ =	strace $0x8FFFFFFF  }
0x98: {  	s18 =	sld [smem:$0x3FDB];
	_ =	sdelay $0x1  }
0x99: {  	s19 =	simm.s32 $_scs_section_size  }
0x9a: {  	s4 =	simm.s32 $_size__tile_overlayer_lowered;
	s5 =	simm.s32 $_tile_overlayer_lowered  }
0x9b: {  	s22 =	simm.s32 $0x1BFF;
	s21 =	sshll.u32 s5, $0x1;
	s2 =	sadd.s32 s19, s18  }
0x9c: {  	s6 =	simm.s32 $0x0;
	s20 =	sshll.u32 s4, $0x1;
	s4 =	sadd.s32 s21, s2  }
0x9d: {  	[timem:s6], [sflag:s22] =	dma.local [hbm:s4], s20  }
0x9e: {  	_ =	swait.ge [sflag:s22], s20  }
0x9f: {  	s3 =	ssub.s32 $0x0, s20;
	[sflag:s22] =	ssyncset.done $0x0  }
0xa0: {  	[sflag:s22] =	ssyncadd.s32 s3;
	_ =	sdelay $0x1  }
0xa1: {  	s23 =	simm.s32 $0x1B8B  }
0xa2: {  	_ =	swait.ge [sflag:s23], $0x1  }
0xa3: {  	[sflag:s23] =	ssyncset.done $0x0  }
0xa4: {  	s25 =	simm.s32 $0x1B8E;
	s24 =	sld [smem:$0x3FFE];
	[sflag:s23] =	ssyncadd.s32 $0xFFFFFFFF  }
0xa5: {  	s26 =	simm.s32 $execute0_lowered;
	[smem:$0x3FD2] =	sst s25  }
0xa6: {  	s4 =	sshll.u32 s26, $0x1;
	_ =	strace $0x80000049;
	[dreg:$0x1] =	wrdreg $0xFFFFFFFF  }
0xa7: {  	s28 =	simm.s32 $_size_execute0_lowered;
	s2 =	sadd.s32 s2, s4;
	[dreg:$0x0] =	wrdreg $0x0  }
0xa8: {  	s4 =	sshll.u32 s28, $0x1;
	[dreg:$0x2] =	wrdreg s2  }
0xa9: {  	[dreg:$0x3] =	wrdreg s4  }
0xaa: {  	[dreg:$0x4] =	wrdreg $0xC0  }
0xab: {  	_ =	task [dreg:s6], $0x5FFFF  }
0xac: {  	[dreg:$0x1] =	wrdreg $0xFFFFFFFF  }
0xad: {  	[dreg:$0x0] =	wrdreg $0x60  }
0xae: {  	[dreg:$0x2] =	wrdreg s24  }
0xaf: {  	[dreg:$0x3] =	wrdreg $0x90000  }
0xb0: {  	[dreg:$0x4] =	wrdreg $0x9  }
0xb1: {  	_ =	task.clear_ibuf [dreg:s6], $0x5FFFF;
	_ =	strace $0x90000049  }
0xb2: {  	s29 =	simm.s32 $0x9;
	_ =	strace $0x8000004B  }
0xb3: {  	_ =	swait.ge [sflag:s29], $0x1  }
0xb4: {  	[sflag:s29] =	ssyncadd.s32 $0xFFFFFFFF  }
0xb5: {  	_ =	strace $0x9000004B  }
0xb6: {  	_ =	sfence  }
0xb7: {  	s30 =	sld [smem:$0x0];
	_ =	sdelay $0x2  }
0xb8: {  	s31 =	sshll.u32 s1, $0xD;
	s1 =	sshrl.u32 s1, $0x2  }
0xb9: {  	s3 =	sand.u32 $0x4000, s31;
	s1 =	sadd.s32 s1, s30  }
0xba: {  	s0 =	sor.u32 s3, s0;
	s1 =	sshll.u32 s1, $0x11  }
0xbb: {  	s0 =	sor.u32 s1, s0  }
0xbc: {  	s0 =	sadd.s32 $0x8F2B, s0  }
0xbd: {  	[sflag:s0] =	ssyncadd.remote.s32 $0x1  }
0xbe: {  	_ =	sfence.sel $0xFFFF  }
0xbf: {  	[dreg:$0x0] =	wrdreg $0xFFFFFFFF;
	(pc) =	sbr.abs _section_cstart, $3  }
0xc0: {  	[dreg:$0x1] =	wrdreg $0xFFFFFFFF  }
0xc1: {  	_ =	task.clear_ibuf [dreg:s6], $0x2FFFF;
	_ =	strace $0x9FFFFFFF  }
0xc2: {  	(tm) =	ssettm $0x7FFFFFFF  }
0xc3: {  	_ =	shalt  }
tec
execute0_lowered:
.L_overlay_start_1:
0x0: {  	(tag) =	ssettag $0x1  }
0x1: {  	s6 =	rddreg [dreg:$0x0]  }
0x2: {  	s0 =	srdreg.scid;
	s2 =	rddreg [dreg:$0x1];
	s3 =	simm.s32 $0x0  }
0x3: {  	s13 =	simm.s32 $0x2;
	s14 =	simm.s32 $0x5000;
	s15 =	simm.s32 $0x80  }
0x4: {  	s16 =	simm.s32 $0x1;
	s5 =	sand.u32 $0x1, s0;
	s0 =	stileid.u32  }
0x5: {  	s19 =	simm.s32 $0x0;
	[smem:$0x7FF] =	sst s3;
	s8 =	smul.u32 $0x140000, s5  }
0x6: {  	s4 =	sadd.s32 $0xD400, s6;
	s1 =	sshll.u32 s5, $0x4;
	s9 =	smul.u32 $0x14000, s0  }
0x7: {  	s10 =	smul.u32 $0x50000, s0;
	s5 =	ssub.s32 $0x2, s5;
	s17 =	sshll.u32 s0, $0x6  }
0x8: {  	s1 =	sor.u32 s0, s1;
	s31 =	sshrl.u32 s5, $0x1;
	s17 =	sor.u32 $0x1C02, s17  }
0x9: {  	s7 =	smul.u32 $0x500, s1;
	s1 =	rddreg [dreg:$0x2];
	_ =	strace $0x8000004A  }
0xa: {  	s8 =	sadd.s32 s9, s8;
	s10 =	sshrl.u32 s10, $0x2;
	s12 =	ssub.s32 s5, s31  }
0xb: {  	s8 =	sshrl.u32 s8, $0x3;
	s5 =	sadd.s32 s10, s2;
	s12 =	smax.u32 s12, $0x1  }
0xc: {  	s7 =	sadd.s32 s7, s6;
	s11 =	sadd.s32 s8, s6;
	s8 =	sadd.s32 $0x8000, s5  }
0xd: {  	s9 =	sadd.s32 $0xC000, s5;
	s10 =	sadd.s32 $0x10000, s5;
	s18 =	sshrl.u32 s5, $0x3  }
0xe: {  	v0 =	vimm.f32 $0.0e+00;
	s6 =	sadd.s32 $0x3400, s7;
	s7 =	sadd.s32 $0x4000, s5;
	s11 =	sadd.s32 $0x34600, s11  }
.LBB2_1:
0xf: {  	[tilespmem:s3], [sflag:$0x2] =	stream.linear.gather [hbm4b:s6+s3], $0x2780, $0x38;
	[tilespmem:$0x1D000] =	vst v63  }
0x10: {  	_ =	swait.ge [sflag:s13], $0x2780  }
0x11: {  	[sflag:s13] =	ssyncset.done $0x0  }
0x12: {  	s20 =	simm.s32 $0x0;
	s21 =	simm.s32 $0x200;
	[sflag:s13] =	ssyncadd.s32 $0xFFFFD880  }
.LBB2_2:
0x13: {  	p0 =	sne.s32 s21, $0xFE00;
	[tilespmem:s20+$0x5070] =	vst v0  }
0x14: {  	[tilespmem:s20+$0x5000] =	vst v0  }
0x15: {  	[tilespmem:s20+$0x5010] =	vst v0  }
.Ltmp0:
0x16: {  	[tilespmem:s20+$0x5020] =	vst v0;
	(pc) =	sbr.rel @p0 .LBB2_2-.Ltmp0, $4  }
0x17: {  	[tilespmem:s20+$0x5030] =	vst v0  }
0x18: {  	[tilespmem:s20+$0x5040] =	vst v0  }
0x19: {  	[tilespmem:s20+$0x5050] =	vst v0  }
0x1a: {  	[tilespmem:s20+$0x5060] =	vst v0;
	s20 =	sshra.s32 s21, $0x2;
	s21 =	sadd.s32 $0x200, s21  }
0x1b: {  	[tilespmem:s20+$0x5070] =	vst v0  }
0x1c: {  	[tilespmem:s20+$0x5000] =	vst v0  }
0x1d: {  	[tilespmem:s20+$0x5010] =	vst v0  }
0x1e: {  	[tilespmem:s20+$0x5020] =	vst v0  }
0x1f: {  	[tilespmem:s20+$0x5030] =	vst v0  }
0x20: {  	[tilespmem:s20+$0x5040] =	vst v0  }
0x21: {  	[tilespmem:s20+$0x5050] =	vst v0  }
0x22: {  	[tilespmem:s20+$0x5060] =	vst v0  }
0x23: {  	[spmem:s5] =	stream.linear.scatter [tilespmem:s14], [sflag:$0x2], $0x4000, $0x38;
	[tilespmem:$0x1D000] =	vst v63  }
0x24: {  	_ =	swait.ge [sflag:s13], $0x4000  }
0x25: {  	[sflag:s13] =	ssyncset.done $0x0  }
0x26: {  	[sflag:s13] =	ssyncadd.s32 $0xFFFFC000  }
0x27: {  	[spmem:s7] =	stream.linear.scatter [tilespmem:s14], [sflag:$0x2], $0x4000, $0x38;
	[tilespmem:$0x1D000] =	vst v63  }
0x28: {  	_ =	swait.ge [sflag:s13], $0x4000  }
0x29: {  	[sflag:s13] =	ssyncset.done $0x0  }
0x2a: {  	[sflag:s13] =	ssyncadd.s32 $0xFFFFC000  }
0x2b: {  	[spmem:s8] =	stream.linear.scatter [tilespmem:s14], [sflag:$0x2], $0x4000, $0x38;
	[tilespmem:$0x1D000] =	vst v63  }
0x2c: {  	_ =	swait.ge [sflag:s13], $0x4000  }
0x2d: {  	[sflag:s13] =	ssyncset.done $0x0  }
0x2e: {  	[sflag:s13] =	ssyncadd.s32 $0xFFFFC000  }
0x2f: {  	[spmem:s9] =	stream.linear.scatter [tilespmem:s14], [sflag:$0x2], $0x4000, $0x38;
	[tilespmem:$0x1D000] =	vst v63  }
0x30: {  	_ =	swait.ge [sflag:s13], $0x4000  }
0x31: {  	[sflag:s13] =	ssyncset.done $0x0  }
0x32: {  	[sflag:s13] =	ssyncadd.s32 $0xFFFFC000  }
0x33: {  	[spmem:s10] =	stream.linear.scatter [tilespmem:s14], [sflag:$0x2], $0x4000, $0x38;
	[tilespmem:$0x1D000] =	vst v63  }
0x34: {  	_ =	swait.ge [sflag:s13], $0x4000  }
0x35: {  	[sflag:s13] =	ssyncset.done $0x0  }
0x36: {  	s20 =	simm.s32 $0x0;
	[sflag:s13] =	ssyncadd.s32 $0xFFFFC000  }
0x37: {  	v1 =	vld [tilespmem:s20+$0x0]  }
0x38: {  	v7 =	vld [tilespmem:s20+$0x10]  }
0x39: {  	v6 =	vld [tilespmem:s20+$0x20]  }
0x3a: {  	v5 =	vld [tilespmem:s20+$0x30]  }
0x3b: {  	v3 =	vld [tilespmem:s20+$0x40]  }
0x3c: {  	v4 =	vld [tilespmem:s20+$0x50];
	v2 =	vand.u32 $0x3FFF, v1  }
0x3d: {  	s21 =	simm.s32 $0x200;
	v1 =	vshra.s32 v1, $0xE;
	v8 =	vand.u32 $0x3FFF, v7;
	[tilespmem:s20+$0x0] =	vst v2;
	v2 =	vshra.s32 v7, $0xE;
	v7 =	vld [tilespmem:s20+$0x60]  }
.LBB2_4:
0x3e: {  	p0 =	sne.s32 s21, $0x9C00;
	[tilespmem:s20+$0x10] =	vst v8;
	v8 =	vshra.s32 v6, $0xE;
	v6 =	vand.u32 $0x3FFF, v6;
	v9 =	vld [tilespmem:s20+$0x70]  }
0x3f: {  	[tilespmem:s20+$0x20] =	vst v6;
	v6 =	vshra.s32 v5, $0xE;
	v5 =	vand.u32 $0x3FFF, v5  }
0x40: {  	[tilespmem:s20+$0x30] =	vst v5;
	v5 =	vshra.s32 v3, $0xE;
	v3 =	vand.u32 $0x3FFF, v3  }
0x41: {  	[tilespmem:s20+$0x40] =	vst v3;
	v3 =	vshra.s32 v4, $0xE;
	v4 =	vand.u32 $0x3FFF, v4  }
0x42: {  	[tilespmem:s20+$0x50] =	vst v4;
	v4 =	vshra.s32 v7, $0xE;
	v7 =	vand.u32 $0x3FFF, v7  }
0x43: {  	[tilespmem:s20+$0x60] =	vst v7;
	v7 =	vshra.s32 v9, $0xE;
	v9 =	vand.u32 $0x3FFF, v9  }
0x44: {  	[tilespmem:s20+$0x70] =	vst v9  }
0x45: {  	[tilespmem:s20+$0x2800] =	vst v1  }
0x46: {  	s22 =	sshra.s32 s21, $0x2;
	[tilespmem:s20+$0x2810] =	vst v2  }
0x47: {  	v2 =	vld [tilespmem:s22+$0x0];
	[tilespmem:s20+$0x2820] =	vst v8  }
0x48: {  	v8 =	vld [tilespmem:s22+$0x10];
	[tilespmem:s20+$0x2830] =	vst v6  }
.Ltmp1:
0x49: {  	v6 =	vld [tilespmem:s22+$0x20];
	[tilespmem:s20+$0x2840] =	vst v5;
	(pc) =	sbr.rel @p0 .LBB2_4-.Ltmp1, $4  }
0x4a: {  	v5 =	vld [tilespmem:s22+$0x30];
	[tilespmem:s20+$0x2850] =	vst v3  }
0x4b: {  	v3 =	vld [tilespmem:s22+$0x40];
	[tilespmem:s20+$0x2860] =	vst v4  }
0x4c: {  	v1 =	vshra.s32 v2, $0xE;
	v2 =	vand.u32 $0x3FFF, v2;
	v4 =	vld [tilespmem:s22+$0x50];
	[tilespmem:s20+$0x2870] =	vst v7;
	s20 =	smov.u32 s22  }
0x4d: {  	s21 =	sadd.s32 $0x200, s21;
	[tilespmem:s20+$0x0] =	vst v2;
	v2 =	vshra.s32 v8, $0xE;
	v8 =	vand.u32 $0x3FFF, v8;
	v7 =	vld [tilespmem:s20+$0x60]  }
0x4e: {  	[tilespmem:s20+$0x10] =	vst v8  }
0x4f: {  	[tilespmem:s20+$0x2800] =	vst v1  }
0x50: {  	v58 =	vand.u32 $0x3FFF, v6;
	[tilespmem:s20+$0x2810] =	vst v2  }
0x51: {  	v1 =	vshra.s32 v6, $0xE;
	[tilespmem:s20+$0x20] =	vst v58  }
0x52: {  	v59 =	vand.u32 $0x3FFF, v5;
	[tilespmem:s20+$0x2820] =	vst v1  }
0x53: {  	v2 =	vshra.s32 v5, $0xE;
	[tilespmem:s20+$0x30] =	vst v59  }
0x54: {  	v60 =	vand.u32 $0x3FFF, v3;
	[tilespmem:s20+$0x2830] =	vst v2  }
0x55: {  	v9 =	vld [tilespmem:s20+$0x70];
	v1 =	vshra.s32 v3, $0xE;
	[tilespmem:s20+$0x40] =	vst v60  }
0x56: {  	v61 =	vand.u32 $0x3FFF, v4;
	[tilespmem:s20+$0x2840] =	vst v1  }
0x57: {  	v2 =	vshra.s32 v4, $0xE;
	[tilespmem:s20+$0x50] =	vst v61  }
0x58: {  	v62 =	vand.u32 $0x3FFF, v7;
	[tilespmem:s20+$0x2850] =	vst v2  }
0x59: {  	v1 =	vshra.s32 v7, $0xE;
	[tilespmem:s20+$0x60] =	vst v62  }
0x5a: {  	v63 =	vand.u32 $0x3FFF, v9;
	[tilespmem:s20+$0x2860] =	vst v1  }
0x5b: {  	v2 =	vshra.s32 v9, $0xE;
	[tilespmem:s20+$0x70] =	vst v63  }
0x5c: {  	[tilespmem:s20+$0x2870] =	vst v2  }
0x5d: {  	s30 =	simm.s32 $0x2800;
	[bflag:$0x0] =	sbarrier.arrive $0xFFFF  }
0x5e: {  	[tilespmem:s14], [sflag:$0x1] =	stream.indirect.gather [hbm4b:s4+s15], $0x80, s30, s15, $0xb8;
	[tilespmem:$0x1D000] =	vst v63  }
0x5f: {  	_ =	swait.ge [sflag:s16], $0x4000  }
0x60: {  	[sflag:s16] =	ssyncset.done $0x0  }
0x61: {  	s31 =	simm.s32 $0x0;
	[sflag:s16] =	ssyncadd.s32 $0xFFFFC000  }
0x62: {  	[spmem:s2] =	stream.indirect.scatter.add.f32 [tilespmem:s14], [sflag:$0x2], $0x80, s31, s15, $0xb8;
	[tilespmem:$0x1D000] =	vst v63  }
0x63: {  	_ =	swait.ge [sflag:s13], $0x4000  }
0x64: {  	s21 =	simm.s32 $0x400;
	s20 =	simm.s32 $0x80;
	[sflag:s13] =	ssyncset.done $0x0  }
.LBB2_6:
0x65: {  	s22 =	sadd.s32 $0x2800, s20  }
0x66: {  	[sflag:s13] =	ssyncadd.s32 $0xFFFFC000;
	s23 =	smov.u32 s21;
	s24 =	sadd.s32 $0x200, s21  }
0x67: {  	[tilespmem:s14], [sflag:$0x1] =	stream.indirect.gather [hbm4b:s4+s15], $0x80, s22, s15, $0xb8;
	[tilespmem:$0x1D000] =	vst v63  }
0x68: {  	p0 =	sne.s32 s21, $0x9C00;
	_ =	swait.ge [sflag:s16], $0x4000  }
.Ltmp2:
0x69: {  	[sflag:s16] =	ssyncset.done $0x0;
	(pc) =	sbr.rel @p0 .LBB2_6-.Ltmp2, $4  }
0x6a: {  	[sflag:s16] =	ssyncadd.s32 $0xFFFFC000  }
0x6b: {  	[spmem:s2] =	stream.indirect.scatter.add.f32 [tilespmem:s14], [sflag:$0x2], $0x80, s20, s15, $0xb8;
	[tilespmem:$0x1D000] =	vst v63  }
0x6c: {  	_ =	swait.ge [sflag:s13], $0x4000  }
0x6d: {  	s21 =	smov.u32 s24;
	s20 =	sshra.s32 s23, $0x2;
	[sflag:s13] =	ssyncset.done $0x0  }
0x6e: {  	s21 =	sadd.s32 $0x2800, s20;
	[sflag:s13] =	ssyncadd.s32 $0xFFFFC000  }
0x6f: {  	[tilespmem:s14], [sflag:$0x1] =	stream.indirect.gather [hbm4b:s4+s15], $0x80, s21, s15, $0xb8;
	[tilespmem:$0x1D000] =	vst v63  }
0x70: {  	_ =	swait.ge [sflag:s16], $0x4000  }
0x71: {  	[sflag:s16] =	ssyncset.done $0x0  }
0x72: {  	[sflag:s16] =	ssyncadd.s32 $0xFFFFC000  }
0x73: {  	[spmem:s2] =	stream.indirect.scatter.add.f32 [tilespmem:s14], [sflag:$0x2], $0x80, s20, s15, $0xb8;
	[tilespmem:$0x1D000] =	vst v63  }
0x74: {  	_ =	swait.ge [sflag:s13], $0x4000  }
0x75: {  	s19 =	sadd.s32 $0x1, s19;
	[sflag:s13] =	ssyncset.done $0x0  }
0x76: {  	p0 =	sne.s32 s19, s12;
	[sflag:s13] =	ssyncadd.s32 $0xFFFFC000  }
.Ltmp3:
0x77: {  	[bflag:$0x0] =	sbarrier.arrive $0xFFFF;
	(pc) =	sbr.rel @p0 .LBB2_1-.Ltmp3, $4  }
0x78: {  	[hbm:s11], [sflag:s17] =	dma.local [spmem:s18], $0x2800  }
0x79: {  	_ =	swait.ge [sflag:s13], $0x2800  }
0x7a: {  	[sflag:s13] =	ssyncset.done $0x0  }
0x7b: {  	[sflag:s13] =	ssyncadd.s32 $0xFFFFD800  }
0x7c: {  	_ =	sfence.sel $0x180000  }
0x7d: {  	[bflag:$0x0] =	sbarrier.arrive $0xFFFF  }
0x7e: {  	p0 =	sne.s32 s0, $0x0;
	_ =	strace $0x9000004A  }
0x7f: {  	s0 =	sadd.s32 @!p0 $0x100000, s1;
	[bflag:$0x2] =	sbarrier.arrive $0xFFFF  }
0x80: {  	[sflag:s0] =	ssyncadd.tile.s32 @!p0 $0x1;
	_ =	shalt  }
.Lfunc_end2:
_tile_overlayer_lowered:
.L_overlay_start_2:
0x81: {  	(tag) =	ssettag $0x2  }
0x82: {  	s0 =	rddreg [dreg:$0x0];
	s2 =	stileid.u32  }
0x83: {  	s1 =	rddreg [dreg:$0x1];
	p0 =	sne.s32 s2, $0x0  }
0x84: {  	s3 =	rddreg [dreg:$0x2];
	[bflag:$0x3] =	sbarrier.arrive $0xFFFF;
	s2 =	simm.s32 @!p0 $0x1C02  }
0x85: {  	[timem:s3], [sflag:s2] =	dma.local @!p0 [hbm:s0], s1  }
0x86: {  	s0 =	simm.s32 @!p0 $0x2  }
0x87: {  	_ =	swait.ge @!p0 [sflag:s0], s1  }
0x88: {  	s1 =	ssub.s32 @!p0 $0x0, s1;
	[sflag:s0] =	ssyncset.done @!p0 $0x0  }
0x89: {  	[sflag:s0] =	ssyncadd.s32 @!p0 s1  }
0x8a: {  	[bflag:$0x3] =	sbarrier.arrive $0xFFFF  }
0x8b: {  	_ =	shalt  }

// kernel: kernel.14.cloned.1.call-start
scs
__scs_entry_jumppad:
0x0: {  	(pc) =	sbr.rel $0x88, $3  }
0x1: {  	(tag) =	ssettag $0x0;
	lr =	simm.s32 $0x1  }
0x2: {  	[smem:$0x3F92] =	sst lr;
	_ =	strace $0xD0000000  }
0x3: {  	_ = 	snop  }
0x4: {  	_ = 	snop  }
0x5: {  	_ = 	snop  }
0x6: {  	_ = 	snop  }
0x7: {  	_ = 	snop  }
__scs_overlays_trampoline_lowered:
0x8: {  	[smem:$0x3FA1] =	sst s0  }
0x9: {  	[smem:$0x3FA2] =	sst s1  }
0xa: {  	[smem:$0x3FA3] =	sst s2  }
0xb: {  	[smem:$0x3FA4] =	sst s3  }
0xc: {  	[smem:$0x3FA5] =	sst s4  }
0xd: {  	[smem:$0x3FA6] =	sst s5  }
0xe: {  	[smem:$0x3FA7] =	sst s6  }
0xf: {  	[smem:$0x3FA8] =	sst s7  }
0x10: {  	[smem:$0x3FA9] =	sst s8  }
0x11: {  	[smem:$0x3FAA] =	sst s9;
	s0 =	simm.s32 @!p0 $0x0  }
0x12: {  	s1 =	sld [smem:$0x3F90];
	s0 =	simm.s32 @p0 $0x1  }
0x13: {  	[smem:$0x3FAB] =	sst s0;
	s0 =	simm.s32 @!p1 $0x0  }
0x14: {  	s2 =	sld [smem:$0x3F8F];
	s0 =	simm.s32 @p1 $0x1  }
0x15: {  	[smem:$0x3FAC] =	sst s0;
	s0 =	simm.s32 @!p2 $0x0  }
0x16: {  	s3 =	sld [smem:$0x3FDB];
	s0 =	simm.s32 @p2 $0x1  }
0x17: {  	s4 =	simm.s32 $0x1BF5;
	[smem:$0x3FAE] =	sst s0  }
0x18: {  	s0 =	sld [smem:$0x3F91];
	_ =	swait.ge [sflag:s4], $0x0  }
0x19: {  	s7 =	sld [smem:$0x3F92]  }
0x1a: {  	s8 =	sadd.s32 $0xFFFFE003, lr  }
0x1b: {  	s9 =	sadd.s32 $0xFFFFFEF7, lr;
	s5 =	simm.s32 $0xFFFFFFFF;
	p2 =	slt.u32 s8, $0xFFFFF086  }
0x1c: {  	p1 =	slt.u32 s9, $0xF7A;
	s5 =	simm.s32 @!p2 $0x0  }
0x1d: {  	s5 =	simm.s32 @p1 $0x1;
	p0 =	seq.s32 s7, s2  }
0x1e: {  	s7 =	smul.u32 @!p0 $0xF7A, s2;
	p2 =	seq.s32 @!p0 s5, $0x0  }
0x1f: {  	s9 =	smul.u32 $0xF7A, s1;
	s8 =	simm.s32 @!p0 $0x1BF5;
	p2 =	por !p2, p0  }
0x20: {  	[sflag:s8] =	ssyncset.s32 @!p0 $0xFFFFF086;
	s6 =	sadd.s32 @!p0 s3, s7;
	s7 =	simm.s32 @!p0 $0x108  }
0x21: {  	s3 =	sadd.s32 s3, s9;
	s6 =	sadd.s32 @!p0 $0x88, s6;
	s7 =	simm.s32 @p2 $0x1082  }
0x22: {  	[simem:s7], [sflag:s8] =	dma.local @!p0 [hbm:s6], $0xF7A  }
0x23: {  	s9 =	sor.u32 $0xD0000000, s2;
	s6 =	simm.s32 $0x108;
	_ =	swait.ge @!p0 [sflag:s8], $0x0  }
0x24: {  	s3 =	sadd.s32 $0x88, s3;
	s6 =	simm.s32 @!p1 $0x1082;
	[sflag:s4] =	ssyncset.s32 $0xFFFFF086  }
0x25: {  	[simem:s6], [sflag:s4] =	dma.local [hbm:s3], $0xF7A  }
0x26: {  	[smem:$0x3F92] =	sst s1;
	(tag) =	ssettag s2;
	_ =	strace s9  }
0x27: {  	s1 =	sld [smem:$0x3FA2]  }
0x28: {  	s2 =	sld [smem:$0x3FA3]  }
0x29: {  	s4 =	sld [smem:$0x3FA5]  }
0x2a: {  	p0 =	seq.s32 s5, $0x0;
	s5 =	sld [smem:$0x3FA6]  }
0x2b: {  	s6 =	sld [smem:$0x3FA7]  }
0x2c: {  	s7 =	sld [smem:$0x3FA8]  }
0x2d: {  	s3 =	simm.s32 $0x108;
	s8 =	sld [smem:$0x3FA9]  }
0x2e: {  	s3 =	simm.s32 @!p0 $0x1082;
	s9 =	sld [smem:$0x3FAA]  }
0x2f: {  	lr =	sadd.s32 s0, s3;
	s0 =	sld [smem:$0x3FA1]  }
0x30: {  	s3 =	sld [smem:$0x3FA4]  }
0x31: {  	[smem:$0x3FAD] =	sst s10  }
0x32: {  	s10 =	sld [smem:$0x3FAB];
	_ =	sdelay $0x3  }
0x33: {  	p0 =	seq.s32 s10, $0x1;
	s10 =	sld [smem:$0x3FAD];
	_ =	sdelay $0x3  }
0x34: {  	[smem:$0x3FAD] =	sst s10  }
0x35: {  	s10 =	sld [smem:$0x3FAC];
	_ =	sdelay $0x3  }
0x36: {  	p1 =	seq.s32 s10, $0x1;
	s10 =	sld [smem:$0x3FAD];
	_ =	sdelay $0x3  }
0x37: {  	[smem:$0x3FAD] =	sst s10  }
0x38: {  	s10 =	sld [smem:$0x3FAE]  }
0x39: {  	_ = 	snop;
	(pc) =	sbr.ind lr, $3  }
0x3a: {  	_ = 	snop  }
0x3b: {  	_ = 	snop  }
0x3c: {  	p2 =	seq.s32 s10, $0x1;
	s10 =	sld [smem:$0x3FAD]  }
0x3d: {  	_ =	shalt  }
0x3e: {  	_ =	shalt  }
0x3f: {  	_ =	shalt  }
0x40: {  	_ =	shalt  }
0x41: {  	_ =	shalt  }
0x42: {  	_ =	shalt  }
0x43: {  	_ =	shalt  }
0x44: {  	_ =	shalt  }
0x45: {  	_ =	shalt  }
0x46: {  	_ =	shalt  }
0x47: {  	_ =	shalt  }
0x48: {  	_ =	shalt  }
0x49: {  	_ =	shalt  }
0x4a: {  	_ =	shalt  }
0x4b: {  	_ =	shalt  }
0x4c: {  	_ =	shalt  }
0x4d: {  	_ =	shalt  }
0x4e: {  	_ =	shalt  }
0x4f: {  	_ =	shalt  }
0x50: {  	_ =	shalt  }
0x51: {  	_ =	shalt  }
0x52: {  	_ =	shalt  }
0x53: {  	_ =	shalt  }
0x54: {  	_ =	shalt  }
0x55: {  	_ =	shalt  }
0x56: {  	_ =	shalt  }
0x57: {  	_ =	shalt  }
0x58: {  	_ =	shalt  }
0x59: {  	_ =	shalt  }
0x5a: {  	_ =	shalt  }
0x5b: {  	_ =	shalt  }
0x5c: {  	_ =	shalt  }
0x5d: {  	_ =	shalt  }
0x5e: {  	_ =	shalt  }
0x5f: {  	_ =	shalt  }
0x60: {  	_ =	shalt  }
0x61: {  	_ =	shalt  }
0x62: {  	_ =	shalt  }
0x63: {  	_ =	shalt  }
0x64: {  	_ =	shalt  }
0x65: {  	_ =	shalt  }
0x66: {  	_ =	shalt  }
0x67: {  	_ =	shalt  }
0x68: {  	_ =	shalt  }
0x69: {  	_ =	shalt  }
0x6a: {  	_ =	shalt  }
0x6b: {  	_ =	shalt  }
0x6c: {  	_ =	shalt  }
0x6d: {  	_ =	shalt  }
0x6e: {  	_ =	shalt  }
0x6f: {  	_ =	shalt  }
0x70: {  	_ =	shalt  }
0x71: {  	_ =	shalt  }
0x72: {  	_ =	shalt  }
0x73: {  	_ =	shalt  }
0x74: {  	_ =	shalt  }
0x75: {  	_ =	shalt  }
0x76: {  	_ =	shalt  }
0x77: {  	_ =	shalt  }
0x78: {  	_ =	shalt  }
0x79: {  	_ =	shalt  }
0x7a: {  	_ =	shalt  }
0x7b: {  	_ =	shalt  }
0x7c: {  	_ =	shalt  }
0x7d: {  	_ =	shalt  }
0x7e: {  	_ =	shalt  }
0x7f: {  	_ =	shalt  }
0x80: {  	_ =	shalt  }
0x81: {  	_ =	shalt  }
0x82: {  	_ =	shalt  }
0x83: {  	_ =	shalt  }
0x84: {  	_ =	shalt  }
0x85: {  	_ =	shalt  }
0x86: {  	_ =	shalt  }
0x87: {  	_ =	shalt  }
.Lfunc_end0:
.L_simem_size_0:
called_computation.2_lowered:
.L_overlay_start_0:
0x88: {  	s2 =	sld [smem:$0x3FD9]  }
0x89: {  	s3 =	sld [smem:$0x3FFE];
	_ =	sdelay $0x1  }
0x8a: {  	s1 =	srdreg.scid  }
0x8b: {  	s0 =	sand.u32 $0x1, s1  }
0x8c: {  	s16 =	sshll.u32 s0, $0xA;
	s2 =	sadd.s32 s3, s2  }
0x8d: {  	s2 =	sadd.s32 s2, s16  }
0x8e: {  	[smem:$0x3FB9] =	sst s2  }
0x8f: {  	_ = 	snop  }
0x90: {  	(tm) =	ssettm $0x1  }
0x91: {  	s17 =	sld [smem:$0x3FFB];
	_ =	sdelay $0x3  }
0x92: {  	_ =	strace s17  }
0x93: {  	s2 =	sld [smem:$0x3FFC];
	_ =	sdelay $0x3  }
0x94: {  	_ =	strace s2  }
0x95: {  	s2 =	sld [smem:$0x3FFD];
	_ =	sdelay $0x3  }
0x96: {  	_ =	strace s2  }
0x97: {  	_ =	strace $0x8FFFFFFF  }
0x98: {  	s18 =	sld [smem:$0x3FDB];
	_ =	sdelay $0x1  }
0x99: {  	s19 =	simm.s32 $_scs_section_size  }
0x9a: {  	s4 =	simm.s32 $_size__tile_overlayer_lowered;
	s5 =	simm.s32 $_tile_overlayer_lowered  }
0x9b: {  	s22 =	simm.s32 $0x1BFF;
	s21 =	sshll.u32 s5, $0x1;
	s2 =	sadd.s32 s19, s18  }
0x9c: {  	s6 =	simm.s32 $0x0;
	s20 =	sshll.u32 s4, $0x1;
	s4 =	sadd.s32 s21, s2  }
0x9d: {  	[timem:s6], [sflag:s22] =	dma.local [hbm:s4], s20  }
0x9e: {  	_ =	swait.ge [sflag:s22], s20  }
0x9f: {  	s3 =	ssub.s32 $0x0, s20;
	[sflag:s22] =	ssyncset.done $0x0  }
0xa0: {  	[sflag:s22] =	ssyncadd.s32 s3;
	_ =	sdelay $0x1  }
0xa1: {  	s23 =	simm.s32 $0x1B8B  }
0xa2: {  	_ =	swait.ge [sflag:s23], $0x1  }
0xa3: {  	[sflag:s23] =	ssyncset.done $0x0  }
0xa4: {  	s25 =	simm.s32 $0x1B8E;
	s24 =	sld [smem:$0x3FFE];
	[sflag:s23] =	ssyncadd.s32 $0xFFFFFFFF  }
0xa5: {  	s26 =	simm.s32 $execute0_lowered;
	[smem:$0x3FD2] =	sst s25  }
0xa6: {  	s4 =	sshll.u32 s26, $0x1;
	_ =	strace $0x8000004C;
	[dreg:$0x1] =	wrdreg $0xFFFFFFFF  }
0xa7: {  	s28 =	simm.s32 $_size_execute0_lowered;
	s2 =	sadd.s32 s2, s4;
	[dreg:$0x0] =	wrdreg $0x0  }
0xa8: {  	s4 =	sshll.u32 s28, $0x1;
	[dreg:$0x2] =	wrdreg s2  }
0xa9: {  	[dreg:$0x3] =	wrdreg s4  }
0xaa: {  	[dreg:$0x4] =	wrdreg $0xC0  }
0xab: {  	_ =	task [dreg:s6], $0x5FFFF  }
0xac: {  	[dreg:$0x1] =	wrdreg $0xFFFFFFFF  }
0xad: {  	[dreg:$0x0] =	wrdreg $0x60  }
0xae: {  	[dreg:$0x2] =	wrdreg s24  }
0xaf: {  	[dreg:$0x3] =	wrdreg $0x90000  }
0xb0: {  	[dreg:$0x4] =	wrdreg $0x9  }
0xb1: {  	_ =	task.clear_ibuf [dreg:s6], $0x5FFFF;
	_ =	strace $0x9000004C  }
0xb2: {  	s29 =	simm.s32 $0x9;
	_ =	strace $0x8000004E  }
0xb3: {  	_ =	swait.ge [sflag:s29], $0x1  }
0xb4: {  	[sflag:s29] =	ssyncadd.s32 $0xFFFFFFFF  }
0xb5: {  	_ =	strace $0x9000004E  }
0xb6: {  	_ =	sfence  }
0xb7: {  	s30 =	sld [smem:$0x0];
	_ =	sdelay $0x2  }
0xb8: {  	s31 =	sshll.u32 s1, $0xD;
	s1 =	sshrl.u32 s1, $0x2  }
0xb9: {  	s3 =	sand.u32 $0x4000, s31;
	s1 =	sadd.s32 s1, s30  }
0xba: {  	s0 =	sor.u32 s3, s0;
	s1 =	sshll.u32 s1, $0x11  }
0xbb: {  	s0 =	sor.u32 s1, s0  }
0xbc: {  	s0 =	sadd.s32 $0x8F2B, s0  }
0xbd: {  	[sflag:s0] =	ssyncadd.remote.s32 $0x1  }
0xbe: {  	_ =	sfence.sel $0xFFFF  }
0xbf: {  	[dreg:$0x0] =	wrdreg $0xFFFFFFFF;
	(pc) =	sbr.abs _section_cstart, $3  }
0xc0: {  	[dreg:$0x1] =	wrdreg $0xFFFFFFFF  }
0xc1: {  	_ =	task.clear_ibuf [dreg:s6], $0x2FFFF;
	_ =	strace $0x9FFFFFFF  }
0xc2: {  	(tm) =	ssettm $0x7FFFFFFF  }
0xc3: {  	_ =	shalt  }
tec
execute0_lowered:
.L_overlay_start_1:
0x0: {  	(tag) =	ssettag $0x1  }
0x1: {  	s6 =	rddreg [dreg:$0x0]  }
0x2: {  	s0 =	srdreg.scid;
	s2 =	rddreg [dreg:$0x1];
	s3 =	simm.s32 $0x0  }
0x3: {  	s13 =	simm.s32 $0x2;
	s14 =	simm.s32 $0x5000;
	s15 =	simm.s32 $0x80  }
0x4: {  	s16 =	simm.s32 $0x1;
	s5 =	sand.u32 $0x1, s0;
	s0 =	stileid.u32  }
0x5: {  	s19 =	simm.s32 $0x0;
	[smem:$0x7FF] =	sst s3;
	s8 =	smul.u32 $0x140000, s5  }
0x6: {  	s4 =	sadd.s32 $0xD400, s6;
	s1 =	sshll.u32 s5, $0x4;
	s9 =	smul.u32 $0x14000, s0  }
0x7: {  	s10 =	smul.u32 $0x50000, s0;
	s5 =	ssub.s32 $0x2, s5;
	s17 =	sshll.u32 s0, $0x6  }
0x8: {  	s1 =	sor.u32 s0, s1;
	s31 =	sshrl.u32 s5, $0x1;
	s17 =	sor.u32 $0x1C02, s17  }
0x9: {  	s7 =	smul.u32 $0x500, s1;
	s1 =	rddreg [dreg:$0x2];
	_ =	strace $0x8000004D  }
0xa: {  	s8 =	sadd.s32 s9, s8;
	s10 =	sshrl.u32 s10, $0x2;
	s12 =	ssub.s32 s5, s31  }
0xb: {  	s8 =	sshrl.u32 s8, $0x3;
	s5 =	sadd.s32 s10, s2;
	s12 =	smax.u32 s12, $0x1  }
0xc: {  	s7 =	sadd.s32 s7, s6;
	s11 =	sadd.s32 s8, s6;
	s8 =	sadd.s32 $0x8000, s5  }
0xd: {  	s9 =	sadd.s32 $0xC000, s5;
	s10 =	sadd.s32 $0x10000, s5;
	s18 =	sshrl.u32 s5, $0x3  }
0xe: {  	v0 =	vimm.f32 $0.0e+00;
	s6 =	sadd.s32 $0x3400, s7;
	s7 =	sadd.s32 $0x4000, s5;
	s11 =	sadd.s32 $0x34600, s11  }
.LBB2_1:
0xf: {  	[tilespmem:s3], [sflag:$0x2] =	stream.linear.gather [hbm4b:s6+s3], $0x2780, $0x38;
	[tilespmem:$0x1D000] =	vst v63  }
0x10: {  	_ =	swait.ge [sflag:s13], $0x2780  }
0x11: {  	[sflag:s13] =	ssyncset.done $0x0  }
0x12: {  	s20 =	simm.s32 $0x0;
	s21 =	simm.s32 $0x200;
	[sflag:s13] =	ssyncadd.s32 $0xFFFFD880  }
.LBB2_2:
0x13: {  	p0 =	sne.s32 s21, $0xFE00;
	[tilespmem:s20+$0x5070] =	vst v0  }
0x14: {  	[tilespmem:s20+$0x5000] =	vst v0  }
0x15: {  	[tilespmem:s20+$0x5010] =	vst v0  }
.Ltmp0:
0x16: {  	[tilespmem:s20+$0x5020] =	vst v0;
	(pc) =	sbr.rel @p0 .LBB2_2-.Ltmp0, $4  }
0x17: {  	[tilespmem:s20+$0x5030] =	vst v0  }
0x18: {  	[tilespmem:s20+$0x5040] =	vst v0  }
0x19: {  	[tilespmem:s20+$0x5050] =	vst v0  }
0x1a: {  	[tilespmem:s20+$0x5060] =	vst v0;
	s20 =	sshra.s32 s21, $0x2;
	s21 =	sadd.s32 $0x200, s21  }
0x1b: {  	[tilespmem:s20+$0x5070] =	vst v0  }
0x1c: {  	[tilespmem:s20+$0x5000] =	vst v0  }
0x1d: {  	[tilespmem:s20+$0x5010] =	vst v0  }
0x1e: {  	[tilespmem:s20+$0x5020] =	vst v0  }
0x1f: {  	[tilespmem:s20+$0x5030] =	vst v0  }
0x20: {  	[tilespmem:s20+$0x5040] =	vst v0  }
0x21: {  	[tilespmem:s20+$0x5050] =	vst v0  }
0x22: {  	[tilespmem:s20+$0x5060] =	vst v0  }
0x23: {  	[spmem:s5] =	stream.linear.scatter [tilespmem:s14], [sflag:$0x2], $0x4000, $0x38;
	[tilespmem:$0x1D000] =	vst v63  }
0x24: {  	_ =	swait.ge [sflag:s13], $0x4000  }
0x25: {  	[sflag:s13] =	ssyncset.done $0x0  }
0x26: {  	[sflag:s13] =	ssyncadd.s32 $0xFFFFC000  }
0x27: {  	[spmem:s7] =	stream.linear.scatter [tilespmem:s14], [sflag:$0x2], $0x4000, $0x38;
	[tilespmem:$0x1D000] =	vst v63  }
0x28: {  	_ =	swait.ge [sflag:s13], $0x4000  }
0x29: {  	[sflag:s13] =	ssyncset.done $0x0  }
0x2a: {  	[sflag:s13] =	ssyncadd.s32 $0xFFFFC000  }
0x2b: {  	[spmem:s8] =	stream.linear.scatter [tilespmem:s14], [sflag:$0x2], $0x4000, $0x38;
	[tilespmem:$0x1D000] =	vst v63  }
0x2c: {  	_ =	swait.ge [sflag:s13], $0x4000  }
0x2d: {  	[sflag:s13] =	ssyncset.done $0x0  }
0x2e: {  	[sflag:s13] =	ssyncadd.s32 $0xFFFFC000  }
0x2f: {  	[spmem:s9] =	stream.linear.scatter [tilespmem:s14], [sflag:$0x2], $0x4000, $0x38;
	[tilespmem:$0x1D000] =	vst v63  }
0x30: {  	_ =	swait.ge [sflag:s13], $0x4000  }
0x31: {  	[sflag:s13] =	ssyncset.done $0x0  }
0x32: {  	[sflag:s13] =	ssyncadd.s32 $0xFFFFC000  }
0x33: {  	[spmem:s10] =	stream.linear.scatter [tilespmem:s14], [sflag:$0x2], $0x4000, $0x38;
	[tilespmem:$0x1D000] =	vst v63  }
0x34: {  	_ =	swait.ge [sflag:s13], $0x4000  }
0x35: {  	[sflag:s13] =	ssyncset.done $0x0  }
0x36: {  	s20 =	simm.s32 $0x0;
	[sflag:s13] =	ssyncadd.s32 $0xFFFFC000  }
0x37: {  	v1 =	vld [tilespmem:s20+$0x0]  }
0x38: {  	v7 =	vld [tilespmem:s20+$0x10]  }
0x39: {  	v6 =	vld [tilespmem:s20+$0x20]  }
0x3a: {  	v5 =	vld [tilespmem:s20+$0x30]  }
0x3b: {  	v3 =	vld [tilespmem:s20+$0x40]  }
0x3c: {  	v4 =	vld [tilespmem:s20+$0x50];
	v2 =	vand.u32 $0x3FFF, v1  }
0x3d: {  	s21 =	simm.s32 $0x200;
	v1 =	vshra.s32 v1, $0xE;
	v8 =	vand.u32 $0x3FFF, v7;
	[tilespmem:s20+$0x0] =	vst v2;
	v2 =	vshra.s32 v7, $0xE;
	v7 =	vld [tilespmem:s20+$0x60]  }
.LBB2_4:
0x3e: {  	p0 =	sne.s32 s21, $0x9C00;
	[tilespmem:s20+$0x10] =	vst v8;
	v8 =	vshra.s32 v6, $0xE;
	v6 =	vand.u32 $0x3FFF, v6;
	v9 =	vld [tilespmem:s20+$0x70]  }
0x3f: {  	[tilespmem:s20+$0x20] =	vst v6;
	v6 =	vshra.s32 v5, $0xE;
	v5 =	vand.u32 $0x3FFF, v5  }
0x40: {  	[tilespmem:s20+$0x30] =	vst v5;
	v5 =	vshra.s32 v3, $0xE;
	v3 =	vand.u32 $0x3FFF, v3  }
0x41: {  	[tilespmem:s20+$0x40] =	vst v3;
	v3 =	vshra.s32 v4, $0xE;
	v4 =	vand.u32 $0x3FFF, v4  }
0x42: {  	[tilespmem:s20+$0x50] =	vst v4;
	v4 =	vshra.s32 v7, $0xE;
	v7 =	vand.u32 $0x3FFF, v7  }
0x43: {  	[tilespmem:s20+$0x60] =	vst v7;
	v7 =	vshra.s32 v9, $0xE;
	v9 =	vand.u32 $0x3FFF, v9  }
0x44: {  	[tilespmem:s20+$0x70] =	vst v9  }
0x45: {  	[tilespmem:s20+$0x2800] =	vst v1  }
0x46: {  	s22 =	sshra.s32 s21, $0x2;
	[tilespmem:s20+$0x2810] =	vst v2  }
0x47: {  	v2 =	vld [tilespmem:s22+$0x0];
	[tilespmem:s20+$0x2820] =	vst v8  }
0x48: {  	v8 =	vld [tilespmem:s22+$0x10];
	[tilespmem:s20+$0x2830] =	vst v6  }
.Ltmp1:
0x49: {  	v6 =	vld [tilespmem:s22+$0x20];
	[tilespmem:s20+$0x2840] =	vst v5;
	(pc) =	sbr.rel @p0 .LBB2_4-.Ltmp1, $4  }
0x4a: {  	v5 =	vld [tilespmem:s22+$0x30];
	[tilespmem:s20+$0x2850] =	vst v3  }
0x4b: {  	v3 =	vld [tilespmem:s22+$0x40];
	[tilespmem:s20+$0x2860] =	vst v4  }
0x4c: {  	v1 =	vshra.s32 v2, $0xE;
	v2 =	vand.u32 $0x3FFF, v2;
	v4 =	vld [tilespmem:s22+$0x50];
	[tilespmem:s20+$0x2870] =	vst v7;
	s20 =	smov.u32 s22  }
0x4d: {  	s21 =	sadd.s32 $0x200, s21;
	[tilespmem:s20+$0x0] =	vst v2;
	v2 =	vshra.s32 v8, $0xE;
	v8 =	vand.u32 $0x3FFF, v8;
	v7 =	vld [tilespmem:s20+$0x60]  }
0x4e: {  	[tilespmem:s20+$0x10] =	vst v8  }
0x4f: {  	[tilespmem:s20+$0x2800] =	vst v1  }
0x50: {  	v58 =	vand.u32 $0x3FFF, v6;
	[tilespmem:s20+$0x2810] =	vst v2  }
0x51: {  	v1 =	vshra.s32 v6, $0xE;
	[tilespmem:s20+$0x20] =	vst v58  }
0x52: {  	v59 =	vand.u32 $0x3FFF, v5;
	[tilespmem:s20+$0x2820] =	vst v1  }
0x53: {  	v2 =	vshra.s32 v5, $0xE;
	[tilespmem:s20+$0x30] =	vst v59  }
0x54: {  	v60 =	vand.u32 $0x3FFF, v3;
	[tilespmem:s20+$0x2830] =	vst v2  }
0x55: {  	v9 =	vld [tilespmem:s20+$0x70];
	v1 =	vshra.s32 v3, $0xE;
	[tilespmem:s20+$0x40] =	vst v60  }
0x56: {  	v61 =	vand.u32 $0x3FFF, v4;
	[tilespmem:s20+$0x2840] =	vst v1  }
0x57: {  	v2 =	vshra.s32 v4, $0xE;
	[tilespmem:s20+$0x50] =	vst v61  }
0x58: {  	v62 =	vand.u32 $0x3FFF, v7;
	[tilespmem:s20+$0x2850] =	vst v2  }
0x59: {  	v1 =	vshra.s32 v7, $0xE;
	[tilespmem:s20+$0x60] =	vst v62  }
0x5a: {  	v63 =	vand.u32 $0x3FFF, v9;
	[tilespmem:s20+$0x2860] =	vst v1  }
0x5b: {  	v2 =	vshra.s32 v9, $0xE;
	[tilespmem:s20+$0x70] =	vst v63  }
0x5c: {  	[tilespmem:s20+$0x2870] =	vst v2  }
0x5d: {  	s30 =	simm.s32 $0x2800;
	[bflag:$0x0] =	sbarrier.arrive $0xFFFF  }
0x5e: {  	[tilespmem:s14], [sflag:$0x1] =	stream.indirect.gather [hbm4b:s4+s15], $0x80, s30, s15, $0xb8;
	[tilespmem:$0x1D000] =	vst v63  }
0x5f: {  	_ =	swait.ge [sflag:s16], $0x4000  }
0x60: {  	[sflag:s16] =	ssyncset.done $0x0  }
0x61: {  	s31 =	simm.s32 $0x0;
	[sflag:s16] =	ssyncadd.s32 $0xFFFFC000  }
0x62: {  	[spmem:s2] =	stream.indirect.scatter.add.f32 [tilespmem:s14], [sflag:$0x2], $0x80, s31, s15, $0xb8;
	[tilespmem:$0x1D000] =	vst v63  }
0x63: {  	_ =	swait.ge [sflag:s13], $0x4000  }
0x64: {  	s21 =	simm.s32 $0x400;
	s20 =	simm.s32 $0x80;
	[sflag:s13] =	ssyncset.done $0x0  }
.LBB2_6:
0x65: {  	s22 =	sadd.s32 $0x2800, s20  }
0x66: {  	[sflag:s13] =	ssyncadd.s32 $0xFFFFC000;
	s23 =	smov.u32 s21;
	s24 =	sadd.s32 $0x200, s21  }
0x67: {  	[tilespmem:s14], [sflag:$0x1] =	stream.indirect.gather [hbm4b:s4+s15], $0x80, s22, s15, $0xb8;
	[tilespmem:$0x1D000] =	vst v63  }
0x68: {  	p0 =	sne.s32 s21, $0x9C00;
	_ =	swait.ge [sflag:s16], $0x4000  }
.Ltmp2:
0x69: {  	[sflag:s16] =	ssyncset.done $0x0;
	(pc) =	sbr.rel @p0 .LBB2_6-.Ltmp2, $4  }
0x6a: {  	[sflag:s16] =	ssyncadd.s32 $0xFFFFC000  }
0x6b: {  	[spmem:s2] =	stream.indirect.scatter.add.f32 [tilespmem:s14], [sflag:$0x2], $0x80, s20, s15, $0xb8;
	[tilespmem:$0x1D000] =	vst v63  }
0x6c: {  	_ =	swait.ge [sflag:s13], $0x4000  }
0x6d: {  	s21 =	smov.u32 s24;
	s20 =	sshra.s32 s23, $0x2;
	[sflag:s13] =	ssyncset.done $0x0  }
0x6e: {  	s21 =	sadd.s32 $0x2800, s20;
	[sflag:s13] =	ssyncadd.s32 $0xFFFFC000  }
0x6f: {  	[tilespmem:s14], [sflag:$0x1] =	stream.indirect.gather [hbm4b:s4+s15], $0x80, s21, s15, $0xb8;
	[tilespmem:$0x1D000] =	vst v63  }
0x70: {  	_ =	swait.ge [sflag:s16], $0x4000  }
0x71: {  	[sflag:s16] =	ssyncset.done $0x0  }
0x72: {  	[sflag:s16] =	ssyncadd.s32 $0xFFFFC000  }
0x73: {  	[spmem:s2] =	stream.indirect.scatter.add.f32 [tilespmem:s14], [sflag:$0x2], $0x80, s20, s15, $0xb8;
	[tilespmem:$0x1D000] =	vst v63  }
0x74: {  	_ =	swait.ge [sflag:s13], $0x4000  }
0x75: {  	s19 =	sadd.s32 $0x1, s19;
	[sflag:s13] =	ssyncset.done $0x0  }
0x76: {  	p0 =	sne.s32 s19, s12;
	[sflag:s13] =	ssyncadd.s32 $0xFFFFC000  }
.Ltmp3:
0x77: {  	[bflag:$0x0] =	sbarrier.arrive $0xFFFF;
	(pc) =	sbr.rel @p0 .LBB2_1-.Ltmp3, $4  }
0x78: {  	[hbm:s11], [sflag:s17] =	dma.local [spmem:s18], $0x2800  }
0x79: {  	_ =	swait.ge [sflag:s13], $0x2800  }
0x7a: {  	[sflag:s13] =	ssyncset.done $0x0  }
0x7b: {  	[sflag:s13] =	ssyncadd.s32 $0xFFFFD800  }
0x7c: {  	_ =	sfence.sel $0x180000  }
0x7d: {  	[bflag:$0x0] =	sbarrier.arrive $0xFFFF  }
0x7e: {  	p0 =	sne.s32 s0, $0x0;
	_ =	strace $0x9000004D  }
0x7f: {  	s0 =	sadd.s32 @!p0 $0x100000, s1;
	[bflag:$0x2] =	sbarrier.arrive $0xFFFF  }
0x80: {  	[sflag:s0] =	ssyncadd.tile.s32 @!p0 $0x1;
	_ =	shalt  }
.Lfunc_end2:
_tile_overlayer_lowered:
.L_overlay_start_2:
0x81: {  	(tag) =	ssettag $0x2  }
0x82: {  	s0 =	rddreg [dreg:$0x0];
	s2 =	stileid.u32  }
0x83: {  	s1 =	rddreg [dreg:$0x1];
	p0 =	sne.s32 s2, $0x0  }
0x84: {  	s3 =	rddreg [dreg:$0x2];
	[bflag:$0x3] =	sbarrier.arrive $0xFFFF;
	s2 =	simm.s32 @!p0 $0x1C02  }
0x85: {  	[timem:s3], [sflag:s2] =	dma.local @!p0 [hbm:s0], s1  }
0x86: {  	s0 =	simm.s32 @!p0 $0x2  }
0x87: {  	_ =	swait.ge @!p0 [sflag:s0], s1  }
0x88: {  	s1 =	ssub.s32 @!p0 $0x0, s1;
	[sflag:s0] =	ssyncset.done @!p0 $0x0  }
0x89: {  	[sflag:s0] =	ssyncadd.s32 @!p0 s1  }
0x8a: {  	[bflag:$0x3] =	sbarrier.arrive $0xFFFF  }
0x8b: {  	_ =	shalt  }

// kernel: kernel.8.cloned.1.call-start
scs
__scs_entry_jumppad:
0x0: {  	(pc) =	sbr.rel $0x88, $3  }
0x1: {  	(tag) =	ssettag $0x0;
	lr =	simm.s32 $0x1  }
0x2: {  	[smem:$0x3F92] =	sst lr;
	_ =	strace $0xD0000000  }
0x3: {  	_ = 	snop  }
0x4: {  	_ = 	snop  }
0x5: {  	_ = 	snop  }
0x6: {  	_ = 	snop  }
0x7: {  	_ = 	snop  }
__scs_overlays_trampoline_lowered:
0x8: {  	[smem:$0x3FA1] =	sst s0  }
0x9: {  	[smem:$0x3FA2] =	sst s1  }
0xa: {  	[smem:$0x3FA3] =	sst s2  }
0xb: {  	[smem:$0x3FA4] =	sst s3  }
0xc: {  	[smem:$0x3FA5] =	sst s4  }
0xd: {  	[smem:$0x3FA6] =	sst s5  }
0xe: {  	[smem:$0x3FA7] =	sst s6  }
0xf: {  	[smem:$0x3FA8] =	sst s7  }
0x10: {  	[smem:$0x3FA9] =	sst s8  }
0x11: {  	[smem:$0x3FAA] =	sst s9;
	s0 =	simm.s32 @!p0 $0x0  }
0x12: {  	s1 =	sld [smem:$0x3F90];
	s0 =	simm.s32 @p0 $0x1  }
0x13: {  	[smem:$0x3FAB] =	sst s0;
	s0 =	simm.s32 @!p1 $0x0  }
0x14: {  	s2 =	sld [smem:$0x3F8F];
	s0 =	simm.s32 @p1 $0x1  }
0x15: {  	[smem:$0x3FAC] =	sst s0;
	s0 =	simm.s32 @!p2 $0x0  }
0x16: {  	s3 =	sld [smem:$0x3FDB];
	s0 =	simm.s32 @p2 $0x1  }
0x17: {  	s4 =	simm.s32 $0x1BF5;
	[smem:$0x3FAE] =	sst s0  }
0x18: {  	s0 =	sld [smem:$0x3F91];
	_ =	swait.ge [sflag:s4], $0x0  }
0x19: {  	s7 =	sld [smem:$0x3F92]  }
0x1a: {  	s8 =	sadd.s32 $0xFFFFE003, lr  }
0x1b: {  	s9 =	sadd.s32 $0xFFFFFEF7, lr;
	s5 =	simm.s32 $0xFFFFFFFF;
	p2 =	slt.u32 s8, $0xFFFFF086  }
0x1c: {  	p1 =	slt.u32 s9, $0xF7A;
	s5 =	simm.s32 @!p2 $0x0  }
0x1d: {  	s5 =	simm.s32 @p1 $0x1;
	p0 =	seq.s32 s7, s2  }
0x1e: {  	s7 =	smul.u32 @!p0 $0xF7A, s2;
	p2 =	seq.s32 @!p0 s5, $0x0  }
0x1f: {  	s9 =	smul.u32 $0xF7A, s1;
	s8 =	simm.s32 @!p0 $0x1BF5;
	p2 =	por !p2, p0  }
0x20: {  	[sflag:s8] =	ssyncset.s32 @!p0 $0xFFFFF086;
	s6 =	sadd.s32 @!p0 s3, s7;
	s7 =	simm.s32 @!p0 $0x108  }
0x21: {  	s3 =	sadd.s32 s3, s9;
	s6 =	sadd.s32 @!p0 $0x88, s6;
	s7 =	simm.s32 @p2 $0x1082  }
0x22: {  	[simem:s7], [sflag:s8] =	dma.local @!p0 [hbm:s6], $0xF7A  }
0x23: {  	s9 =	sor.u32 $0xD0000000, s2;
	s6 =	simm.s32 $0x108;
	_ =	swait.ge @!p0 [sflag:s8], $0x0  }
0x24: {  	s3 =	sadd.s32 $0x88, s3;
	s6 =	simm.s32 @!p1 $0x1082;
	[sflag:s4] =	ssyncset.s32 $0xFFFFF086  }
0x25: {  	[simem:s6], [sflag:s4] =	dma.local [hbm:s3], $0xF7A  }
0x26: {  	[smem:$0x3F92] =	sst s1;
	(tag) =	ssettag s2;
	_ =	strace s9  }
0x27: {  	s1 =	sld [smem:$0x3FA2]  }
0x28: {  	s2 =	sld [smem:$0x3FA3]  }
0x29: {  	s4 =	sld [smem:$0x3FA5]  }
0x2a: {  	p0 =	seq.s32 s5, $0x0;
	s5 =	sld [smem:$0x3FA6]  }
0x2b: {  	s6 =	sld [smem:$0x3FA7]  }
0x2c: {  	s7 =	sld [smem:$0x3FA8]  }
0x2d: {  	s3 =	simm.s32 $0x108;
	s8 =	sld [smem:$0x3FA9]  }
0x2e: {  	s3 =	simm.s32 @!p0 $0x1082;
	s9 =	sld [smem:$0x3FAA]  }
0x2f: {  	lr =	sadd.s32 s0, s3;
	s0 =	sld [smem:$0x3FA1]  }
0x30: {  	s3 =	sld [smem:$0x3FA4]  }
0x31: {  	[smem:$0x3FAD] =	sst s10  }
0x32: {  	s10 =	sld [smem:$0x3FAB];
	_ =	sdelay $0x3  }
0x33: {  	p0 =	seq.s32 s10, $0x1;
	s10 =	sld [smem:$0x3FAD];
	_ =	sdelay $0x3  }
0x34: {  	[smem:$0x3FAD] =	sst s10  }
0x35: {  	s10 =	sld [smem:$0x3FAC];
	_ =	sdelay $0x3  }
0x36: {  	p1 =	seq.s32 s10, $0x1;
	s10 =	sld [smem:$0x3FAD];
	_ =	sdelay $0x3  }
0x37: {  	[smem:$0x3FAD] =	sst s10  }
0x38: {  	s10 =	sld [smem:$0x3FAE]  }
0x39: {  	_ = 	snop;
	(pc) =	sbr.ind lr, $3  }
0x3a: {  	_ = 	snop  }
0x3b: {  	_ = 	snop  }
0x3c: {  	p2 =	seq.s32 s10, $0x1;
	s10 =	sld [smem:$0x3FAD]  }
0x3d: {  	_ =	shalt  }
0x3e: {  	_ =	shalt  }
0x3f: {  	_ =	shalt  }
0x40: {  	_ =	shalt  }
0x41: {  	_ =	shalt  }
0x42: {  	_ =	shalt  }
0x43: {  	_ =	shalt  }
0x44: {  	_ =	shalt  }
0x45: {  	_ =	shalt  }
0x46: {  	_ =	shalt  }
0x47: {  	_ =	shalt  }
0x48: {  	_ =	shalt  }
0x49: {  	_ =	shalt  }
0x4a: {  	_ =	shalt  }
0x4b: {  	_ =	shalt  }
0x4c: {  	_ =	shalt  }
0x4d: {  	_ =	shalt  }
0x4e: {  	_ =	shalt  }
0x4f: {  	_ =	shalt  }
0x50: {  	_ =	shalt  }
0x51: {  	_ =	shalt  }
0x52: {  	_ =	shalt  }
0x53: {  	_ =	shalt  }
0x54: {  	_ =	shalt  }
0x55: {  	_ =	shalt  }
0x56: {  	_ =	shalt  }
0x57: {  	_ =	shalt  }
0x58: {  	_ =	shalt  }
0x59: {  	_ =	shalt  }
0x5a: {  	_ =	shalt  }
0x5b: {  	_ =	shalt  }
0x5c: {  	_ =	shalt  }
0x5d: {  	_ =	shalt  }
0x5e: {  	_ =	shalt  }
0x5f: {  	_ =	shalt  }
0x60: {  	_ =	shalt  }
0x61: {  	_ =	shalt  }
0x62: {  	_ =	shalt  }
0x63: {  	_ =	shalt  }
0x64: {  	_ =	shalt  }
0x65: {  	_ =	shalt  }
0x66: {  	_ =	shalt  }
0x67: {  	_ =	shalt  }
0x68: {  	_ =	shalt  }
0x69: {  	_ =	shalt  }
0x6a: {  	_ =	shalt  }
0x6b: {  	_ =	shalt  }
0x6c: {  	_ =	shalt  }
0x6d: {  	_ =	shalt  }
0x6e: {  	_ =	shalt  }
0x6f: {  	_ =	shalt  }
0x70: {  	_ =	shalt  }
0x71: {  	_ =	shalt  }
0x72: {  	_ =	shalt  }
0x73: {  	_ =	shalt  }
0x74: {  	_ =	shalt  }
0x75: {  	_ =	shalt  }
0x76: {  	_ =	shalt  }
0x77: {  	_ =	shalt  }
0x78: {  	_ =	shalt  }
0x79: {  	_ =	shalt  }
0x7a: {  	_ =	shalt  }
0x7b: {  	_ =	shalt  }
0x7c: {  	_ =	shalt  }
0x7d: {  	_ =	shalt  }
0x7e: {  	_ =	shalt  }
0x7f: {  	_ =	shalt  }
0x80: {  	_ =	shalt  }
0x81: {  	_ =	shalt  }
0x82: {  	_ =	shalt  }
0x83: {  	_ =	shalt  }
0x84: {  	_ =	shalt  }
0x85: {  	_ =	shalt  }
0x86: {  	_ =	shalt  }
0x87: {  	_ =	shalt  }
.Lfunc_end0:
.L_simem_size_0:
called_computation_lowered:
.L_overlay_start_0:
0x88: {  	s2 =	sld [smem:$0x3FD9]  }
0x89: {  	s3 =	sld [smem:$0x3FFE];
	_ =	sdelay $0x1  }
0x8a: {  	s1 =	srdreg.scid  }
0x8b: {  	s0 =	sand.u32 $0x1, s1  }
0x8c: {  	s16 =	sshll.u32 s0, $0xA;
	s2 =	sadd.s32 s3, s2  }
0x8d: {  	s2 =	sadd.s32 s2, s16  }
0x8e: {  	[smem:$0x3FB9] =	sst s2  }
0x8f: {  	_ = 	snop  }
0x90: {  	(tm) =	ssettm $0x1  }
0x91: {  	s17 =	sld [smem:$0x3FFB];
	_ =	sdelay $0x3  }
0x92: {  	_ =	strace s17  }
0x93: {  	s2 =	sld [smem:$0x3FFC];
	_ =	sdelay $0x3  }
0x94: {  	_ =	strace s2  }
0x95: {  	s2 =	sld [smem:$0x3FFD];
	_ =	sdelay $0x3  }
0x96: {  	_ =	strace s2  }
0x97: {  	_ =	strace $0x8FFFFFFF  }
0x98: {  	s18 =	sld [smem:$0x3FDB];
	_ =	sdelay $0x1  }
0x99: {  	s19 =	simm.s32 $_scs_section_size  }
0x9a: {  	s4 =	simm.s32 $_size__tile_overlayer_lowered;
	s5 =	simm.s32 $_tile_overlayer_lowered  }
0x9b: {  	s22 =	simm.s32 $0x1BFF;
	s21 =	sshll.u32 s5, $0x1;
	s2 =	sadd.s32 s19, s18  }
0x9c: {  	s6 =	simm.s32 $0x0;
	s20 =	sshll.u32 s4, $0x1;
	s4 =	sadd.s32 s21, s2  }
0x9d: {  	[timem:s6], [sflag:s22] =	dma.local [hbm:s4], s20  }
0x9e: {  	_ =	swait.ge [sflag:s22], s20  }
0x9f: {  	s3 =	ssub.s32 $0x0, s20;
	[sflag:s22] =	ssyncset.done $0x0  }
0xa0: {  	[sflag:s22] =	ssyncadd.s32 s3;
	_ =	sdelay $0x1  }
0xa1: {  	s23 =	simm.s32 $0x1B8B  }
0xa2: {  	_ =	swait.ge [sflag:s23], $0x1  }
0xa3: {  	[sflag:s23] =	ssyncset.done $0x0  }
0xa4: {  	s25 =	simm.s32 $0x1B8E;
	s24 =	sld [smem:$0x3FFE];
	[sflag:s23] =	ssyncadd.s32 $0xFFFFFFFF  }
0xa5: {  	s26 =	simm.s32 $execute0_lowered;
	[smem:$0x3FD2] =	sst s25  }
0xa6: {  	s4 =	sshll.u32 s26, $0x1;
	_ =	strace $0x80000046;
	[dreg:$0x1] =	wrdreg $0xFFFFFFFF  }
0xa7: {  	s28 =	simm.s32 $_size_execute0_lowered;
	s2 =	sadd.s32 s2, s4;
	[dreg:$0x0] =	wrdreg $0x0  }
0xa8: {  	s4 =	sshll.u32 s28, $0x1;
	[dreg:$0x2] =	wrdreg s2  }
0xa9: {  	[dreg:$0x3] =	wrdreg s4  }
0xaa: {  	[dreg:$0x4] =	wrdreg $0xC0  }
0xab: {  	_ =	task [dreg:s6], $0x5FFFF  }
0xac: {  	[dreg:$0x1] =	wrdreg $0xFFFFFFFF  }
0xad: {  	[dreg:$0x0] =	wrdreg $0x60  }
0xae: {  	[dreg:$0x2] =	wrdreg s24  }
0xaf: {  	[dreg:$0x3] =	wrdreg $0x2B000  }
0xb0: {  	[dreg:$0x4] =	wrdreg $0x9  }
0xb1: {  	_ =	task.clear_ibuf [dreg:s6], $0x5FFFF;
	_ =	strace $0x90000046  }
0xb2: {  	s29 =	simm.s32 $0x9;
	_ =	strace $0x80000048  }
0xb3: {  	_ =	swait.ge [sflag:s29], $0x1  }
0xb4: {  	[sflag:s29] =	ssyncadd.s32 $0xFFFFFFFF  }
0xb5: {  	_ =	strace $0x90000048  }
0xb6: {  	_ =	sfence  }
0xb7: {  	s30 =	sld [smem:$0x0];
	_ =	sdelay $0x2  }
0xb8: {  	s31 =	sshll.u32 s1, $0xD;
	s1 =	sshrl.u32 s1, $0x2  }
0xb9: {  	s3 =	sand.u32 $0x4000, s31;
	s1 =	sadd.s32 s1, s30  }
0xba: {  	s0 =	sor.u32 s3, s0;
	s1 =	sshll.u32 s1, $0x11  }
0xbb: {  	s0 =	sor.u32 s1, s0  }
0xbc: {  	s0 =	sadd.s32 $0x8F2B, s0  }
0xbd: {  	[sflag:s0] =	ssyncadd.remote.s32 $0x1  }
0xbe: {  	_ =	sfence.sel $0xFFFF  }
0xbf: {  	[dreg:$0x0] =	wrdreg $0xFFFFFFFF;
	(pc) =	sbr.abs _section_cstart, $3  }
0xc0: {  	[dreg:$0x1] =	wrdreg $0xFFFFFFFF  }
0xc1: {  	_ =	task.clear_ibuf [dreg:s6], $0x2FFFF;
	_ =	strace $0x9FFFFFFF  }
0xc2: {  	(tm) =	ssettm $0x7FFFFFFF  }
0xc3: {  	_ =	shalt  }
tec
execute0_lowered:
.L_overlay_start_1:
0x0: {  	(tag) =	ssettag $0x1  }
0x1: {  	s4 =	rddreg [dreg:$0x0];
	s0 =	srdreg.scid  }
0x2: {  	s2 =	rddreg [dreg:$0x1];
	s1 =	stileid.u32  }
0x3: {  	s3 =	simm.s32 $0x0;
	s10 =	simm.s32 $0x80;
	s11 =	simm.s32 $0x2800  }
0x4: {  	s14 =	simm.s32 $0x20;
	s15 =	simm.s32 $0x10;
	s16 =	simm.s32 $0x0  }
0x5: {  	s5 =	sand.u32 $0x1, s0;
	s0 =	rddreg [dreg:$0x2];
	s7 =	smul.u32 $0x500, s1  }
0x6: {  	[smem:$0x7FF] =	sst s3;
	s30 =	smul.u32 $0xA00, s1;
	s12 =	sshll.u32 s1, $0x6  }
0x7: {  	s6 =	sshll.u32 s5, $0x4;
	s8 =	sshll.u32 s5, $0x7;
	_ =	strace $0x80000047  }
0x8: {  	s5 =	ssub.s32 $0x2, s5;
	s12 =	sor.u32 $0x1C01, s12;
	s6 =	sor.u32 s1, s6  }
0x9: {  	s7 =	sor.u32 s8, s7;
	s31 =	sshrl.u32 s5, $0x1;
	s6 =	smul.u32 $0x500, s6  }
0xa: {  	s8 =	sshrl.u32 s30, $0x2;
	s7 =	sshrl.u32 s7, $0x3;
	s9 =	ssub.s32 s5, s31  }
0xb: {  	s5 =	sadd.s32 s8, s2;
	s8 =	simm.s32 $0x1;
	s6 =	sadd.s32 s6, s4  }
0xc: {  	s7 =	sadd.s32 s7, s4;
	s13 =	sshrl.u32 s5, $0x3;
	s4 =	sadd.s32 $0x3400, s6  }
0xd: {  	v0 =	vimm.f32 $1.000000000e+00;
	v1 =	vimm.f32 $0.0e+00;
	s6 =	sadd.s32 $0xD400, s7;
	s7 =	smax.u32 s9, $0x1;
	s9 =	simm.s32 $0x2880  }
.LBB2_1:
0xe: {  	[tilespmem:s3], [sflag:$0x1] =	stream.linear.gather [hbm4b:s4+s3], $0x2780, $0x38;
	[tilespmem:$0x2D80] =	vst v63  }
0xf: {  	_ =	swait.ge [sflag:s8], $0x2780  }
0x10: {  	[sflag:s8] =	ssyncset.done $0x0  }
0x11: {  	[sflag:s8] =	ssyncadd.s32 $0xFFFFD880  }
0x12: {  	[tilespmem:$0x2800] =	vst v0  }
0x13: {  	[tilespmem:$0x2810] =	vst v0  }
0x14: {  	[tilespmem:$0x2820] =	vst v0  }
0x15: {  	[tilespmem:$0x2830] =	vst v0  }
0x16: {  	[tilespmem:$0x2840] =	vst v0  }
0x17: {  	[tilespmem:$0x2850] =	vst v0  }
0x18: {  	[tilespmem:$0x2860] =	vst v0  }
0x19: {  	[tilespmem:$0x2870] =	vst v0  }
0x1a: {  	[tilespmem:$0x2880] =	vst v1  }
0x1b: {  	[tilespmem:$0x2890] =	vst v1  }
0x1c: {  	[tilespmem:$0x28A0] =	vst v1  }
0x1d: {  	[tilespmem:$0x28B0] =	vst v1  }
0x1e: {  	[tilespmem:$0x28C0] =	vst v1  }
0x1f: {  	[tilespmem:$0x28D0] =	vst v1  }
0x20: {  	[tilespmem:$0x28E0] =	vst v1  }
0x21: {  	[tilespmem:$0x28F0] =	vst v1  }
0x22: {  	[tilespmem:$0x2900] =	vst v1  }
0x23: {  	[tilespmem:$0x2910] =	vst v1  }
0x24: {  	[tilespmem:$0x2920] =	vst v1  }
0x25: {  	[tilespmem:$0x2930] =	vst v1  }
0x26: {  	[tilespmem:$0x2940] =	vst v1  }
0x27: {  	[tilespmem:$0x2950] =	vst v1  }
0x28: {  	[tilespmem:$0x2960] =	vst v1  }
0x29: {  	[tilespmem:$0x2970] =	vst v1  }
0x2a: {  	[tilespmem:$0x2980] =	vst v1  }
0x2b: {  	[tilespmem:$0x2990] =	vst v1  }
0x2c: {  	[tilespmem:$0x29A0] =	vst v1  }
0x2d: {  	[tilespmem:$0x29B0] =	vst v1  }
0x2e: {  	[tilespmem:$0x29C0] =	vst v1  }
0x2f: {  	[tilespmem:$0x29D0] =	vst v1  }
0x30: {  	[tilespmem:$0x29E0] =	vst v1  }
0x31: {  	[tilespmem:$0x29F0] =	vst v1  }
0x32: {  	[tilespmem:$0x2A00] =	vst v1  }
0x33: {  	[tilespmem:$0x2A10] =	vst v1  }
0x34: {  	[tilespmem:$0x2A20] =	vst v1  }
0x35: {  	[tilespmem:$0x2A30] =	vst v1  }
0x36: {  	[tilespmem:$0x2A40] =	vst v1  }
0x37: {  	[tilespmem:$0x2A50] =	vst v1  }
0x38: {  	[tilespmem:$0x2A60] =	vst v1  }
0x39: {  	[tilespmem:$0x2A70] =	vst v1  }
0x3a: {  	[tilespmem:$0x2A80] =	vst v1  }
0x3b: {  	[tilespmem:$0x2A90] =	vst v1  }
0x3c: {  	[tilespmem:$0x2AA0] =	vst v1  }
0x3d: {  	[tilespmem:$0x2AB0] =	vst v1  }
0x3e: {  	[tilespmem:$0x2AC0] =	vst v1  }
0x3f: {  	[tilespmem:$0x2AD0] =	vst v1  }
0x40: {  	[tilespmem:$0x2AE0] =	vst v1  }
0x41: {  	[tilespmem:$0x2AF0] =	vst v1  }
0x42: {  	[spmem:s5] =	stream.linear.scatter [tilespmem:s9], [sflag:$0x1], $0x280, $0x38;
	[tilespmem:$0x2D80] =	vst v63  }
0x43: {  	_ =	swait.ge [sflag:s8], $0x280  }
0x44: {  	[sflag:s8] =	ssyncset.done $0x0  }
0x45: {  	s17 =	simm.s32 $0x0;
	[sflag:s8] =	ssyncadd.s32 $0xFFFFFD80  }
0x46: {  	v4 =	vld [tilespmem:s17+$0x0]  }
0x47: {  	v6 =	vld [tilespmem:s17+$0x10]  }
0x48: {  	v5 =	vld [tilespmem:s17+$0x20]  }
0x49: {  	v3 =	vld [tilespmem:s17+$0x30]  }
0x4a: {  	v2 =	vld [tilespmem:s17+$0x40]  }
0x4b: {  	v7 =	vand.u32 $0x3FFF, v4;
	v4 =	vld [tilespmem:s17+$0x50]  }
0x4c: {  	s18 =	simm.s32 $0x200;
	[tilespmem:s17+$0x0] =	vst v7;
	v7 =	vand.u32 $0x3FFF, v6;
	v6 =	vld [tilespmem:s17+$0x60]  }
.LBB2_2:
0x4d: {  	s19 =	sshra.s32 s18, $0x2;
	p0 =	sne.s32 s18, $0x9C00;
	[tilespmem:s17+$0x10] =	vst v7;
	v5 =	vand.u32 $0x3FFF, v5;
	v7 =	vld [tilespmem:s17+$0x70]  }
0x4e: {  	v8 =	vld [tilespmem:s19+$0x0];
	[tilespmem:s17+$0x20] =	vst v5;
	v3 =	vand.u32 $0x3FFF, v3  }
0x4f: {  	v9 =	vld [tilespmem:s19+$0x10];
	[tilespmem:s17+$0x30] =	vst v3;
	v2 =	vand.u32 $0x3FFF, v2  }
.Ltmp0:
0x50: {  	v5 =	vld [tilespmem:s19+$0x20];
	[tilespmem:s17+$0x40] =	vst v2;
	v2 =	vand.u32 $0x3FFF, v4;
	(pc) =	sbr.rel @p0 .LBB2_2-.Ltmp0, $4  }
0x51: {  	v3 =	vld [tilespmem:s19+$0x30];
	[tilespmem:s17+$0x50] =	vst v2;
	v4 =	vand.u32 $0x3FFF, v6  }
0x52: {  	v2 =	vld [tilespmem:s19+$0x40];
	[tilespmem:s17+$0x60] =	vst v4;
	v6 =	vand.u32 $0x3FFF, v7  }
0x53: {  	v7 =	vand.u32 $0x3FFF, v8;
	v4 =	vld [tilespmem:s19+$0x50];
	[tilespmem:s17+$0x70] =	vst v6;
	s17 =	smov.u32 s19  }
0x54: {  	s18 =	sadd.s32 $0x200, s18;
	[tilespmem:s17+$0x0] =	vst v7;
	v7 =	vand.u32 $0x3FFF, v9;
	v6 =	vld [tilespmem:s17+$0x60]  }
0x55: {  	[tilespmem:s17+$0x10] =	vst v7;
	v5 =	vand.u32 $0x3FFF, v5;
	v63 =	vld [tilespmem:s17+$0x70]  }
0x56: {  	[tilespmem:s17+$0x20] =	vst v5;
	v3 =	vand.u32 $0x3FFF, v3  }
0x57: {  	[tilespmem:s17+$0x30] =	vst v3;
	v2 =	vand.u32 $0x3FFF, v2  }
0x58: {  	[tilespmem:s17+$0x40] =	vst v2;
	v2 =	vand.u32 $0x3FFF, v4  }
0x59: {  	[tilespmem:s17+$0x50] =	vst v2;
	v2 =	vand.u32 $0x3FFF, v6  }
0x5a: {  	[tilespmem:s17+$0x60] =	vst v2;
	v2 =	vand.u32 $0x3FFF, v63  }
0x5b: {  	[tilespmem:s17+$0x70] =	vst v2  }
0x5c: {  	s31 =	simm.s32 $0x0;
	[bflag:$0x0] =	sbarrier.arrive $0xFFFF  }
0x5d: {  	[spmem:s2] =	stream.indirect.scatter.add.f32 [tilespmem:s11], [sflag:$0x1], $0x1, s31, s10, $0xb8;
	[tilespmem:$0x2D80] =	vst v63  }
0x5e: {  	_ =	swait.ge [sflag:s8], $0x80  }
0x5f: {  	s17 =	simm.s32 $0x200;
	[sflag:s8] =	ssyncset.done $0x0  }
.LBB2_4:
0x60: {  	s18 =	sshra.s32 s17, $0x2;
	[sflag:s8] =	ssyncadd.s32 $0xFFFFFF80;
	p0 =	sne.s32 s17, $0x9C00  }
0x61: {  	[spmem:s2] =	stream.indirect.scatter.add.f32 [tilespmem:s11], [sflag:$0x1], $0x1, s18, s10, $0xb8;
	[tilespmem:$0x2D80] =	vst v63  }
.Ltmp1:
0x62: {  	_ = 	snop;
	(pc) =	sbr.rel @p0 .LBB2_4-.Ltmp1, $4  }
0x63: {  	_ = 	snop  }
0x64: {  	s17 =	sadd.s32 $0x200, s17  }
0x65: {  	_ =	swait.ge [sflag:s8], $0x80  }
0x66: {  	[sflag:s8] =	ssyncset.done $0x0  }
0x67: {  	s16 =	sadd.s32 $0x1, s16  }
0x68: {  	[sflag:s8] =	ssyncadd.s32 $0xFFFFFF80;
	p0 =	sne.s32 s16, s7  }
.Ltmp2:
0x69: {  	[bflag:$0x0] =	sbarrier.arrive $0xFFFF;
	(pc) =	sbr.rel @p0 .LBB2_1-.Ltmp2, $4  }
0x6a: {  	[hbm:s6@s14], [sflag:s12] =	dma.strided [spmem:s13@s15], $0x50, s8, $0x10   }
0x6b: {  	_ =	swait.ge [sflag:s8], $0x50  }
0x6c: {  	[sflag:s8] =	ssyncset.done $0x0  }
0x6d: {  	[sflag:s8] =	ssyncadd.s32 $0xFFFFFFB0  }
0x6e: {  	_ =	sfence.sel $0x180000  }
0x6f: {  	[bflag:$0x0] =	sbarrier.arrive $0xFFFF  }
0x70: {  	p0 =	sne.s32 s1, $0x0;
	_ =	strace $0x90000047  }
0x71: {  	s0 =	sadd.s32 @!p0 $0x100000, s0;
	[bflag:$0x2] =	sbarrier.arrive $0xFFFF  }
0x72: {  	[sflag:s0] =	ssyncadd.tile.s32 @!p0 $0x1;
	_ =	shalt  }
.Lfunc_end2:
_tile_overlayer_lowered:
.L_overlay_start_2:
0x73: {  	(tag) =	ssettag $0x2  }
0x74: {  	s0 =	rddreg [dreg:$0x0];
	s2 =	stileid.u32  }
0x75: {  	s1 =	rddreg [dreg:$0x1];
	p0 =	sne.s32 s2, $0x0  }
0x76: {  	s3 =	rddreg [dreg:$0x2];
	[bflag:$0x3] =	sbarrier.arrive $0xFFFF;
	s2 =	simm.s32 @!p0 $0x1C01  }
0x77: {  	[timem:s3], [sflag:s2] =	dma.local @!p0 [hbm:s0], s1  }
0x78: {  	s0 =	simm.s32 @!p0 $0x1  }
0x79: {  	_ =	swait.ge @!p0 [sflag:s0], s1  }
0x7a: {  	s1 =	ssub.s32 @!p0 $0x0, s1;
	[sflag:s0] =	ssyncset.done @!p0 $0x0  }
0x7b: {  	[sflag:s0] =	ssyncadd.s32 @!p0 s1  }
0x7c: {  	[bflag:$0x3] =	sbarrier.arrive $0xFFFF  }
0x7d: {  	_ =	shalt  }

</sc_bundles>
